<compile_context>
chip_gen: v7x
topology: tpu7x:2x2x1
jax: 0.10.2.dev20260603
libtpu: 0.0.44.dev20260713+nightly
codegen_flags: <defaults>
</compile_context>

<pallas_src>
import functools

import jax
import jax.numpy as jnp
import numpy as np
from jax.experimental import pallas as pl
from jax.experimental.pallas import tpu as pltpu

_GATHER_IDX = (3, 17, 42, 63, 77, 99, 110, 120)
_SIGNS = (-1.0, 1.0, -1.0, 1.0, -1.0, 1.0, -1.0, 1.0)
_D = 128
_K = 8

def _body(w_ref, x_ref, out_ref, delta_ref):
    x = x_ref[...]
    lane = jax.lax.broadcasted_iota(jnp.int32, (1, _D), 1)
    s_full = jnp.zeros((1, _D), jnp.float32)
    for c, s in zip(_GATHER_IDX, _SIGNS):
        s_full = jnp.where(lane == c, jnp.float32(s), s_full)
    mask = s_full * s_full
    e = jnp.exp(x * s_full)
    ssum = jax.lax.dot_general(e, mask.reshape(_D, 1), (((1,), (0,)), ((), ())),
                               preferred_element_type=jnp.float32)
    recip = w_ref[0, 0] / ssum
    bcast = jax.lax.dot_general(recip, s_full, (((1,), (0,)), ((), ())),
                                preferred_element_type=jnp.float32)
    scattered = e * bcast
    out_ref[...] = scattered
    col = jax.lax.broadcasted_iota(jnp.int32, (_D, _K), 0)
    gsel = jnp.zeros((_D, _K), jnp.float32)
    for j, c in enumerate(_GATHER_IDX):
        gsel = jnp.where((col == c) & (jax.lax.broadcasted_iota(
            jnp.int32, (_D, _K), 1) == j), 1.0, gsel)
    delta_ref[...] = jax.lax.dot_general(
        scattered, gsel, (((1,), (0,)), ((), ())),
        preferred_element_type=jnp.float32)


def _kernel_tc(ground_atoms, clause_weight):
    n, d = ground_atoms.shape
    rows = 16384
    grid = (n // rows,)
    w = jnp.reshape(clause_weight.astype(jnp.float32), (1, 1))
    scattered, delta = pl.pallas_call(
        _body,
        grid=grid,
        in_specs=[
            pl.BlockSpec(memory_space=pltpu.SMEM),
            pl.BlockSpec((rows, d), lambda i: (i, 0)),
        ],
        out_specs=[
            pl.BlockSpec((rows, d), lambda i: (i, 0)),
            pl.BlockSpec((rows, _K), lambda i: (i, 0)),
        ],
        out_shape=[
            jax.ShapeDtypeStruct((n, d), jnp.float32),
            jax.ShapeDtypeStruct((n, _K), jnp.float32),
        ],
    )(w, ground_atoms)
    return (scattered, delta)



from jax.experimental.pallas import tpu_sc as plsc

_NSC, _NSUB = 2, 16
_NW = _NSC * _NSUB


def _sc_compute(inbuf, outbuf, dbuf, wvec, iota, nrows):
    for g in range(nrows // 16):
        ridx = iota + g * 16
        es, cols = [], []
        for j, c in enumerate(_GATHER_IDX):
            col = jnp.full((16,), c, jnp.int32)
            x = plsc.load_gather(inbuf, [ridx, col])
            es.append(jnp.exp(x if _SIGNS[j] > 0 else -x))
            cols.append(col)
        ssum = es[0]
        for e in es[1:]:
            ssum = ssum + e
        r = wvec / ssum
        for j in range(_K):
            dj = es[j] * r
            if _SIGNS[j] < 0:
                dj = -dj
            plsc.store_scatter(outbuf, [ridx, cols[j]], dj)
            plsc.store_scatter(dbuf, [ridx, jnp.full((16,), j, jnp.int32)], dj)


def _make_sc_kernel(n_rows, chunk_rows):
    rpw = n_rows // _NW
    nchunk = rpw // chunk_rows
    assert nchunk % 2 == 0

    mesh = plsc.VectorSubcoreMesh(
        core_axis_name="c", subcore_axis_name="s",
        num_cores=_NSC, num_subcores=_NSUB)

    @functools.partial(
        pl.kernel,
        out_type=[
            jax.ShapeDtypeStruct((n_rows, _D), jnp.float32),
            jax.ShapeDtypeStruct((n_rows, _K), jnp.float32),
        ],
        mesh=mesh,
        compiler_params=pltpu.CompilerParams(needs_layout_passes=False),
        scratch_types=[
            pltpu.VMEM((chunk_rows, _D), jnp.float32),
            pltpu.VMEM((chunk_rows, _D), jnp.float32),
            pltpu.VMEM((chunk_rows, _D), jnp.float32),
            pltpu.VMEM((chunk_rows, _D), jnp.float32),
            pltpu.VMEM((chunk_rows, _K), jnp.float32),
            pltpu.VMEM((chunk_rows, _K), jnp.float32),
            pltpu.VMEM((16,), jnp.float32),
            pltpu.SemaphoreType.DMA, pltpu.SemaphoreType.DMA,
            pltpu.SemaphoreType.DMA, pltpu.SemaphoreType.DMA,
            pltpu.SemaphoreType.DMA, pltpu.SemaphoreType.DMA,
        ],
    )
    def sc_kernel(x_hbm, w_hbm, out_hbm, dlt_hbm,
                  in0, in1, out0, out1, d0, d1, wv,
                  si0, si1, so0, so1, sd0, sd1):
        wid = jax.lax.axis_index("s") * _NSC + jax.lax.axis_index("c")
        base = wid * rpw

        pltpu.sync_copy(w_hbm, wv)
        wvec = wv[...]
        iota = jax.lax.iota(jnp.int32, 16)
        zero16 = jnp.zeros((16,), jnp.float32)

        def zero_body(i, carry):
            for c8 in range(_D // 16):
                out0[i, pl.ds(c8 * 16, 16)] = zero16
                out1[i, pl.ds(c8 * 16, 16)] = zero16
            return carry
        jax.lax.fori_loop(0, chunk_rows, zero_body, 0)

        def start_in(k, buf, sem):
            pltpu.async_copy(
                x_hbm.at[pl.ds(base + k * chunk_rows, chunk_rows)], buf, sem)

        start_in(0, in0, si0)
        start_in(1, in1, si1)

        def half_step(k2, k, inb, outb, db, si, so, sd):
            pltpu.make_async_copy(
                x_hbm.at[pl.ds(base, chunk_rows)], inb, si).wait()

            @pl.when(k2 > 0)
            def _():
                pltpu.make_async_copy(
                    outb, out_hbm.at[pl.ds(base, chunk_rows)], so).wait()
                pltpu.make_async_copy(
                    db, dlt_hbm.at[pl.ds(base, chunk_rows)], sd).wait()

            _sc_compute(inb, outb, db, wvec, iota, chunk_rows)
            row0 = base + k * chunk_rows
            pltpu.async_copy(outb, out_hbm.at[pl.ds(row0, chunk_rows)], so)
            pltpu.async_copy(db, dlt_hbm.at[pl.ds(row0, chunk_rows)], sd)

            @pl.when(k2 < nchunk // 2 - 1)
            def _():
                start_in(k + 2, inb, si)

        def step(k2, carry):
            k = k2 * 2
            half_step(k2, k, in0, out0, d0, si0, so0, sd0)
            half_step(k2, k + 1, in1, out1, d1, si1, so1, sd1)
            return carry

        jax.lax.fori_loop(0, nchunk // 2, step, 0)

        pltpu.make_async_copy(
            out0, out_hbm.at[pl.ds(base, chunk_rows)], so0).wait()
        pltpu.make_async_copy(
            d0, dlt_hbm.at[pl.ds(base, chunk_rows)], sd0).wait()
        pltpu.make_async_copy(
            out1, out_hbm.at[pl.ds(base, chunk_rows)], so1).wait()
        pltpu.make_async_copy(
            d1, dlt_hbm.at[pl.ds(base, chunk_rows)], sd1).wait()

    return sc_kernel


def _kernel_sc(ground_atoms, clause_weight):
    n, d = ground_atoms.shape
    w = jnp.full((16,), clause_weight, jnp.float32)
    out, dlt = _make_sc_kernel(n, 128)(ground_atoms, w)
    return (out, dlt)


@functools.partial(jax.jit, static_argnames=())
def kernel(ground_atoms, clause_weight):
    return _kernel_sc(ground_atoms, clause_weight)

# --- scband reference (transcript-rebuilt; emitter-appended) ---
"""Pipeline reference for scband-clause-enhancer-73916387164214 (READ-ONLY COPY).

The authoritative reference and input builder live on the scoring server;
editing this copy changes nothing except your own understanding.
"""

import jax, jax.numpy as jnp
import numpy as np

# Parsed from clause_string '_:np3,p17,np42,p63,np77,p99,np110,p120' over predicates p0..p127
GATHER_IDX = jnp.array([3, 17, 42, 63, 77, 99, 110, 120], dtype=jnp.int32)
SIGNS = jnp.array([-1.0, 1.0, -1.0, 1.0, -1.0, 1.0, -1.0, 1.0], dtype=jnp.float32)


def setup_inputs(seed: int = 0) -> dict:
    key = jax.random.key(seed)
    k1, _ = jax.random.split(key)
    ground_atoms = jax.random.normal(k1, (262144, 128), dtype=jnp.float32)
    # Learnable clause weight (weight_string == '_', so it is a trainable scalar parameter)
    clause_weight = jnp.asarray(0.5, dtype=jnp.float32)
    return {"ground_atoms": ground_atoms, "clause_weight": clause_weight}


def reference(ground_atoms, clause_weight):
    # grounded_clause: gather the literal pre-activations and apply literal signs
    selected_predicates = jnp.take(ground_atoms, GATHER_IDX, axis=-1)
    clause_matrix = selected_predicates * SIGNS
    # delta over the selected literals
    delta = SIGNS * jax.nn.softmax(clause_matrix, axis=-1) * clause_weight
    # scatter-overwrite delta back into a zeros tensor of the full predicate space
    scattered_delta = jnp.zeros_like(ground_atoms).at[..., GATHER_IDX].set(delta)
    return (scattered_delta, delta)

if __name__ == "__main__":
    import jax
    _d = setup_inputs()
    print(jax.jit(kernel)(*tuple(_d.values())))

</pallas_src>

<mosaic_0001>
#map = affine_map<(d0, d1) -> (0, 0)>
#map1 = affine_map<(d0, d1) -> (0)>
module attributes {stable_mosaic.version = 14 : i64} {
  func.func @sc_kernel(%arg0: i32, %arg1: i32, %arg2: memref<262144x128xf32, #tpu.memory_space<hbm>>, %arg3: memref<16xf32, #tpu.memory_space<hbm>>, %arg4: memref<262144x128xf32, #tpu.memory_space<hbm>>, %arg5: memref<262144x8xf32, #tpu.memory_space<hbm>>, %arg6: memref<128x128xf32, #tpu.memory_space<vmem>>, %arg7: memref<128x128xf32, #tpu.memory_space<vmem>>, %arg8: memref<128x128xf32, #tpu.memory_space<vmem>>, %arg9: memref<128x128xf32, #tpu.memory_space<vmem>>, %arg10: memref<128x8xf32, #tpu.memory_space<vmem>>, %arg11: memref<128x8xf32, #tpu.memory_space<vmem>>, %arg12: memref<16xf32, #tpu.memory_space<vmem>>, %arg13: memref<!tpu.dma_semaphore, #tpu.memory_space<semaphore_mem>>, %arg14: memref<!tpu.dma_semaphore, #tpu.memory_space<semaphore_mem>>, %arg15: memref<!tpu.dma_semaphore, #tpu.memory_space<semaphore_mem>>, %arg16: memref<!tpu.dma_semaphore, #tpu.memory_space<semaphore_mem>>, %arg17: memref<!tpu.dma_semaphore, #tpu.memory_space<semaphore_mem>>, %arg18: memref<!tpu.dma_semaphore, #tpu.memory_space<semaphore_mem>>) attributes {dimension_semantics = [#tpu.dimension_semantics<core_parallel>, #tpu.dimension_semantics<subcore_parallel>], iteration_bounds = array<i64: 2, 16>, scalar_prefetch = 0 : i64, scratch_operands = 13 : i64, tpu.core_type = #tpu.core_type<sc_vector_subcore>, window_params = [{transform_indices = #map}, {transform_indices = #map1}, {transform_indices = #map}, {transform_indices = #map}]} {
    %mul3A = arith.constant 2 : i32
    %mul3A_0 = arith.muli %arg1, %mul3A : i32
    %add3A = arith.addi %mul3A_0, %arg0 : i32
    %mul3A_1 = arith.constant 8192 : i32
    %mul3A_2 = arith.muli %add3A, %mul3A_1 : i32
    "tpu.region"() ({
      %run_scoped3A = tpu.sem_alloc : memref<!tpu.dma_semaphore, #tpu.memory_space<semaphore_mem>>
      tpu.enqueue_dma source(%arg3 : memref<16xf32, #tpu.memory_space<hbm>>) target(%arg12 : memref<16xf32, #tpu.memory_space<vmem>>) target_semaphore(%run_scoped3A : memref<!tpu.dma_semaphore, #tpu.memory_space<semaphore_mem>>)
      tpu.wait_dma2 semaphore(%run_scoped3A : memref<!tpu.dma_semaphore, #tpu.memory_space<semaphore_mem>>) src(%arg3 : memref<16xf32, #tpu.memory_space<hbm>>) dst(%arg12 : memref<16xf32, #tpu.memory_space<vmem>>)
      tpu.yield
    }) : () -> ()
    %get3A = arith.constant 0 : index
    %get3A_3 = tpu.vector_load %arg12[%get3A] {strides = array<i32>} : memref<16xf32, #tpu.memory_space<vmem>>, vector<16xf32>,
    %iota3A = tpu.iota {dimensions = array<i32: 0>} : vector<16xi32>
    %broadcast_in_dim3A = arith.constant 0.000000e+00 : f32
    %broadcast_in_dim3A_4 = vector.broadcast %broadcast_in_dim3A : f32 to vector<16xf32>
    %scan3A = arith.constant 0 : i32
    %scan3A_5 = arith.constant 0 : i32
    %scan3A_6 = arith.constant 128 : i32
    %scan3A_7 = arith.addi %scan3A_5, %scan3A_6 : i32
    %scan3A_8 = arith.constant 1 : i32
    scf.for %scan3A_42 = %scan3A_5 to %scan3A_7 step %scan3A_8  : i32 {
      %swap3A = arith.index_cast %scan3A_42 : i32 to index
      %swap3A_43 = arith.constant 0 : index
      %swap3A_44 = tpu.vector_load %arg8[%swap3A, %swap3A_43] {strides = array<i32>} : memref<128x128xf32, #tpu.memory_space<vmem>>, vector<16xf32>,
      tpu.vector_store %arg8[%swap3A, %swap3A_43], %broadcast_in_dim3A_4 {strides = array<i32>} : memref<128x128xf32, #tpu.memory_space<vmem>>, vector<16xf32>,
      %swap3A_45 = arith.index_cast %scan3A_42 : i32 to index
      %swap3A_46 = arith.constant 0 : index
      %swap3A_47 = tpu.vector_load %arg9[%swap3A_45, %swap3A_46] {strides = array<i32>} : memref<128x128xf32, #tpu.memory_space<vmem>>, vector<16xf32>,
      tpu.vector_store %arg9[%swap3A_45, %swap3A_46], %broadcast_in_dim3A_4 {strides = array<i32>} : memref<128x128xf32, #tpu.memory_space<vmem>>, vector<16xf32>,
      %swap3A_48 = arith.index_cast %scan3A_42 : i32 to index
      %swap3A_49 = arith.constant 16 : index
      %swap3A_50 = tpu.vector_load %arg8[%swap3A_48, %swap3A_49] {strides = array<i32>} : memref<128x128xf32, #tpu.memory_space<vmem>>, vector<16xf32>,
      tpu.vector_store %arg8[%swap3A_48, %swap3A_49], %broadcast_in_dim3A_4 {strides = array<i32>} : memref<128x128xf32, #tpu.memory_space<vmem>>, vector<16xf32>,
      %swap3A_51 = arith.index_cast %scan3A_42 : i32 to index
      %swap3A_52 = arith.constant 16 : index
      %swap3A_53 = tpu.vector_load %arg9[%swap3A_51, %swap3A_52] {strides = array<i32>} : memref<128x128xf32, #tpu.memory_space<vmem>>, vector<16xf32>,
      tpu.vector_store %arg9[%swap3A_51, %swap3A_52], %broadcast_in_dim3A_4 {strides = array<i32>} : memref<128x128xf32, #tpu.memory_space<vmem>>, vector<16xf32>,
      %swap3A_54 = arith.index_cast %scan3A_42 : i32 to index
      %swap3A_55 = arith.constant 32 : index
      %swap3A_56 = tpu.vector_load %arg8[%swap3A_54, %swap3A_55] {strides = array<i32>} : memref<128x128xf32, #tpu.memory_space<vmem>>, vector<16xf32>,
      tpu.vector_store %arg8[%swap3A_54, %swap3A_55], %broadcast_in_dim3A_4 {strides = array<i32>} : memref<128x128xf32, #tpu.memory_space<vmem>>, vector<16xf32>,
      %swap3A_57 = arith.index_cast %scan3A_42 : i32 to index
      %swap3A_58 = arith.constant 32 : index
      %swap3A_59 = tpu.vector_load %arg9[%swap3A_57, %swap3A_58] {strides = array<i32>} : memref<128x128xf32, #tpu.memory_space<vmem>>, vector<16xf32>,
      tpu.vector_store %arg9[%swap3A_57, %swap3A_58], %broadcast_in_dim3A_4 {strides = array<i32>} : memref<128x128xf32, #tpu.memory_space<vmem>>, vector<16xf32>,
      %swap3A_60 = arith.index_cast %scan3A_42 : i32 to index
      %swap3A_61 = arith.constant 48 : index
      %swap3A_62 = tpu.vector_load %arg8[%swap3A_60, %swap3A_61] {strides = array<i32>} : memref<128x128xf32, #tpu.memory_space<vmem>>, vector<16xf32>,
      tpu.vector_store %arg8[%swap3A_60, %swap3A_61], %broadcast_in_dim3A_4 {strides = array<i32>} : memref<128x128xf32, #tpu.memory_space<vmem>>, vector<16xf32>,
      %swap3A_63 = arith.index_cast %scan3A_42 : i32 to index
      %swap3A_64 = arith.constant 48 : index
      %swap3A_65 = tpu.vector_load %arg9[%swap3A_63, %swap3A_64] {strides = array<i32>} : memref<128x128xf32, #tpu.memory_space<vmem>>, vector<16xf32>,
      tpu.vector_store %arg9[%swap3A_63, %swap3A_64], %broadcast_in_dim3A_4 {strides = array<i32>} : memref<128x128xf32, #tpu.memory_space<vmem>>, vector<16xf32>,
      %swap3A_66 = arith.index_cast %scan3A_42 : i32 to index
      %swap3A_67 = arith.constant 64 : index
      %swap3A_68 = tpu.vector_load %arg8[%swap3A_66, %swap3A_67] {strides = array<i32>} : memref<128x128xf32, #tpu.memory_space<vmem>>, vector<16xf32>,
      tpu.vector_store %arg8[%swap3A_66, %swap3A_67], %broadcast_in_dim3A_4 {strides = array<i32>} : memref<128x128xf32, #tpu.memory_space<vmem>>, vector<16xf32>,
      %swap3A_69 = arith.index_cast %scan3A_42 : i32 to index
      %swap3A_70 = arith.constant 64 : index
      %swap3A_71 = tpu.vector_load %arg9[%swap3A_69, %swap3A_70] {strides = array<i32>} : memref<128x128xf32, #tpu.memory_space<vmem>>, vector<16xf32>,
      tpu.vector_store %arg9[%swap3A_69, %swap3A_70], %broadcast_in_dim3A_4 {strides = array<i32>} : memref<128x128xf32, #tpu.memory_space<vmem>>, vector<16xf32>,
      %swap3A_72 = arith.index_cast %scan3A_42 : i32 to index
      %swap3A_73 = arith.constant 80 : index
      %swap3A_74 = tpu.vector_load %arg8[%swap3A_72, %swap3A_73] {strides = array<i32>} : memref<128x128xf32, #tpu.memory_space<vmem>>, vector<16xf32>,
      tpu.vector_store %arg8[%swap3A_72, %swap3A_73], %broadcast_in_dim3A_4 {strides = array<i32>} : memref<128x128xf32, #tpu.memory_space<vmem>>, vector<16xf32>,
      %swap3A_75 = arith.index_cast %scan3A_42 : i32 to index
      %swap3A_76 = arith.constant 80 : index
      %swap3A_77 = tpu.vector_load %arg9[%swap3A_75, %swap3A_76] {strides = array<i32>} : memref<128x128xf32, #tpu.memory_space<vmem>>, vector<16xf32>,
      tpu.vector_store %arg9[%swap3A_75, %swap3A_76], %broadcast_in_dim3A_4 {strides = array<i32>} : memref<128x128xf32, #tpu.memory_space<vmem>>, vector<16xf32>,
      %swap3A_78 = arith.index_cast %scan3A_42 : i32 to index
      %swap3A_79 = arith.constant 96 : index
      %swap3A_80 = tpu.vector_load %arg8[%swap3A_78, %swap3A_79] {strides = array<i32>} : memref<128x128xf32, #tpu.memory_space<vmem>>, vector<16xf32>,
      tpu.vector_store %arg8[%swap3A_78, %swap3A_79], %broadcast_in_dim3A_4 {strides = array<i32>} : memref<128x128xf32, #tpu.memory_space<vmem>>, vector<16xf32>,
      %swap3A_81 = arith.index_cast %scan3A_42 : i32 to index
      %swap3A_82 = arith.constant 96 : index
      %swap3A_83 = tpu.vector_load %arg9[%swap3A_81, %swap3A_82] {strides = array<i32>} : memref<128x128xf32, #tpu.memory_space<vmem>>, vector<16xf32>,
      tpu.vector_store %arg9[%swap3A_81, %swap3A_82], %broadcast_in_dim3A_4 {strides = array<i32>} : memref<128x128xf32, #tpu.memory_space<vmem>>, vector<16xf32>,
      %swap3A_84 = arith.index_cast %scan3A_42 : i32 to index
      %swap3A_85 = arith.constant 112 : index
      %swap3A_86 = tpu.vector_load %arg8[%swap3A_84, %swap3A_85] {strides = array<i32>} : memref<128x128xf32, #tpu.memory_space<vmem>>, vector<16xf32>,
      tpu.vector_store %arg8[%swap3A_84, %swap3A_85], %broadcast_in_dim3A_4 {strides = array<i32>} : memref<128x128xf32, #tpu.memory_space<vmem>>, vector<16xf32>,
      %swap3A_87 = arith.index_cast %scan3A_42 : i32 to index
      %swap3A_88 = arith.constant 112 : index
      %swap3A_89 = tpu.vector_load %arg9[%swap3A_87, %swap3A_88] {strides = array<i32>} : memref<128x128xf32, #tpu.memory_space<vmem>>, vector<16xf32>,
      tpu.vector_store %arg9[%swap3A_87, %swap3A_88], %broadcast_in_dim3A_4 {strides = array<i32>} : memref<128x128xf32, #tpu.memory_space<vmem>>, vector<16xf32>,
    }
    %scan3A_9 = arith.constant 128 : i32
    %add3A_10 = arith.constant 0 : i32
    %add3A_11 = arith.addi %mul3A_2, %add3A_10 : i32
    %dma_start3A = arith.constant 0 : i32
    %dma_start3A_12 = tpu.memref_slice %arg2[%add3A_11, %dma_start3A] : memref<262144x128xf32, #tpu.memory_space<hbm>> -> memref<128x128xf32, #tpu.memory_space<hbm>>
    %dma_start3A_13 = arith.constant 0 : i32
    %dma_start3A_14 = tpu.memref_slice %arg2[%add3A_11, %dma_start3A_13] : memref<262144x128xf32, #tpu.memory_space<hbm>> -> memref<128x128xf32, #tpu.memory_space<hbm>>
    tpu.enqueue_dma source(%dma_start3A_14 : memref<128x128xf32, #tpu.memory_space<hbm>>) target(%arg6 : memref<128x128xf32, #tpu.memory_space<vmem>>) target_semaphore(%arg13 : memref<!tpu.dma_semaphore, #tpu.memory_space<semaphore_mem>>)
    %add3A_15 = arith.constant 128 : i32
    %add3A_16 = arith.addi %mul3A_2, %add3A_15 : i32
    %dma_start3A_17 = arith.constant 0 : i32
    %dma_start3A_18 = tpu.memref_slice %arg2[%add3A_16, %dma_start3A_17] : memref<262144x128xf32, #tpu.memory_space<hbm>> -> memref<128x128xf32, #tpu.memory_space<hbm>>
    %dma_start3A_19 = arith.constant 0 : i32
    %dma_start3A_20 = tpu.memref_slice %arg2[%add3A_16, %dma_start3A_19] : memref<262144x128xf32, #tpu.memory_space<hbm>> -> memref<128x128xf32, #tpu.memory_space<hbm>>
    tpu.enqueue_dma source(%dma_start3A_20 : memref<128x128xf32, #tpu.memory_space<hbm>>) target(%arg7 : memref<128x128xf32, #tpu.memory_space<vmem>>) target_semaphore(%arg14 : memref<!tpu.dma_semaphore, #tpu.memory_space<semaphore_mem>>)
    %scan3A_21 = arith.constant 0 : i32
    %scan3A_22 = arith.constant 0 : i32
    %scan3A_23 = arith.constant 32 : i32
    %scan3A_24 = arith.addi %scan3A_22, %scan3A_23 : i32
    %scan3A_25 = arith.constant 1 : i32
    scf.for %scan3A_42 = %scan3A_22 to %scan3A_24 step %scan3A_25  : i32 {
      %mul3A_43 = arith.constant 2 : i32
      %mul3A_44 = arith.muli %scan3A_42, %mul3A_43 : i32
      %dma_wait3A_45 = arith.constant 0 : i32
      %dma_wait3A_46 = tpu.memref_slice %arg2[%mul3A_2, %dma_wait3A_45] : memref<262144x128xf32, #tpu.memory_space<hbm>> -> memref<128x128xf32, #tpu.memory_space<hbm>>
      %dma_wait3A_47 = arith.constant 0 : i32
      %dma_wait3A_48 = tpu.memref_slice %arg2[%mul3A_2, %dma_wait3A_47] : memref<262144x128xf32, #tpu.memory_space<hbm>> -> memref<128x128xf32, #tpu.memory_space<hbm>>
      tpu.wait_dma2 semaphore(%arg13 : memref<!tpu.dma_semaphore, #tpu.memory_space<semaphore_mem>>) src(%dma_wait3A_48 : memref<128x128xf32, #tpu.memory_space<hbm>>) dst(%arg6 : memref<128x128xf32, #tpu.memory_space<vmem>>)
      %gt3A = arith.constant 0 : i32
      %gt3A_49 = arith.cmpi sgt, %scan3A_42, %gt3A : i32
      %convert_element_type3A = arith.extui %gt3A_49 : i1 to i32
      %cond3A = arith.constant 0 : i32
      %cond3A_50 = arith.cmpi ne, %convert_element_type3A, %cond3A : i32
      scf.if %cond3A_50 {
        %dma_wait3A_1545 = arith.constant 0 : i32
        %dma_wait3A_1546 = tpu.memref_slice %arg4[%mul3A_2, %dma_wait3A_1545] : memref<262144x128xf32, #tpu.memory_space<hbm>> -> memref<128x128xf32, #tpu.memory_space<hbm>>
        %dma_wait3A_1547 = arith.constant 0 : i32
        %dma_wait3A_1548 = tpu.memref_slice %arg4[%mul3A_2, %dma_wait3A_1547] : memref<262144x128xf32, #tpu.memory_space<hbm>> -> memref<128x128xf32, #tpu.memory_space<hbm>>
        tpu.wait_dma2 semaphore(%arg15 : memref<!tpu.dma_semaphore, #tpu.memory_space<semaphore_mem>>) src(%arg8 : memref<128x128xf32, #tpu.memory_space<vmem>>) dst(%dma_wait3A_1548 : memref<128x128xf32, #tpu.memory_space<hbm>>)
        %dma_wait3A_1549 = arith.constant 0 : i32
        %dma_wait3A_1550 = tpu.memref_slice %arg5[%mul3A_2, %dma_wait3A_1549] : memref<262144x8xf32, #tpu.memory_space<hbm>> -> memref<128x8xf32, #tpu.memory_space<hbm>>
        %dma_wait3A_1551 = arith.constant 0 : i32
        %dma_wait3A_1552 = tpu.memref_slice %arg5[%mul3A_2, %dma_wait3A_1551] : memref<262144x8xf32, #tpu.memory_space<hbm>> -> memref<128x8xf32, #tpu.memory_space<hbm>>
        tpu.wait_dma2 semaphore(%arg17 : memref<!tpu.dma_semaphore, #tpu.memory_space<semaphore_mem>>) src(%arg10 : memref<128x8xf32, #tpu.memory_space<vmem>>) dst(%dma_wait3A_1552 : memref<128x8xf32, #tpu.memory_space<hbm>>)
      } else {
      }
      %add3A_51 = arith.constant 0 : i32
      %add3A_52 = vector.broadcast %add3A_51 : i32 to vector<16xi32>
      %add3A_53 = arith.addi %iota3A, %add3A_52 : vector<16xi32>
      %broadcast_in_dim3A_54 = arith.constant 3 : i32
      %broadcast_in_dim3A_55 = vector.broadcast %broadcast_in_dim3A_54 : i32 to vector<16xi32>
      %gather3A = tpu.vector_load_idx %arg6[%add3A_53, %broadcast_in_dim3A_55] : memref<128x128xf32, #tpu.memory_space<vmem>>[vector<16xi32>, vector<16xi32>], vector<16xf32>,
      %neg3A = arith.constant 0.000000e+00 : f32
      %neg3A_56 = vector.broadcast %neg3A : f32 to vector<16xf32>
      %neg3A_57 = arith.subf %neg3A_56, %gather3A : vector<16xf32>
      %exp3A = math.exp %neg3A_57 : vector<16xf32>
      %broadcast_in_dim3A_58 = arith.constant 17 : i32
      %broadcast_in_dim3A_59 = vector.broadcast %broadcast_in_dim3A_58 : i32 to vector<16xi32>
      %gather3A_60 = tpu.vector_load_idx %arg6[%add3A_53, %broadcast_in_dim3A_59] : memref<128x128xf32, #tpu.memory_space<vmem>>[vector<16xi32>, vector<16xi32>], vector<16xf32>,
      %exp3A_61 = math.exp %gather3A_60 : vector<16xf32>
      %broadcast_in_dim3A_62 = arith.constant 42 : i32
      %broadcast_in_dim3A_63 = vector.broadcast %broadcast_in_dim3A_62 : i32 to vector<16xi32>
      %gather3A_64 = tpu.vector_load_idx %arg6[%add3A_53, %broadcast_in_dim3A_63] : memref<128x128xf32, #tpu.memory_space<vmem>>[vector<16xi32>, vector<16xi32>], vector<16xf32>,
      %neg3A_65 = arith.constant 0.000000e+00 : f32
      %neg3A_66 = vector.broadcast %neg3A_65 : f32 to vector<16xf32>
      %neg3A_67 = arith.subf %neg3A_66, %gather3A_64 : vector<16xf32>
      %exp3A_68 = math.exp %neg3A_67 : vector<16xf32>
      %broadcast_in_dim3A_69 = arith.constant 63 : i32
      %broadcast_in_dim3A_70 = vector.broadcast %broadcast_in_dim3A_69 : i32 to vector<16xi32>
      %gather3A_71 = tpu.vector_load_idx %arg6[%add3A_53, %broadcast_in_dim3A_70] : memref<128x128xf32, #tpu.memory_space<vmem>>[vector<16xi32>, vector<16xi32>], vector<16xf32>,
      %exp3A_72 = math.exp %gather3A_71 : vector<16xf32>
      %broadcast_in_dim3A_73 = arith.constant 77 : i32
      %broadcast_in_dim3A_74 = vector.broadcast %broadcast_in_dim3A_73 : i32 to vector<16xi32>
      %gather3A_75 = tpu.vector_load_idx %arg6[%add3A_53, %broadcast_in_dim3A_74] : memref<128x128xf32, #tpu.memory_space<vmem>>[vector<16xi32>, vector<16xi32>], vector<16xf32>,
      %neg3A_76 = arith.constant 0.000000e+00 : f32
      %neg3A_77 = vector.broadcast %neg3A_76 : f32 to vector<16xf32>
      %neg3A_78 = arith.subf %neg3A_77, %gather3A_75 : vector<16xf32>
      %exp3A_79 = math.exp %neg3A_78 : vector<16xf32>
      %broadcast_in_dim3A_80 = arith.constant 99 : i32
      %broadcast_in_dim3A_81 = vector.broadcast %broadcast_in_dim3A_80 : i32 to vector<16xi32>
      %gather3A_82 = tpu.vector_load_idx %arg6[%add3A_53, %broadcast_in_dim3A_81] : memref<128x128xf32, #tpu.memory_space<vmem>>[vector<16xi32>, vector<16xi32>], vector<16xf32>,
      %exp3A_83 = math.exp %gather3A_82 : vector<16xf32>
      %broadcast_in_dim3A_84 = arith.constant 110 : i32
      %broadcast_in_dim3A_85 = vector.broadcast %broadcast_in_dim3A_84 : i32 to vector<16xi32>
      %gather3A_86 = tpu.vector_load_idx %arg6[%add3A_53, %broadcast_in_dim3A_85] : memref<128x128xf32, #tpu.memory_space<vmem>>[vector<16xi32>, vector<16xi32>], vector<16xf32>,
      %neg3A_87 = arith.constant 0.000000e+00 : f32
      %neg3A_88 = vector.broadcast %neg3A_87 : f32 to vector<16xf32>
      %neg3A_89 = arith.subf %neg3A_88, %gather3A_86 : vector<16xf32>
      %exp3A_90 = math.exp %neg3A_89 : vector<16xf32>
      %broadcast_in_dim3A_91 = arith.constant 120 : i32
      %broadcast_in_dim3A_92 = vector.broadcast %broadcast_in_dim3A_91 : i32 to vector<16xi32>
      %gather3A_93 = tpu.vector_load_idx %arg6[%add3A_53, %broadcast_in_dim3A_92] : memref<128x128xf32, #tpu.memory_space<vmem>>[vector<16xi32>, vector<16xi32>], vector<16xf32>,
      %exp3A_94 = math.exp %gather3A_93 : vector<16xf32>
      %add3A_95 = arith.addf %exp3A, %exp3A_61 : vector<16xf32>
      %add3A_96 = arith.addf %add3A_95, %exp3A_68 : vector<16xf32>
      %add3A_97 = arith.addf %add3A_96, %exp3A_72 : vector<16xf32>
      %add3A_98 = arith.addf %add3A_97, %exp3A_79 : vector<16xf32>
      %add3A_99 = arith.addf %add3A_98, %exp3A_83 : vector<16xf32>
      %add3A_100 = arith.addf %add3A_99, %exp3A_90 : vector<16xf32>
      %add3A_101 = arith.addf %add3A_100, %exp3A_94 : vector<16xf32>
      %div3A = arith.divf %get3A_3, %add3A_101 : vector<16xf32>
      %mul3A_102 = arith.mulf %exp3A, %div3A : vector<16xf32>
      %neg3A_103 = arith.constant 0.000000e+00 : f32
      %neg3A_104 = vector.broadcast %neg3A_103 : f32 to vector<16xf32>
      %neg3A_105 = arith.subf %neg3A_104, %mul3A_102 : vector<16xf32>
      tpu.vector_store_idx %arg8[%add3A_53, %broadcast_in_dim3A_55], %neg3A_105 : memref<128x128xf32, #tpu.memory_space<vmem>>[vector<16xi32>, vector<16xi32>], vector<16xf32>,
      %broadcast_in_dim3A_106 = arith.constant 0 : i32
      %broadcast_in_dim3A_107 = vector.broadcast %broadcast_in_dim3A_106 : i32 to vector<16xi32>
      tpu.vector_store_idx %arg10[%add3A_53, %broadcast_in_dim3A_107], %neg3A_105 : memref<128x8xf32, #tpu.memory_space<vmem>>[vector<16xi32>, vector<16xi32>], vector<16xf32>,
      %mul3A_108 = arith.mulf %exp3A_61, %div3A : vector<16xf32>
      tpu.vector_store_idx %arg8[%add3A_53, %broadcast_in_dim3A_59], %mul3A_108 : memref<128x128xf32, #tpu.memory_space<vmem>>[vector<16xi32>, vector<16xi32>], vector<16xf32>,
      %broadcast_in_dim3A_109 = arith.constant 1 : i32
      %broadcast_in_dim3A_110 = vector.broadcast %broadcast_in_dim3A_109 : i32 to vector<16xi32>
      tpu.vector_store_idx %arg10[%add3A_53, %broadcast_in_dim3A_110], %mul3A_108 : memref<128x8xf32, #tpu.memory_space<vmem>>[vector<16xi32>, vector<16xi32>], vector<16xf32>,
      %mul3A_111 = arith.mulf %exp3A_68, %div3A : vector<16xf32>
      %neg3A_112 = arith.constant 0.000000e+00 : f32
      %neg3A_113 = vector.broadcast %neg3A_112 : f32 to vector<16xf32>
      %neg3A_114 = arith.subf %neg3A_113, %mul3A_111 : vector<16xf32>
      tpu.vector_store_idx %arg8[%add3A_53, %broadcast_in_dim3A_63], %neg3A_114 : memref<128x128xf32, #tpu.memory_space<vmem>>[vector<16xi32>, vector<16xi32>], vector<16xf32>,
      %broadcast_in_dim3A_115 = arith.constant 2 : i32
      %broadcast_in_dim3A_116 = vector.broadcast %broadcast_in_dim3A_115 : i32 to vector<16xi32>
      tpu.vector_store_idx %arg10[%add3A_53, %broadcast_in_dim3A_116], %neg3A_114 : memref<128x8xf32, #tpu.memory_space<vmem>>[vector<16xi32>, vector<16xi32>], vector<16xf32>,
      %mul3A_117 = arith.mulf %exp3A_72, %div3A : vector<16xf32>
      tpu.vector_store_idx %arg8[%add3A_53, %broadcast_in_dim3A_70], %mul3A_117 : memref<128x128xf32, #tpu.memory_space<vmem>>[vector<16xi32>, vector<16xi32>], vector<16xf32>,
      %broadcast_in_dim3A_118 = arith.constant 3 : i32
      %broadcast_in_dim3A_119 = vector.broadcast %broadcast_in_dim3A_118 : i32 to vector<16xi32>
      tpu.vector_store_idx %arg10[%add3A_53, %broadcast_in_dim3A_119], %mul3A_117 : memref<128x8xf32, #tpu.memory_space<vmem>>[vector<16xi32>, vector<16xi32>], vector<16xf32>,
      %mul3A_120 = arith.mulf %exp3A_79, %div3A : vector<16xf32>
      %neg3A_121 = arith.constant 0.000000e+00 : f32
      %neg3A_122 = vector.broadcast %neg3A_121 : f32 to vector<16xf32>
      %neg3A_123 = arith.subf %neg3A_122, %mul3A_120 : vector<16xf32>
      tpu.vector_store_idx %arg8[%add3A_53, %broadcast_in_dim3A_74], %neg3A_123 : memref<128x128xf32, #tpu.memory_space<vmem>>[vector<16xi32>, vector<16xi32>], vector<16xf32>,
      %broadcast_in_dim3A_124 = arith.constant 4 : i32
      %broadcast_in_dim3A_125 = vector.broadcast %broadcast_in_dim3A_124 : i32 to vector<16xi32>
      tpu.vector_store_idx %arg10[%add3A_53, %broadcast_in_dim3A_125], %neg3A_123 : memref<128x8xf32, #tpu.memory_space<vmem>>[vector<16xi32>, vector<16xi32>], vector<16xf32>,
      %mul3A_126 = arith.mulf %exp3A_83, %div3A : vector<16xf32>
      tpu.vector_store_idx %arg8[%add3A_53, %broadcast_in_dim3A_81], %mul3A_126 : memref<128x128xf32, #tpu.memory_space<vmem>>[vector<16xi32>, vector<16xi32>], vector<16xf32>,
      %broadcast_in_dim3A_127 = arith.constant 5 : i32
      %broadcast_in_dim3A_128 = vector.broadcast %broadcast_in_dim3A_127 : i32 to vector<16xi32>
      tpu.vector_store_idx %arg10[%add3A_53, %broadcast_in_dim3A_128], %mul3A_126 : memref<128x8xf32, #tpu.memory_space<vmem>>[vector<16xi32>, vector<16xi32>], vector<16xf32>,
      %mul3A_129 = arith.mulf %exp3A_90, %div3A : vector<16xf32>
      %neg3A_130 = arith.constant 0.000000e+00 : f32
      %neg3A_131 = vector.broadcast %neg3A_130 : f32 to vector<16xf32>
      %neg3A_132 = arith.subf %neg3A_131, %mul3A_129 : vector<16xf32>
      tpu.vector_store_idx %arg8[%add3A_53, %broadcast_in_dim3A_85], %neg3A_132 : memref<128x128xf32, #tpu.memory_space<vmem>>[vector<16xi32>, vector<16xi32>], vector<16xf32>,
      %broadcast_in_dim3A_133 = arith.constant 6 : i32
      %broadcast_in_dim3A_134 = vector.broadcast %broadcast_in_dim3A_133 : i32 to vector<16xi32>
      tpu.vector_store_idx %arg10[%add3A_53, %broadcast_in_dim3A_134], %neg3A_132 : memref<128x8xf32, #tpu.memory_space<vmem>>[vector<16xi32>, vector<16xi32>], vector<16xf32>,
      %mul3A_135 = arith.mulf %exp3A_94, %div3A : vector<16xf32>
      tpu.vector_store_idx %arg8[%add3A_53, %broadcast_in_dim3A_92], %mul3A_135 : memref<128x128xf32, #tpu.memory_space<vmem>>[vector<16xi32>, vector<16xi32>], vector<16xf32>,
      %broadcast_in_dim3A_136 = arith.constant 7 : i32
      %broadcast_in_dim3A_137 = vector.broadcast %broadcast_in_dim3A_136 : i32 to vector<16xi32>
      tpu.vector_store_idx %arg10[%add3A_53, %broadcast_in_dim3A_137], %mul3A_135 : memref<128x8xf32, #tpu.memory_space<vmem>>[vector<16xi32>, vector<16xi32>], vector<16xf32>,
      %add3A_138 = arith.constant 16 : i32
      %add3A_139 = vector.broadcast %add3A_138 : i32 to vector<16xi32>
      %add3A_140 = arith.addi %iota3A, %add3A_139 : vector<16xi32>
      %broadcast_in_dim3A_141 = arith.constant 3 : i32
      %broadcast_in_dim3A_142 = vector.broadcast %broadcast_in_dim3A_141 : i32 to vector<16xi32>
      %gather3A_143 = tpu.vector_load_idx %arg6[%add3A_140, %broadcast_in_dim3A_142] : memref<128x128xf32, #tpu.memory_space<vmem>>[vector<16xi32>, vector<16xi32>], vector<16xf32>,
      %neg3A_144 = arith.constant 0.000000e+00 : f32
      %neg3A_145 = vector.broadcast %neg3A_144 : f32 to vector<16xf32>
      %neg3A_146 = arith.subf %neg3A_145, %gather3A_143 : vector<16xf32>
      %exp3A_147 = math.exp %neg3A_146 : vector<16xf32>
      %broadcast_in_dim3A_148 = arith.constant 17 : i32
      %broadcast_in_dim3A_149 = vector.broadcast %broadcast_in_dim3A_148 : i32 to vector<16xi32>
      %gather3A_150 = tpu.vector_load_idx %arg6[%add3A_140, %broadcast_in_dim3A_149] : memref<128x128xf32, #tpu.memory_space<vmem>>[vector<16xi32>, vector<16xi32>], vector<16xf32>,
      %exp3A_151 = math.exp %gather3A_150 : vector<16xf32>
      %broadcast_in_dim3A_152 = arith.constant 42 : i32
      %broadcast_in_dim3A_153 = vector.broadcast %broadcast_in_dim3A_152 : i32 to vector<16xi32>
      %gather3A_154 = tpu.vector_load_idx %arg6[%add3A_140, %broadcast_in_dim3A_153] : memref<128x128xf32, #tpu.memory_space<vmem>>[vector<16xi32>, vector<16xi32>], vector<16xf32>,
      %neg3A_155 = arith.constant 0.000000e+00 : f32
      %neg3A_156 = vector.broadcast %neg3A_155 : f32 to vector<16xf32>
      %neg3A_157 = arith.subf %neg3A_156, %gather3A_154 : vector<16xf32>
      %exp3A_158 = math.exp %neg3A_157 : vector<16xf32>
      %broadcast_in_dim3A_159 = arith.constant 63 : i32
      %broadcast_in_dim3A_160 = vector.broadcast %broadcast_in_dim3A_159 : i32 to vector<16xi32>
      %gather3A_161 = tpu.vector_load_idx %arg6[%add3A_140, %broadcast_in_dim3A_160] : memref<128x128xf32, #tpu.memory_space<vmem>>[vector<16xi32>, vector<16xi32>], vector<16xf32>,
      %exp3A_162 = math.exp %gather3A_161 : vector<16xf32>
      %broadcast_in_dim3A_163 = arith.constant 77 : i32
      %broadcast_in_dim3A_164 = vector.broadcast %broadcast_in_dim3A_163 : i32 to vector<16xi32>
      %gather3A_165 = tpu.vector_load_idx %arg6[%add3A_140, %broadcast_in_dim3A_164] : memref<128x128xf32, #tpu.memory_space<vmem>>[vector<16xi32>, vector<16xi32>], vector<16xf32>,
      %neg3A_166 = arith.constant 0.000000e+00 : f32
      %neg3A_167 = vector.broadcast %neg3A_166 : f32 to vector<16xf32>
      %neg3A_168 = arith.subf %neg3A_167, %gather3A_165 : vector<16xf32>
      %exp3A_169 = math.exp %neg3A_168 : vector<16xf32>
      %broadcast_in_dim3A_170 = arith.constant 99 : i32
      %broadcast_in_dim3A_171 = vector.broadcast %broadcast_in_dim3A_170 : i32 to vector<16xi32>
      %gather3A_172 = tpu.vector_load_idx %arg6[%add3A_140, %broadcast_in_dim3A_171] : memref<128x128xf32, #tpu.memory_space<vmem>>[vector<16xi32>, vector<16xi32>], vector<16xf32>,
      %exp3A_173 = math.exp %gather3A_172 : vector<16xf32>
      %broadcast_in_dim3A_174 = arith.constant 110 : i32
      %broadcast_in_dim3A_175 = vector.broadcast %broadcast_in_dim3A_174 : i32 to vector<16xi32>
      %gather3A_176 = tpu.vector_load_idx %arg6[%add3A_140, %broadcast_in_dim3A_175] : memref<128x128xf32, #tpu.memory_space<vmem>>[vector<16xi32>, vector<16xi32>], vector<16xf32>,
      %neg3A_177 = arith.constant 0.000000e+00 : f32
      %neg3A_178 = vector.broadcast %neg3A_177 : f32 to vector<16xf32>
      %neg3A_179 = arith.subf %neg3A_178, %gather3A_176 : vector<16xf32>
      %exp3A_180 = math.exp %neg3A_179 : vector<16xf32>
      %broadcast_in_dim3A_181 = arith.constant 120 : i32
      %broadcast_in_dim3A_182 = vector.broadcast %broadcast_in_dim3A_181 : i32 to vector<16xi32>
      %gather3A_183 = tpu.vector_load_idx %arg6[%add3A_140, %broadcast_in_dim3A_182] : memref<128x128xf32, #tpu.memory_space<vmem>>[vector<16xi32>, vector<16xi32>], vector<16xf32>,
      %exp3A_184 = math.exp %gather3A_183 : vector<16xf32>
      %add3A_185 = arith.addf %exp3A_147, %exp3A_151 : vector<16xf32>
      %add3A_186 = arith.addf %add3A_185, %exp3A_158 : vector<16xf32>
      %add3A_187 = arith.addf %add3A_186, %exp3A_162 : vector<16xf32>
      %add3A_188 = arith.addf %add3A_187, %exp3A_169 : vector<16xf32>
      %add3A_189 = arith.addf %add3A_188, %exp3A_173 : vector<16xf32>
      %add3A_190 = arith.addf %add3A_189, %exp3A_180 : vector<16xf32>
      %add3A_191 = arith.addf %add3A_190, %exp3A_184 : vector<16xf32>
      %div3A_192 = arith.divf %get3A_3, %add3A_191 : vector<16xf32>
      %mul3A_193 = arith.mulf %exp3A_147, %div3A_192 : vector<16xf32>
      %neg3A_194 = arith.constant 0.000000e+00 : f32
      %neg3A_195 = vector.broadcast %neg3A_194 : f32 to vector<16xf32>
      %neg3A_196 = arith.subf %neg3A_195, %mul3A_193 : vector<16xf32>
      tpu.vector_store_idx %arg8[%add3A_140, %broadcast_in_dim3A_142], %neg3A_196 : memref<128x128xf32, #tpu.memory_space<vmem>>[vector<16xi32>, vector<16xi32>], vector<16xf32>,
      %broadcast_in_dim3A_197 = arith.constant 0 : i32
      %broadcast_in_dim3A_198 = vector.broadcast %broadcast_in_dim3A_197 : i32 to vector<16xi32>
      tpu.vector_store_idx %arg10[%add3A_140, %broadcast_in_dim3A_198], %neg3A_196 : memref<128x8xf32, #tpu.memory_space<vmem>>[vector<16xi32>, vector<16xi32>], vector<16xf32>,
      %mul3A_199 = arith.mulf %exp3A_151, %div3A_192 : vector<16xf32>
      tpu.vector_store_idx %arg8[%add3A_140, %broadcast_in_dim3A_149], %mul3A_199 : memref<128x128xf32, #tpu.memory_space<vmem>>[vector<16xi32>, vector<16xi32>], vector<16xf32>,
      %broadcast_in_dim3A_200 = arith.constant 1 : i32
      %broadcast_in_dim3A_201 = vector.broadcast %broadcast_in_dim3A_200 : i32 to vector<16xi32>
      tpu.vector_store_idx %arg10[%add3A_140, %broadcast_in_dim3A_201], %mul3A_199 : memref<128x8xf32, #tpu.memory_space<vmem>>[vector<16xi32>, vector<16xi32>], vector<16xf32>,
      %mul3A_202 = arith.mulf %exp3A_158, %div3A_192 : vector<16xf32>
      %neg3A_203 = arith.constant 0.000000e+00 : f32
      %neg3A_204 = vector.broadcast %neg3A_203 : f32 to vector<16xf32>
      %neg3A_205 = arith.subf %neg3A_204, %mul3A_202 : vector<16xf32>
      tpu.vector_store_idx %arg8[%add3A_140, %broadcast_in_dim3A_153], %neg3A_205 : memref<128x128xf32, #tpu.memory_space<vmem>>[vector<16xi32>, vector<16xi32>], vector<16xf32>,
      %broadcast_in_dim3A_206 = arith.constant 2 : i32
      %broadcast_in_dim3A_207 = vector.broadcast %broadcast_in_dim3A_206 : i32 to vector<16xi32>
      tpu.vector_store_idx %arg10[%add3A_140, %broadcast_in_dim3A_207], %neg3A_205 : memref<128x8xf32, #tpu.memory_space<vmem>>[vector<16xi32>, vector<16xi32>], vector<16xf32>,
      %mul3A_208 = arith.mulf %exp3A_162, %div3A_192 : vector<16xf32>
      tpu.vector_store_idx %arg8[%add3A_140, %broadcast_in_dim3A_160], %mul3A_208 : memref<128x128xf32, #tpu.memory_space<vmem>>[vector<16xi32>, vector<16xi32>], vector<16xf32>,
      %broadcast_in_dim3A_209 = arith.constant 3 : i32
      %broadcast_in_dim3A_210 = vector.broadcast %broadcast_in_dim3A_209 : i32 to vector<16xi32>
      tpu.vector_store_idx %arg10[%add3A_140, %broadcast_in_dim3A_210], %mul3A_208 : memref<128x8xf32, #tpu.memory_space<vmem>>[vector<16xi32>, vector<16xi32>], vector<16xf32>,
      %mul3A_211 = arith.mulf %exp3A_169, %div3A_192 : vector<16xf32>
      %neg3A_212 = arith.constant 0.000000e+00 : f32
      %neg3A_213 = vector.broadcast %neg3A_212 : f32 to vector<16xf32>
      %neg3A_214 = arith.subf %neg3A_213, %mul3A_211 : vector<16xf32>
      tpu.vector_store_idx %arg8[%add3A_140, %broadcast_in_dim3A_164], %neg3A_214 : memref<128x128xf32, #tpu.memory_space<vmem>>[vector<16xi32>, vector<16xi32>], vector<16xf32>,
      %broadcast_in_dim3A_215 = arith.constant 4 : i32
      %broadcast_in_dim3A_216 = vector.broadcast %broadcast_in_dim3A_215 : i32 to vector<16xi32>
      tpu.vector_store_idx %arg10[%add3A_140, %broadcast_in_dim3A_216], %neg3A_214 : memref<128x8xf32, #tpu.memory_space<vmem>>[vector<16xi32>, vector<16xi32>], vector<16xf32>,
      %mul3A_217 = arith.mulf %exp3A_173, %div3A_192 : vector<16xf32>
      tpu.vector_store_idx %arg8[%add3A_140, %broadcast_in_dim3A_171], %mul3A_217 : memref<128x128xf32, #tpu.memory_space<vmem>>[vector<16xi32>, vector<16xi32>], vector<16xf32>,
      %broadcast_in_dim3A_218 = arith.constant 5 : i32
      %broadcast_in_dim3A_219 = vector.broadcast %broadcast_in_dim3A_218 : i32 to vector<16xi32>
      tpu.vector_store_idx %arg10[%add3A_140, %broadcast_in_dim3A_219], %mul3A_217 : memref<128x8xf32, #tpu.memory_space<vmem>>[vector<16xi32>, vector<16xi32>], vector<16xf32>,
      %mul3A_220 = arith.mulf %exp3A_180, %div3A_192 : vector<16xf32>
      %neg3A_221 = arith.constant 0.000000e+00 : f32
      %neg3A_222 = vector.broadcast %neg3A_221 : f32 to vector<16xf32>
      %neg3A_223 = arith.subf %neg3A_222, %mul3A_220 : vector<16xf32>
      tpu.vector_store_idx %arg8[%add3A_140, %broadcast_in_dim3A_175], %neg3A_223 : memref<128x128xf32, #tpu.memory_space<vmem>>[vector<16xi32>, vector<16xi32>], vector<16xf32>,
      %broadcast_in_dim3A_224 = arith.constant 6 : i32
      %broadcast_in_dim3A_225 = vector.broadcast %broadcast_in_dim3A_224 : i32 to vector<16xi32>
      tpu.vector_store_idx %arg10[%add3A_140, %broadcast_in_dim3A_225], %neg3A_223 : memref<128x8xf32, #tpu.memory_space<vmem>>[vector<16xi32>, vector<16xi32>], vector<16xf32>,
      %mul3A_226 = arith.mulf %exp3A_184, %div3A_192 : vector<16xf32>
      tpu.vector_store_idx %arg8[%add3A_140, %broadcast_in_dim3A_182], %mul3A_226 : memref<128x128xf32, #tpu.memory_space<vmem>>[vector<16xi32>, vector<16xi32>], vector<16xf32>,
      %broadcast_in_dim3A_227 = arith.constant 7 : i32
      %broadcast_in_dim3A_228 = vector.broadcast %broadcast_in_dim3A_227 : i32 to vector<16xi32>
      tpu.vector_store_idx %arg10[%add3A_140, %broadcast_in_dim3A_228], %mul3A_226 : memref<128x8xf32, #tpu.memory_space<vmem>>[vector<16xi32>, vector<16xi32>], vector<16xf32>,
      %add3A_229 = arith.constant 32 : i32
      %add3A_230 = vector.broadcast %add3A_229 : i32 to vector<16xi32>
      %add3A_231 = arith.addi %iota3A, %add3A_230 : vector<16xi32>
      %broadcast_in_dim3A_232 = arith.constant 3 : i32
      %broadcast_in_dim3A_233 = vector.broadcast %broadcast_in_dim3A_232 : i32 to vector<16xi32>
      %gather3A_234 = tpu.vector_load_idx %arg6[%add3A_231, %broadcast_in_dim3A_233] : memref<128x128xf32, #tpu.memory_space<vmem>>[vector<16xi32>, vector<16xi32>], vector<16xf32>,
      %neg3A_235 = arith.constant 0.000000e+00 : f32
      %neg3A_236 = vector.broadcast %neg3A_235 : f32 to vector<16xf32>
      %neg3A_237 = arith.subf %neg3A_236, %gather3A_234 : vector<16xf32>
      %exp3A_238 = math.exp %neg3A_237 : vector<16xf32>
      %broadcast_in_dim3A_239 = arith.constant 17 : i32
      %broadcast_in_dim3A_240 = vector.broadcast %broadcast_in_dim3A_239 : i32 to vector<16xi32>
      %gather3A_241 = tpu.vector_load_idx %arg6[%add3A_231, %broadcast_in_dim3A_240] : memref<128x128xf32, #tpu.memory_space<vmem>>[vector<16xi32>, vector<16xi32>], vector<16xf32>,
      %exp3A_242 = math.exp %gather3A_241 : vector<16xf32>
      %broadcast_in_dim3A_243 = arith.constant 42 : i32
      %broadcast_in_dim3A_244 = vector.broadcast %broadcast_in_dim3A_243 : i32 to vector<16xi32>
      %gather3A_245 = tpu.vector_load_idx %arg6[%add3A_231, %broadcast_in_dim3A_244] : memref<128x128xf32, #tpu.memory_space<vmem>>[vector<16xi32>, vector<16xi32>], vector<16xf32>,
      %neg3A_246 = arith.constant 0.000000e+00 : f32
      %neg3A_247 = vector.broadcast %neg3A_246 : f32 to vector<16xf32>
      %neg3A_248 = arith.subf %neg3A_247, %gather3A_245 : vector<16xf32>
      %exp3A_249 = math.exp %neg3A_248 : vector<16xf32>
      %broadcast_in_dim3A_250 = arith.constant 63 : i32
      %broadcast_in_dim3A_251 = vector.broadcast %broadcast_in_dim3A_250 : i32 to vector<16xi32>
      %gather3A_252 = tpu.vector_load_idx %arg6[%add3A_231, %broadcast_in_dim3A_251] : memref<128x128xf32, #tpu.memory_space<vmem>>[vector<16xi32>, vector<16xi32>], vector<16xf32>,
      %exp3A_253 = math.exp %gather3A_252 : vector<16xf32>
      %broadcast_in_dim3A_254 = arith.constant 77 : i32
      %broadcast_in_dim3A_255 = vector.broadcast %broadcast_in_dim3A_254 : i32 to vector<16xi32>
      %gather3A_256 = tpu.vector_load_idx %arg6[%add3A_231, %broadcast_in_dim3A_255] : memref<128x128xf32, #tpu.memory_space<vmem>>[vector<16xi32>, vector<16xi32>], vector<16xf32>,
      %neg3A_257 = arith.constant 0.000000e+00 : f32
      %neg3A_258 = vector.broadcast %neg3A_257 : f32 to vector<16xf32>
      %neg3A_259 = arith.subf %neg3A_258, %gather3A_256 : vector<16xf32>
      %exp3A_260 = math.exp %neg3A_259 : vector<16xf32>
      %broadcast_in_dim3A_261 = arith.constant 99 : i32
      %broadcast_in_dim3A_262 = vector.broadcast %broadcast_in_dim3A_261 : i32 to vector<16xi32>
      %gather3A_263 = tpu.vector_load_idx %arg6[%add3A_231, %broadcast_in_dim3A_262] : memref<128x128xf32, #tpu.memory_space<vmem>>[vector<16xi32>, vector<16xi32>], vector<16xf32>,
      %exp3A_264 = math.exp %gather3A_263 : vector<16xf32>
      %broadcast_in_dim3A_265 = arith.constant 110 : i32
      %broadcast_in_dim3A_266 = vector.broadcast %broadcast_in_dim3A_265 : i32 to vector<16xi32>
      %gather3A_267 = tpu.vector_load_idx %arg6[%add3A_231, %broadcast_in_dim3A_266] : memref<128x128xf32, #tpu.memory_space<vmem>>[vector<16xi32>, vector<16xi32>], vector<16xf32>,
      %neg3A_268 = arith.constant 0.000000e+00 : f32
      %neg3A_269 = vector.broadcast %neg3A_268 : f32 to vector<16xf32>
      %neg3A_270 = arith.subf %neg3A_269, %gather3A_267 : vector<16xf32>
      %exp3A_271 = math.exp %neg3A_270 : vector<16xf32>
      %broadcast_in_dim3A_272 = arith.constant 120 : i32
      %broadcast_in_dim3A_273 = vector.broadcast %broadcast_in_dim3A_272 : i32 to vector<16xi32>
      %gather3A_274 = tpu.vector_load_idx %arg6[%add3A_231, %broadcast_in_dim3A_273] : memref<128x128xf32, #tpu.memory_space<vmem>>[vector<16xi32>, vector<16xi32>], vector<16xf32>,
      %exp3A_275 = math.exp %gather3A_274 : vector<16xf32>
      %add3A_276 = arith.addf %exp3A_238, %exp3A_242 : vector<16xf32>
      %add3A_277 = arith.addf %add3A_276, %exp3A_249 : vector<16xf32>
      %add3A_278 = arith.addf %add3A_277, %exp3A_253 : vector<16xf32>
      %add3A_279 = arith.addf %add3A_278, %exp3A_260 : vector<16xf32>
      %add3A_280 = arith.addf %add3A_279, %exp3A_264 : vector<16xf32>
      %add3A_281 = arith.addf %add3A_280, %exp3A_271 : vector<16xf32>
      %add3A_282 = arith.addf %add3A_281, %exp3A_275 : vector<16xf32>
      %div3A_283 = arith.divf %get3A_3, %add3A_282 : vector<16xf32>
      %mul3A_284 = arith.mulf %exp3A_238, %div3A_283 : vector<16xf32>
      %neg3A_285 = arith.constant 0.000000e+00 : f32
      %neg3A_286 = vector.broadcast %neg3A_285 : f32 to vector<16xf32>
      %neg3A_287 = arith.subf %neg3A_286, %mul3A_284 : vector<16xf32>
      tpu.vector_store_idx %arg8[%add3A_231, %broadcast_in_dim3A_233], %neg3A_287 : memref<128x128xf32, #tpu.memory_space<vmem>>[vector<16xi32>, vector<16xi32>], vector<16xf32>,
      %broadcast_in_dim3A_288 = arith.constant 0 : i32
      %broadcast_in_dim3A_289 = vector.broadcast %broadcast_in_dim3A_288 : i32 to vector<16xi32>
      tpu.vector_store_idx %arg10[%add3A_231, %broadcast_in_dim3A_289], %neg3A_287 : memref<128x8xf32, #tpu.memory_space<vmem>>[vector<16xi32>, vector<16xi32>], vector<16xf32>,
      %mul3A_290 = arith.mulf %exp3A_242, %div3A_283 : vector<16xf32>
      tpu.vector_store_idx %arg8[%add3A_231, %broadcast_in_dim3A_240], %mul3A_290 : memref<128x128xf32, #tpu.memory_space<vmem>>[vector<16xi32>, vector<16xi32>], vector<16xf32>,
      %broadcast_in_dim3A_291 = arith.constant 1 : i32
      %broadcast_in_dim3A_292 = vector.broadcast %broadcast_in_dim3A_291 : i32 to vector<16xi32>
      tpu.vector_store_idx %arg10[%add3A_231, %broadcast_in_dim3A_292], %mul3A_290 : memref<128x8xf32, #tpu.memory_space<vmem>>[vector<16xi32>, vector<16xi32>], vector<16xf32>,
      %mul3A_293 = arith.mulf %exp3A_249, %div3A_283 : vector<16xf32>
      %neg3A_294 = arith.constant 0.000000e+00 : f32
      %neg3A_295 = vector.broadcast %neg3A_294 : f32 to vector<16xf32>
      %neg3A_296 = arith.subf %neg3A_295, %mul3A_293 : vector<16xf32>
      tpu.vector_store_idx %arg8[%add3A_231, %broadcast_in_dim3A_244], %neg3A_296 : memref<128x128xf32, #tpu.memory_space<vmem>>[vector<16xi32>, vector<16xi32>], vector<16xf32>,
      %broadcast_in_dim3A_297 = arith.constant 2 : i32
      %broadcast_in_dim3A_298 = vector.broadcast %broadcast_in_dim3A_297 : i32 to vector<16xi32>
      tpu.vector_store_idx %arg10[%add3A_231, %broadcast_in_dim3A_298], %neg3A_296 : memref<128x8xf32, #tpu.memory_space<vmem>>[vector<16xi32>, vector<16xi32>], vector<16xf32>,
      %mul3A_299 = arith.mulf %exp3A_253, %div3A_283 : vector<16xf32>
      tpu.vector_store_idx %arg8[%add3A_231, %broadcast_in_dim3A_251], %mul3A_299 : memref<128x128xf32, #tpu.memory_space<vmem>>[vector<16xi32>, vector<16xi32>], vector<16xf32>,
      %broadcast_in_dim3A_300 = arith.constant 3 : i32
      %broadcast_in_dim3A_301 = vector.broadcast %broadcast_in_dim3A_300 : i32 to vector<16xi32>
      tpu.vector_store_idx %arg10[%add3A_231, %broadcast_in_dim3A_301], %mul3A_299 : memref<128x8xf32, #tpu.memory_space<vmem>>[vector<16xi32>, vector<16xi32>], vector<16xf32>,
      %mul3A_302 = arith.mulf %exp3A_260, %div3A_283 : vector<16xf32>
      %neg3A_303 = arith.constant 0.000000e+00 : f32
      %neg3A_304 = vector.broadcast %neg3A_303 : f32 to vector<16xf32>
      %neg3A_305 = arith.subf %neg3A_304, %mul3A_302 : vector<16xf32>
      tpu.vector_store_idx %arg8[%add3A_231, %broadcast_in_dim3A_255], %neg3A_305 : memref<128x128xf32, #tpu.memory_space<vmem>>[vector<16xi32>, vector<16xi32>], vector<16xf32>,
      %broadcast_in_dim3A_306 = arith.constant 4 : i32
      %broadcast_in_dim3A_307 = vector.broadcast %broadcast_in_dim3A_306 : i32 to vector<16xi32>
      tpu.vector_store_idx %arg10[%add3A_231, %broadcast_in_dim3A_307], %neg3A_305 : memref<128x8xf32, #tpu.memory_space<vmem>>[vector<16xi32>, vector<16xi32>], vector<16xf32>,
      %mul3A_308 = arith.mulf %exp3A_264, %div3A_283 : vector<16xf32>
      tpu.vector_store_idx %arg8[%add3A_231, %broadcast_in_dim3A_262], %mul3A_308 : memref<128x128xf32, #tpu.memory_space<vmem>>[vector<16xi32>, vector<16xi32>], vector<16xf32>,
      %broadcast_in_dim3A_309 = arith.constant 5 : i32
      %broadcast_in_dim3A_310 = vector.broadcast %broadcast_in_dim3A_309 : i32 to vector<16xi32>
      tpu.vector_store_idx %arg10[%add3A_231, %broadcast_in_dim3A_310], %mul3A_308 : memref<128x8xf32, #tpu.memory_space<vmem>>[vector<16xi32>, vector<16xi32>], vector<16xf32>,
      %mul3A_311 = arith.mulf %exp3A_271, %div3A_283 : vector<16xf32>
      %neg3A_312 = arith.constant 0.000000e+00 : f32
      %neg3A_313 = vector.broadcast %neg3A_312 : f32 to vector<16xf32>
      %neg3A_314 = arith.subf %neg3A_313, %mul3A_311 : vector<16xf32>
      tpu.vector_store_idx %arg8[%add3A_231, %broadcast_in_dim3A_266], %neg3A_314 : memref<128x128xf32, #tpu.memory_space<vmem>>[vector<16xi32>, vector<16xi32>], vector<16xf32>,
      %broadcast_in_dim3A_315 = arith.constant 6 : i32
      %broadcast_in_dim3A_316 = vector.broadcast %broadcast_in_dim3A_315 : i32 to vector<16xi32>
      tpu.vector_store_idx %arg10[%add3A_231, %broadcast_in_dim3A_316], %neg3A_314 : memref<128x8xf32, #tpu.memory_space<vmem>>[vector<16xi32>, vector<16xi32>], vector<16xf32>,
      %mul3A_317 = arith.mulf %exp3A_275, %div3A_283 : vector<16xf32>
      tpu.vector_store_idx %arg8[%add3A_231, %broadcast_in_dim3A_273], %mul3A_317 : memref<128x128xf32, #tpu.memory_space<vmem>>[vector<16xi32>, vector<16xi32>], vector<16xf32>,
      %broadcast_in_dim3A_318 = arith.constant 7 : i32
      %broadcast_in_dim3A_319 = vector.broadcast %broadcast_in_dim3A_318 : i32 to vector<16xi32>
      tpu.vector_store_idx %arg10[%add3A_231, %broadcast_in_dim3A_319], %mul3A_317 : memref<128x8xf32, #tpu.memory_space<vmem>>[vector<16xi32>, vector<16xi32>], vector<16xf32>,
      %add3A_320 = arith.constant 48 : i32
      %add3A_321 = vector.broadcast %add3A_320 : i32 to vector<16xi32>
      %add3A_322 = arith.addi %iota3A, %add3A_321 : vector<16xi32>
      %broadcast_in_dim3A_323 = arith.constant 3 : i32
      %broadcast_in_dim3A_324 = vector.broadcast %broadcast_in_dim3A_323 : i32 to vector<16xi32>
      %gather3A_325 = tpu.vector_load_idx %arg6[%add3A_322, %broadcast_in_dim3A_324] : memref<128x128xf32, #tpu.memory_space<vmem>>[vector<16xi32>, vector<16xi32>], vector<16xf32>,
      %neg3A_326 = arith.constant 0.000000e+00 : f32
      %neg3A_327 = vector.broadcast %neg3A_326 : f32 to vector<16xf32>
      %neg3A_328 = arith.subf %neg3A_327, %gather3A_325 : vector<16xf32>
      %exp3A_329 = math.exp %neg3A_328 : vector<16xf32>
      %broadcast_in_dim3A_330 = arith.constant 17 : i32
      %broadcast_in_dim3A_331 = vector.broadcast %broadcast_in_dim3A_330 : i32 to vector<16xi32>
      %gather3A_332 = tpu.vector_load_idx %arg6[%add3A_322, %broadcast_in_dim3A_331] : memref<128x128xf32, #tpu.memory_space<vmem>>[vector<16xi32>, vector<16xi32>], vector<16xf32>,
      %exp3A_333 = math.exp %gather3A_332 : vector<16xf32>
      %broadcast_in_dim3A_334 = arith.constant 42 : i32
      %broadcast_in_dim3A_335 = vector.broadcast %broadcast_in_dim3A_334 : i32 to vector<16xi32>
      %gather3A_336 = tpu.vector_load_idx %arg6[%add3A_322, %broadcast_in_dim3A_335] : memref<128x128xf32, #tpu.memory_space<vmem>>[vector<16xi32>, vector<16xi32>], vector<16xf32>,
      %neg3A_337 = arith.constant 0.000000e+00 : f32
      %neg3A_338 = vector.broadcast %neg3A_337 : f32 to vector<16xf32>
      %neg3A_339 = arith.subf %neg3A_338, %gather3A_336 : vector<16xf32>
      %exp3A_340 = math.exp %neg3A_339 : vector<16xf32>
      %broadcast_in_dim3A_341 = arith.constant 63 : i32
      %broadcast_in_dim3A_342 = vector.broadcast %broadcast_in_dim3A_341 : i32 to vector<16xi32>
      %gather3A_343 = tpu.vector_load_idx %arg6[%add3A_322, %broadcast_in_dim3A_342] : memref<128x128xf32, #tpu.memory_space<vmem>>[vector<16xi32>, vector<16xi32>], vector<16xf32>,
      %exp3A_344 = math.exp %gather3A_343 : vector<16xf32>
      %broadcast_in_dim3A_345 = arith.constant 77 : i32
      %broadcast_in_dim3A_346 = vector.broadcast %broadcast_in_dim3A_345 : i32 to vector<16xi32>
      %gather3A_347 = tpu.vector_load_idx %arg6[%add3A_322, %broadcast_in_dim3A_346] : memref<128x128xf32, #tpu.memory_space<vmem>>[vector<16xi32>, vector<16xi32>], vector<16xf32>,
      %neg3A_348 = arith.constant 0.000000e+00 : f32
      %neg3A_349 = vector.broadcast %neg3A_348 : f32 to vector<16xf32>
      %neg3A_350 = arith.subf %neg3A_349, %gather3A_347 : vector<16xf32>
      %exp3A_351 = math.exp %neg3A_350 : vector<16xf32>
      %broadcast_in_dim3A_352 = arith.constant 99 : i32
      %broadcast_in_dim3A_353 = vector.broadcast %broadcast_in_dim3A_352 : i32 to vector<16xi32>
      %gather3A_354 = tpu.vector_load_idx %arg6[%add3A_322, %broadcast_in_dim3A_353] : memref<128x128xf32, #tpu.memory_space<vmem>>[vector<16xi32>, vector<16xi32>], vector<16xf32>,
      %exp3A_355 = math.exp %gather3A_354 : vector<16xf32>
      %broadcast_in_dim3A_356 = arith.constant 110 : i32
      %broadcast_in_dim3A_357 = vector.broadcast %broadcast_in_dim3A_356 : i32 to vector<16xi32>
      %gather3A_358 = tpu.vector_load_idx %arg6[%add3A_322, %broadcast_in_dim3A_357] : memref<128x128xf32, #tpu.memory_space<vmem>>[vector<16xi32>, vector<16xi32>], vector<16xf32>,
      %neg3A_359 = arith.constant 0.000000e+00 : f32
      %neg3A_360 = vector.broadcast %neg3A_359 : f32 to vector<16xf32>
      %neg3A_361 = arith.subf %neg3A_360, %gather3A_358 : vector<16xf32>
      %exp3A_362 = math.exp %neg3A_361 : vector<16xf32>
      %broadcast_in_dim3A_363 = arith.constant 120 : i32
      %broadcast_in_dim3A_364 = vector.broadcast %broadcast_in_dim3A_363 : i32 to vector<16xi32>
      %gather3A_365 = tpu.vector_load_idx %arg6[%add3A_322, %broadcast_in_dim3A_364] : memref<128x128xf32, #tpu.memory_space<vmem>>[vector<16xi32>, vector<16xi32>], vector<16xf32>,
      %exp3A_366 = math.exp %gather3A_365 : vector<16xf32>
      %add3A_367 = arith.addf %exp3A_329, %exp3A_333 : vector<16xf32>
      %add3A_368 = arith.addf %add3A_367, %exp3A_340 : vector<16xf32>
      %add3A_369 = arith.addf %add3A_368, %exp3A_344 : vector<16xf32>
      %add3A_370 = arith.addf %add3A_369, %exp3A_351 : vector<16xf32>
      %add3A_371 = arith.addf %add3A_370, %exp3A_355 : vector<16xf32>
      %add3A_372 = arith.addf %add3A_371, %exp3A_362 : vector<16xf32>
      %add3A_373 = arith.addf %add3A_372, %exp3A_366 : vector<16xf32>
      %div3A_374 = arith.divf %get3A_3, %add3A_373 : vector<16xf32>
      %mul3A_375 = arith.mulf %exp3A_329, %div3A_374 : vector<16xf32>
      %neg3A_376 = arith.constant 0.000000e+00 : f32
      %neg3A_377 = vector.broadcast %neg3A_376 : f32 to vector<16xf32>
      %neg3A_378 = arith.subf %neg3A_377, %mul3A_375 : vector<16xf32>
      tpu.vector_store_idx %arg8[%add3A_322, %broadcast_in_dim3A_324], %neg3A_378 : memref<128x128xf32, #tpu.memory_space<vmem>>[vector<16xi32>, vector<16xi32>], vector<16xf32>,
      %broadcast_in_dim3A_379 = arith.constant 0 : i32
      %broadcast_in_dim3A_380 = vector.broadcast %broadcast_in_dim3A_379 : i32 to vector<16xi32>
      tpu.vector_store_idx %arg10[%add3A_322, %broadcast_in_dim3A_380], %neg3A_378 : memref<128x8xf32, #tpu.memory_space<vmem>>[vector<16xi32>, vector<16xi32>], vector<16xf32>,
      %mul3A_381 = arith.mulf %exp3A_333, %div3A_374 : vector<16xf32>
      tpu.vector_store_idx %arg8[%add3A_322, %broadcast_in_dim3A_331], %mul3A_381 : memref<128x128xf32, #tpu.memory_space<vmem>>[vector<16xi32>, vector<16xi32>], vector<16xf32>,
      %broadcast_in_dim3A_382 = arith.constant 1 : i32
      %broadcast_in_dim3A_383 = vector.broadcast %broadcast_in_dim3A_382 : i32 to vector<16xi32>
      tpu.vector_store_idx %arg10[%add3A_322, %broadcast_in_dim3A_383], %mul3A_381 : memref<128x8xf32, #tpu.memory_space<vmem>>[vector<16xi32>, vector<16xi32>], vector<16xf32>,
      %mul3A_384 = arith.mulf %exp3A_340, %div3A_374 : vector<16xf32>
      %neg3A_385 = arith.constant 0.000000e+00 : f32
      %neg3A_386 = vector.broadcast %neg3A_385 : f32 to vector<16xf32>
      %neg3A_387 = arith.subf %neg3A_386, %mul3A_384 : vector<16xf32>
      tpu.vector_store_idx %arg8[%add3A_322, %broadcast_in_dim3A_335], %neg3A_387 : memref<128x128xf32, #tpu.memory_space<vmem>>[vector<16xi32>, vector<16xi32>], vector<16xf32>,
      %broadcast_in_dim3A_388 = arith.constant 2 : i32
      %broadcast_in_dim3A_389 = vector.broadcast %broadcast_in_dim3A_388 : i32 to vector<16xi32>
      tpu.vector_store_idx %arg10[%add3A_322, %broadcast_in_dim3A_389], %neg3A_387 : memref<128x8xf32, #tpu.memory_space<vmem>>[vector<16xi32>, vector<16xi32>], vector<16xf32>,
      %mul3A_390 = arith.mulf %exp3A_344, %div3A_374 : vector<16xf32>
      tpu.vector_store_idx %arg8[%add3A_322, %broadcast_in_dim3A_342], %mul3A_390 : memref<128x128xf32, #tpu.memory_space<vmem>>[vector<16xi32>, vector<16xi32>], vector<16xf32>,
      %broadcast_in_dim3A_391 = arith.constant 3 : i32
      %broadcast_in_dim3A_392 = vector.broadcast %broadcast_in_dim3A_391 : i32 to vector<16xi32>
      tpu.vector_store_idx %arg10[%add3A_322, %broadcast_in_dim3A_392], %mul3A_390 : memref<128x8xf32, #tpu.memory_space<vmem>>[vector<16xi32>, vector<16xi32>], vector<16xf32>,
      %mul3A_393 = arith.mulf %exp3A_351, %div3A_374 : vector<16xf32>
      %neg3A_394 = arith.constant 0.000000e+00 : f32
      %neg3A_395 = vector.broadcast %neg3A_394 : f32 to vector<16xf32>
      %neg3A_396 = arith.subf %neg3A_395, %mul3A_393 : vector<16xf32>
      tpu.vector_store_idx %arg8[%add3A_322, %broadcast_in_dim3A_346], %neg3A_396 : memref<128x128xf32, #tpu.memory_space<vmem>>[vector<16xi32>, vector<16xi32>], vector<16xf32>,
      %broadcast_in_dim3A_397 = arith.constant 4 : i32
      %broadcast_in_dim3A_398 = vector.broadcast %broadcast_in_dim3A_397 : i32 to vector<16xi32>
      tpu.vector_store_idx %arg10[%add3A_322, %broadcast_in_dim3A_398], %neg3A_396 : memref<128x8xf32, #tpu.memory_space<vmem>>[vector<16xi32>, vector<16xi32>], vector<16xf32>,
      %mul3A_399 = arith.mulf %exp3A_355, %div3A_374 : vector<16xf32>
      tpu.vector_store_idx %arg8[%add3A_322, %broadcast_in_dim3A_353], %mul3A_399 : memref<128x128xf32, #tpu.memory_space<vmem>>[vector<16xi32>, vector<16xi32>], vector<16xf32>,
      %broadcast_in_dim3A_400 = arith.constant 5 : i32
      %broadcast_in_dim3A_401 = vector.broadcast %broadcast_in_dim3A_400 : i32 to vector<16xi32>
      tpu.vector_store_idx %arg10[%add3A_322, %broadcast_in_dim3A_401], %mul3A_399 : memref<128x8xf32, #tpu.memory_space<vmem>>[vector<16xi32>, vector<16xi32>], vector<16xf32>,
      %mul3A_402 = arith.mulf %exp3A_362, %div3A_374 : vector<16xf32>
      %neg3A_403 = arith.constant 0.000000e+00 : f32
      %neg3A_404 = vector.broadcast %neg3A_403 : f32 to vector<16xf32>
      %neg3A_405 = arith.subf %neg3A_404, %mul3A_402 : vector<16xf32>
      tpu.vector_store_idx %arg8[%add3A_322, %broadcast_in_dim3A_357], %neg3A_405 : memref<128x128xf32, #tpu.memory_space<vmem>>[vector<16xi32>, vector<16xi32>], vector<16xf32>,
      %broadcast_in_dim3A_406 = arith.constant 6 : i32
      %broadcast_in_dim3A_407 = vector.broadcast %broadcast_in_dim3A_406 : i32 to vector<16xi32>
      tpu.vector_store_idx %arg10[%add3A_322, %broadcast_in_dim3A_407], %neg3A_405 : memref<128x8xf32, #tpu.memory_space<vmem>>[vector<16xi32>, vector<16xi32>], vector<16xf32>,
      %mul3A_408 = arith.mulf %exp3A_366, %div3A_374 : vector<16xf32>
      tpu.vector_store_idx %arg8[%add3A_322, %broadcast_in_dim3A_364], %mul3A_408 : memref<128x128xf32, #tpu.memory_space<vmem>>[vector<16xi32>, vector<16xi32>], vector<16xf32>,
      %broadcast_in_dim3A_409 = arith.constant 7 : i32
      %broadcast_in_dim3A_410 = vector.broadcast %broadcast_in_dim3A_409 : i32 to vector<16xi32>
      tpu.vector_store_idx %arg10[%add3A_322, %broadcast_in_dim3A_410], %mul3A_408 : memref<128x8xf32, #tpu.memory_space<vmem>>[vector<16xi32>, vector<16xi32>], vector<16xf32>,
      %add3A_411 = arith.constant 64 : i32
      %add3A_412 = vector.broadcast %add3A_411 : i32 to vector<16xi32>
      %add3A_413 = arith.addi %iota3A, %add3A_412 : vector<16xi32>
      %broadcast_in_dim3A_414 = arith.constant 3 : i32
      %broadcast_in_dim3A_415 = vector.broadcast %broadcast_in_dim3A_414 : i32 to vector<16xi32>
      %gather3A_416 = tpu.vector_load_idx %arg6[%add3A_413, %broadcast_in_dim3A_415] : memref<128x128xf32, #tpu.memory_space<vmem>>[vector<16xi32>, vector<16xi32>], vector<16xf32>,
      %neg3A_417 = arith.constant 0.000000e+00 : f32
      %neg3A_418 = vector.broadcast %neg3A_417 : f32 to vector<16xf32>
      %neg3A_419 = arith.subf %neg3A_418, %gather3A_416 : vector<16xf32>
      %exp3A_420 = math.exp %neg3A_419 : vector<16xf32>
      %broadcast_in_dim3A_421 = arith.constant 17 : i32
      %broadcast_in_dim3A_422 = vector.broadcast %broadcast_in_dim3A_421 : i32 to vector<16xi32>
      %gather3A_423 = tpu.vector_load_idx %arg6[%add3A_413, %broadcast_in_dim3A_422] : memref<128x128xf32, #tpu.memory_space<vmem>>[vector<16xi32>, vector<16xi32>], vector<16xf32>,
      %exp3A_424 = math.exp %gather3A_423 : vector<16xf32>
      %broadcast_in_dim3A_425 = arith.constant 42 : i32
      %broadcast_in_dim3A_426 = vector.broadcast %broadcast_in_dim3A_425 : i32 to vector<16xi32>
      %gather3A_427 = tpu.vector_load_idx %arg6[%add3A_413, %broadcast_in_dim3A_426] : memref<128x128xf32, #tpu.memory_space<vmem>>[vector<16xi32>, vector<16xi32>], vector<16xf32>,
      %neg3A_428 = arith.constant 0.000000e+00 : f32
      %neg3A_429 = vector.broadcast %neg3A_428 : f32 to vector<16xf32>
      %neg3A_430 = arith.subf %neg3A_429, %gather3A_427 : vector<16xf32>
      %exp3A_431 = math.exp %neg3A_430 : vector<16xf32>
      %broadcast_in_dim3A_432 = arith.constant 63 : i32
      %broadcast_in_dim3A_433 = vector.broadcast %broadcast_in_dim3A_432 : i32 to vector<16xi32>
      %gather3A_434 = tpu.vector_load_idx %arg6[%add3A_413, %broadcast_in_dim3A_433] : memref<128x128xf32, #tpu.memory_space<vmem>>[vector<16xi32>, vector<16xi32>], vector<16xf32>,
      %exp3A_435 = math.exp %gather3A_434 : vector<16xf32>
      %broadcast_in_dim3A_436 = arith.constant 77 : i32
      %broadcast_in_dim3A_437 = vector.broadcast %broadcast_in_dim3A_436 : i32 to vector<16xi32>
      %gather3A_438 = tpu.vector_load_idx %arg6[%add3A_413, %broadcast_in_dim3A_437] : memref<128x128xf32, #tpu.memory_space<vmem>>[vector<16xi32>, vector<16xi32>], vector<16xf32>,
      %neg3A_439 = arith.constant 0.000000e+00 : f32
      %neg3A_440 = vector.broadcast %neg3A_439 : f32 to vector<16xf32>
      %neg3A_441 = arith.subf %neg3A_440, %gather3A_438 : vector<16xf32>
      %exp3A_442 = math.exp %neg3A_441 : vector<16xf32>
      %broadcast_in_dim3A_443 = arith.constant 99 : i32
      %broadcast_in_dim3A_444 = vector.broadcast %broadcast_in_dim3A_443 : i32 to vector<16xi32>
      %gather3A_445 = tpu.vector_load_idx %arg6[%add3A_413, %broadcast_in_dim3A_444] : memref<128x128xf32, #tpu.memory_space<vmem>>[vector<16xi32>, vector<16xi32>], vector<16xf32>,
      %exp3A_446 = math.exp %gather3A_445 : vector<16xf32>
      %broadcast_in_dim3A_447 = arith.constant 110 : i32
      %broadcast_in_dim3A_448 = vector.broadcast %broadcast_in_dim3A_447 : i32 to vector<16xi32>
      %gather3A_449 = tpu.vector_load_idx %arg6[%add3A_413, %broadcast_in_dim3A_448] : memref<128x128xf32, #tpu.memory_space<vmem>>[vector<16xi32>, vector<16xi32>], vector<16xf32>,
      %neg3A_450 = arith.constant 0.000000e+00 : f32
      %neg3A_451 = vector.broadcast %neg3A_450 : f32 to vector<16xf32>
      %neg3A_452 = arith.subf %neg3A_451, %gather3A_449 : vector<16xf32>
      %exp3A_453 = math.exp %neg3A_452 : vector<16xf32>
      %broadcast_in_dim3A_454 = arith.constant 120 : i32
      %broadcast_in_dim3A_455 = vector.broadcast %broadcast_in_dim3A_454 : i32 to vector<16xi32>
      %gather3A_456 = tpu.vector_load_idx %arg6[%add3A_413, %broadcast_in_dim3A_455] : memref<128x128xf32, #tpu.memory_space<vmem>>[vector<16xi32>, vector<16xi32>], vector<16xf32>,
      %exp3A_457 = math.exp %gather3A_456 : vector<16xf32>
      %add3A_458 = arith.addf %exp3A_420, %exp3A_424 : vector<16xf32>
      %add3A_459 = arith.addf %add3A_458, %exp3A_431 : vector<16xf32>
      %add3A_460 = arith.addf %add3A_459, %exp3A_435 : vector<16xf32>
      %add3A_461 = arith.addf %add3A_460, %exp3A_442 : vector<16xf32>
      %add3A_462 = arith.addf %add3A_461, %exp3A_446 : vector<16xf32>
      %add3A_463 = arith.addf %add3A_462, %exp3A_453 : vector<16xf32>
      %add3A_464 = arith.addf %add3A_463, %exp3A_457 : vector<16xf32>
      %div3A_465 = arith.divf %get3A_3, %add3A_464 : vector<16xf32>
      %mul3A_466 = arith.mulf %exp3A_420, %div3A_465 : vector<16xf32>
      %neg3A_467 = arith.constant 0.000000e+00 : f32
      %neg3A_468 = vector.broadcast %neg3A_467 : f32 to vector<16xf32>
      %neg3A_469 = arith.subf %neg3A_468, %mul3A_466 : vector<16xf32>
      tpu.vector_store_idx %arg8[%add3A_413, %broadcast_in_dim3A_415], %neg3A_469 : memref<128x128xf32, #tpu.memory_space<vmem>>[vector<16xi32>, vector<16xi32>], vector<16xf32>,
      %broadcast_in_dim3A_470 = arith.constant 0 : i32
      %broadcast_in_dim3A_471 = vector.broadcast %broadcast_in_dim3A_470 : i32 to vector<16xi32>
      tpu.vector_store_idx %arg10[%add3A_413, %broadcast_in_dim3A_471], %neg3A_469 : memref<128x8xf32, #tpu.memory_space<vmem>>[vector<16xi32>, vector<16xi32>], vector<16xf32>,
      %mul3A_472 = arith.mulf %exp3A_424, %div3A_465 : vector<16xf32>
      tpu.vector_store_idx %arg8[%add3A_413, %broadcast_in_dim3A_422], %mul3A_472 : memref<128x128xf32, #tpu.memory_space<vmem>>[vector<16xi32>, vector<16xi32>], vector<16xf32>,
      %broadcast_in_dim3A_473 = arith.constant 1 : i32
      %broadcast_in_dim3A_474 = vector.broadcast %broadcast_in_dim3A_473 : i32 to vector<16xi32>
      tpu.vector_store_idx %arg10[%add3A_413, %broadcast_in_dim3A_474], %mul3A_472 : memref<128x8xf32, #tpu.memory_space<vmem>>[vector<16xi32>, vector<16xi32>], vector<16xf32>,
      %mul3A_475 = arith.mulf %exp3A_431, %div3A_465 : vector<16xf32>
      %neg3A_476 = arith.constant 0.000000e+00 : f32
      %neg3A_477 = vector.broadcast %neg3A_476 : f32 to vector<16xf32>
      %neg3A_478 = arith.subf %neg3A_477, %mul3A_475 : vector<16xf32>
      tpu.vector_store_idx %arg8[%add3A_413, %broadcast_in_dim3A_426], %neg3A_478 : memref<128x128xf32, #tpu.memory_space<vmem>>[vector<16xi32>, vector<16xi32>], vector<16xf32>,
      %broadcast_in_dim3A_479 = arith.constant 2 : i32
      %broadcast_in_dim3A_480 = vector.broadcast %broadcast_in_dim3A_479 : i32 to vector<16xi32>
      tpu.vector_store_idx %arg10[%add3A_413, %broadcast_in_dim3A_480], %neg3A_478 : memref<128x8xf32, #tpu.memory_space<vmem>>[vector<16xi32>, vector<16xi32>], vector<16xf32>,
      %mul3A_481 = arith.mulf %exp3A_435, %div3A_465 : vector<16xf32>
      tpu.vector_store_idx %arg8[%add3A_413, %broadcast_in_dim3A_433], %mul3A_481 : memref<128x128xf32, #tpu.memory_space<vmem>>[vector<16xi32>, vector<16xi32>], vector<16xf32>,
      %broadcast_in_dim3A_482 = arith.constant 3 : i32
      %broadcast_in_dim3A_483 = vector.broadcast %broadcast_in_dim3A_482 : i32 to vector<16xi32>
      tpu.vector_store_idx %arg10[%add3A_413, %broadcast_in_dim3A_483], %mul3A_481 : memref<128x8xf32, #tpu.memory_space<vmem>>[vector<16xi32>, vector<16xi32>], vector<16xf32>,
      %mul3A_484 = arith.mulf %exp3A_442, %div3A_465 : vector<16xf32>
      %neg3A_485 = arith.constant 0.000000e+00 : f32
      %neg3A_486 = vector.broadcast %neg3A_485 : f32 to vector<16xf32>
      %neg3A_487 = arith.subf %neg3A_486, %mul3A_484 : vector<16xf32>
      tpu.vector_store_idx %arg8[%add3A_413, %broadcast_in_dim3A_437], %neg3A_487 : memref<128x128xf32, #tpu.memory_space<vmem>>[vector<16xi32>, vector<16xi32>], vector<16xf32>,
      %broadcast_in_dim3A_488 = arith.constant 4 : i32
      %broadcast_in_dim3A_489 = vector.broadcast %broadcast_in_dim3A_488 : i32 to vector<16xi32>
      tpu.vector_store_idx %arg10[%add3A_413, %broadcast_in_dim3A_489], %neg3A_487 : memref<128x8xf32, #tpu.memory_space<vmem>>[vector<16xi32>, vector<16xi32>], vector<16xf32>,
      %mul3A_490 = arith.mulf %exp3A_446, %div3A_465 : vector<16xf32>
      tpu.vector_store_idx %arg8[%add3A_413, %broadcast_in_dim3A_444], %mul3A_490 : memref<128x128xf32, #tpu.memory_space<vmem>>[vector<16xi32>, vector<16xi32>], vector<16xf32>,
      %broadcast_in_dim3A_491 = arith.constant 5 : i32
      %broadcast_in_dim3A_492 = vector.broadcast %broadcast_in_dim3A_491 : i32 to vector<16xi32>
      tpu.vector_store_idx %arg10[%add3A_413, %broadcast_in_dim3A_492], %mul3A_490 : memref<128x8xf32, #tpu.memory_space<vmem>>[vector<16xi32>, vector<16xi32>], vector<16xf32>,
      %mul3A_493 = arith.mulf %exp3A_453, %div3A_465 : vector<16xf32>
      %neg3A_494 = arith.constant 0.000000e+00 : f32
      %neg3A_495 = vector.broadcast %neg3A_494 : f32 to vector<16xf32>
      %neg3A_496 = arith.subf %neg3A_495, %mul3A_493 : vector<16xf32>
      tpu.vector_store_idx %arg8[%add3A_413, %broadcast_in_dim3A_448], %neg3A_496 : memref<128x128xf32, #tpu.memory_space<vmem>>[vector<16xi32>, vector<16xi32>], vector<16xf32>,
      %broadcast_in_dim3A_497 = arith.constant 6 : i32
      %broadcast_in_dim3A_498 = vector.broadcast %broadcast_in_dim3A_497 : i32 to vector<16xi32>
      tpu.vector_store_idx %arg10[%add3A_413, %broadcast_in_dim3A_498], %neg3A_496 : memref<128x8xf32, #tpu.memory_space<vmem>>[vector<16xi32>, vector<16xi32>], vector<16xf32>,
      %mul3A_499 = arith.mulf %exp3A_457, %div3A_465 : vector<16xf32>
      tpu.vector_store_idx %arg8[%add3A_413, %broadcast_in_dim3A_455], %mul3A_499 : memref<128x128xf32, #tpu.memory_space<vmem>>[vector<16xi32>, vector<16xi32>], vector<16xf32>,
      %broadcast_in_dim3A_500 = arith.constant 7 : i32
      %broadcast_in_dim3A_501 = vector.broadcast %broadcast_in_dim3A_500 : i32 to vector<16xi32>
      tpu.vector_store_idx %arg10[%add3A_413, %broadcast_in_dim3A_501], %mul3A_499 : memref<128x8xf32, #tpu.memory_space<vmem>>[vector<16xi32>, vector<16xi32>], vector<16xf32>,
      %add3A_502 = arith.constant 80 : i32
      %add3A_503 = vector.broadcast %add3A_502 : i32 to vector<16xi32>
      %add3A_504 = arith.addi %iota3A, %add3A_503 : vector<16xi32>
      %broadcast_in_dim3A_505 = arith.constant 3 : i32
      %broadcast_in_dim3A_506 = vector.broadcast %broadcast_in_dim3A_505 : i32 to vector<16xi32>
      %gather3A_507 = tpu.vector_load_idx %arg6[%add3A_504, %broadcast_in_dim3A_506] : memref<128x128xf32, #tpu.memory_space<vmem>>[vector<16xi32>, vector<16xi32>], vector<16xf32>,
      %neg3A_508 = arith.constant 0.000000e+00 : f32
      %neg3A_509 = vector.broadcast %neg3A_508 : f32 to vector<16xf32>
      %neg3A_510 = arith.subf %neg3A_509, %gather3A_507 : vector<16xf32>
      %exp3A_511 = math.exp %neg3A_510 : vector<16xf32>
      %broadcast_in_dim3A_512 = arith.constant 17 : i32
      %broadcast_in_dim3A_513 = vector.broadcast %broadcast_in_dim3A_512 : i32 to vector<16xi32>
      %gather3A_514 = tpu.vector_load_idx %arg6[%add3A_504, %broadcast_in_dim3A_513] : memref<128x128xf32, #tpu.memory_space<vmem>>[vector<16xi32>, vector<16xi32>], vector<16xf32>,
      %exp3A_515 = math.exp %gather3A_514 : vector<16xf32>
      %broadcast_in_dim3A_516 = arith.constant 42 : i32
      %broadcast_in_dim3A_517 = vector.broadcast %broadcast_in_dim3A_516 : i32 to vector<16xi32>
      %gather3A_518 = tpu.vector_load_idx %arg6[%add3A_504, %broadcast_in_dim3A_517] : memref<128x128xf32, #tpu.memory_space<vmem>>[vector<16xi32>, vector<16xi32>], vector<16xf32>,
      %neg3A_519 = arith.constant 0.000000e+00 : f32
      %neg3A_520 = vector.broadcast %neg3A_519 : f32 to vector<16xf32>
      %neg3A_521 = arith.subf %neg3A_520, %gather3A_518 : vector<16xf32>
      %exp3A_522 = math.exp %neg3A_521 : vector<16xf32>
      %broadcast_in_dim3A_523 = arith.constant 63 : i32
      %broadcast_in_dim3A_524 = vector.broadcast %broadcast_in_dim3A_523 : i32 to vector<16xi32>
      %gather3A_525 = tpu.vector_load_idx %arg6[%add3A_504, %broadcast_in_dim3A_524] : memref<128x128xf32, #tpu.memory_space<vmem>>[vector<16xi32>, vector<16xi32>], vector<16xf32>,
      %exp3A_526 = math.exp %gather3A_525 : vector<16xf32>
      %broadcast_in_dim3A_527 = arith.constant 77 : i32
      %broadcast_in_dim3A_528 = vector.broadcast %broadcast_in_dim3A_527 : i32 to vector<16xi32>
      %gather3A_529 = tpu.vector_load_idx %arg6[%add3A_504, %broadcast_in_dim3A_528] : memref<128x128xf32, #tpu.memory_space<vmem>>[vector<16xi32>, vector<16xi32>], vector<16xf32>,
      %neg3A_530 = arith.constant 0.000000e+00 : f32
      %neg3A_531 = vector.broadcast %neg3A_530 : f32 to vector<16xf32>
      %neg3A_532 = arith.subf %neg3A_531, %gather3A_529 : vector<16xf32>
      %exp3A_533 = math.exp %neg3A_532 : vector<16xf32>
      %broadcast_in_dim3A_534 = arith.constant 99 : i32
      %broadcast_in_dim3A_535 = vector.broadcast %broadcast_in_dim3A_534 : i32 to vector<16xi32>
      %gather3A_536 = tpu.vector_load_idx %arg6[%add3A_504, %broadcast_in_dim3A_535] : memref<128x128xf32, #tpu.memory_space<vmem>>[vector<16xi32>, vector<16xi32>], vector<16xf32>,
      %exp3A_537 = math.exp %gather3A_536 : vector<16xf32>
      %broadcast_in_dim3A_538 = arith.constant 110 : i32
      %broadcast_in_dim3A_539 = vector.broadcast %broadcast_in_dim3A_538 : i32 to vector<16xi32>
      %gather3A_540 = tpu.vector_load_idx %arg6[%add3A_504, %broadcast_in_dim3A_539] : memref<128x128xf32, #tpu.memory_space<vmem>>[vector<16xi32>, vector<16xi32>], vector<16xf32>,
      %neg3A_541 = arith.constant 0.000000e+00 : f32
      %neg3A_542 = vector.broadcast %neg3A_541 : f32 to vector<16xf32>
      %neg3A_543 = arith.subf %neg3A_542, %gather3A_540 : vector<16xf32>
      %exp3A_544 = math.exp %neg3A_543 : vector<16xf32>
      %broadcast_in_dim3A_545 = arith.constant 120 : i32
      %broadcast_in_dim3A_546 = vector.broadcast %broadcast_in_dim3A_545 : i32 to vector<16xi32>
      %gather3A_547 = tpu.vector_load_idx %arg6[%add3A_504, %broadcast_in_dim3A_546] : memref<128x128xf32, #tpu.memory_space<vmem>>[vector<16xi32>, vector<16xi32>], vector<16xf32>,
      %exp3A_548 = math.exp %gather3A_547 : vector<16xf32>
      %add3A_549 = arith.addf %exp3A_511, %exp3A_515 : vector<16xf32>
      %add3A_550 = arith.addf %add3A_549, %exp3A_522 : vector<16xf32>
      %add3A_551 = arith.addf %add3A_550, %exp3A_526 : vector<16xf32>
      %add3A_552 = arith.addf %add3A_551, %exp3A_533 : vector<16xf32>
      %add3A_553 = arith.addf %add3A_552, %exp3A_537 : vector<16xf32>
      %add3A_554 = arith.addf %add3A_553, %exp3A_544 : vector<16xf32>
      %add3A_555 = arith.addf %add3A_554, %exp3A_548 : vector<16xf32>
      %div3A_556 = arith.divf %get3A_3, %add3A_555 : vector<16xf32>
      %mul3A_557 = arith.mulf %exp3A_511, %div3A_556 : vector<16xf32>
      %neg3A_558 = arith.constant 0.000000e+00 : f32
      %neg3A_559 = vector.broadcast %neg3A_558 : f32 to vector<16xf32>
      %neg3A_560 = arith.subf %neg3A_559, %mul3A_557 : vector<16xf32>
      tpu.vector_store_idx %arg8[%add3A_504, %broadcast_in_dim3A_506], %neg3A_560 : memref<128x128xf32, #tpu.memory_space<vmem>>[vector<16xi32>, vector<16xi32>], vector<16xf32>,
      %broadcast_in_dim3A_561 = arith.constant 0 : i32
      %broadcast_in_dim3A_562 = vector.broadcast %broadcast_in_dim3A_561 : i32 to vector<16xi32>
      tpu.vector_store_idx %arg10[%add3A_504, %broadcast_in_dim3A_562], %neg3A_560 : memref<128x8xf32, #tpu.memory_space<vmem>>[vector<16xi32>, vector<16xi32>], vector<16xf32>,
      %mul3A_563 = arith.mulf %exp3A_515, %div3A_556 : vector<16xf32>
      tpu.vector_store_idx %arg8[%add3A_504, %broadcast_in_dim3A_513], %mul3A_563 : memref<128x128xf32, #tpu.memory_space<vmem>>[vector<16xi32>, vector<16xi32>], vector<16xf32>,
      %broadcast_in_dim3A_564 = arith.constant 1 : i32
      %broadcast_in_dim3A_565 = vector.broadcast %broadcast_in_dim3A_564 : i32 to vector<16xi32>
      tpu.vector_store_idx %arg10[%add3A_504, %broadcast_in_dim3A_565], %mul3A_563 : memref<128x8xf32, #tpu.memory_space<vmem>>[vector<16xi32>, vector<16xi32>], vector<16xf32>,
      %mul3A_566 = arith.mulf %exp3A_522, %div3A_556 : vector<16xf32>
      %neg3A_567 = arith.constant 0.000000e+00 : f32
      %neg3A_568 = vector.broadcast %neg3A_567 : f32 to vector<16xf32>
      %neg3A_569 = arith.subf %neg3A_568, %mul3A_566 : vector<16xf32>
      tpu.vector_store_idx %arg8[%add3A_504, %broadcast_in_dim3A_517], %neg3A_569 : memref<128x128xf32, #tpu.memory_space<vmem>>[vector<16xi32>, vector<16xi32>], vector<16xf32>,
      %broadcast_in_dim3A_570 = arith.constant 2 : i32
      %broadcast_in_dim3A_571 = vector.broadcast %broadcast_in_dim3A_570 : i32 to vector<16xi32>
      tpu.vector_store_idx %arg10[%add3A_504, %broadcast_in_dim3A_571], %neg3A_569 : memref<128x8xf32, #tpu.memory_space<vmem>>[vector<16xi32>, vector<16xi32>], vector<16xf32>,
      %mul3A_572 = arith.mulf %exp3A_526, %div3A_556 : vector<16xf32>
      tpu.vector_store_idx %arg8[%add3A_504, %broadcast_in_dim3A_524], %mul3A_572 : memref<128x128xf32, #tpu.memory_space<vmem>>[vector<16xi32>, vector<16xi32>], vector<16xf32>,
      %broadcast_in_dim3A_573 = arith.constant 3 : i32
      %broadcast_in_dim3A_574 = vector.broadcast %broadcast_in_dim3A_573 : i32 to vector<16xi32>
      tpu.vector_store_idx %arg10[%add3A_504, %broadcast_in_dim3A_574], %mul3A_572 : memref<128x8xf32, #tpu.memory_space<vmem>>[vector<16xi32>, vector<16xi32>], vector<16xf32>,
      %mul3A_575 = arith.mulf %exp3A_533, %div3A_556 : vector<16xf32>
      %neg3A_576 = arith.constant 0.000000e+00 : f32
      %neg3A_577 = vector.broadcast %neg3A_576 : f32 to vector<16xf32>
      %neg3A_578 = arith.subf %neg3A_577, %mul3A_575 : vector<16xf32>
      tpu.vector_store_idx %arg8[%add3A_504, %broadcast_in_dim3A_528], %neg3A_578 : memref<128x128xf32, #tpu.memory_space<vmem>>[vector<16xi32>, vector<16xi32>], vector<16xf32>,
      %broadcast_in_dim3A_579 = arith.constant 4 : i32
      %broadcast_in_dim3A_580 = vector.broadcast %broadcast_in_dim3A_579 : i32 to vector<16xi32>
      tpu.vector_store_idx %arg10[%add3A_504, %broadcast_in_dim3A_580], %neg3A_578 : memref<128x8xf32, #tpu.memory_space<vmem>>[vector<16xi32>, vector<16xi32>], vector<16xf32>,
      %mul3A_581 = arith.mulf %exp3A_537, %div3A_556 : vector<16xf32>
      tpu.vector_store_idx %arg8[%add3A_504, %broadcast_in_dim3A_535], %mul3A_581 : memref<128x128xf32, #tpu.memory_space<vmem>>[vector<16xi32>, vector<16xi32>], vector<16xf32>,
      %broadcast_in_dim3A_582 = arith.constant 5 : i32
      %broadcast_in_dim3A_583 = vector.broadcast %broadcast_in_dim3A_582 : i32 to vector<16xi32>
      tpu.vector_store_idx %arg10[%add3A_504, %broadcast_in_dim3A_583], %mul3A_581 : memref<128x8xf32, #tpu.memory_space<vmem>>[vector<16xi32>, vector<16xi32>], vector<16xf32>,
      %mul3A_584 = arith.mulf %exp3A_544, %div3A_556 : vector<16xf32>
      %neg3A_585 = arith.constant 0.000000e+00 : f32
      %neg3A_586 = vector.broadcast %neg3A_585 : f32 to vector<16xf32>
      %neg3A_587 = arith.subf %neg3A_586, %mul3A_584 : vector<16xf32>
      tpu.vector_store_idx %arg8[%add3A_504, %broadcast_in_dim3A_539], %neg3A_587 : memref<128x128xf32, #tpu.memory_space<vmem>>[vector<16xi32>, vector<16xi32>], vector<16xf32>,
      %broadcast_in_dim3A_588 = arith.constant 6 : i32
      %broadcast_in_dim3A_589 = vector.broadcast %broadcast_in_dim3A_588 : i32 to vector<16xi32>
      tpu.vector_store_idx %arg10[%add3A_504, %broadcast_in_dim3A_589], %neg3A_587 : memref<128x8xf32, #tpu.memory_space<vmem>>[vector<16xi32>, vector<16xi32>], vector<16xf32>,
      %mul3A_590 = arith.mulf %exp3A_548, %div3A_556 : vector<16xf32>
      tpu.vector_store_idx %arg8[%add3A_504, %broadcast_in_dim3A_546], %mul3A_590 : memref<128x128xf32, #tpu.memory_space<vmem>>[vector<16xi32>, vector<16xi32>], vector<16xf32>,
      %broadcast_in_dim3A_591 = arith.constant 7 : i32
      %broadcast_in_dim3A_592 = vector.broadcast %broadcast_in_dim3A_591 : i32 to vector<16xi32>
      tpu.vector_store_idx %arg10[%add3A_504, %broadcast_in_dim3A_592], %mul3A_590 : memref<128x8xf32, #tpu.memory_space<vmem>>[vector<16xi32>, vector<16xi32>], vector<16xf32>,
      %add3A_593 = arith.constant 96 : i32
      %add3A_594 = vector.broadcast %add3A_593 : i32 to vector<16xi32>
      %add3A_595 = arith.addi %iota3A, %add3A_594 : vector<16xi32>
      %broadcast_in_dim3A_596 = arith.constant 3 : i32
      %broadcast_in_dim3A_597 = vector.broadcast %broadcast_in_dim3A_596 : i32 to vector<16xi32>
      %gather3A_598 = tpu.vector_load_idx %arg6[%add3A_595, %broadcast_in_dim3A_597] : memref<128x128xf32, #tpu.memory_space<vmem>>[vector<16xi32>, vector<16xi32>], vector<16xf32>,
      %neg3A_599 = arith.constant 0.000000e+00 : f32
      %neg3A_600 = vector.broadcast %neg3A_599 : f32 to vector<16xf32>
      %neg3A_601 = arith.subf %neg3A_600, %gather3A_598 : vector<16xf32>
      %exp3A_602 = math.exp %neg3A_601 : vector<16xf32>
      %broadcast_in_dim3A_603 = arith.constant 17 : i32
      %broadcast_in_dim3A_604 = vector.broadcast %broadcast_in_dim3A_603 : i32 to vector<16xi32>
      %gather3A_605 = tpu.vector_load_idx %arg6[%add3A_595, %broadcast_in_dim3A_604] : memref<128x128xf32, #tpu.memory_space<vmem>>[vector<16xi32>, vector<16xi32>], vector<16xf32>,
      %exp3A_606 = math.exp %gather3A_605 : vector<16xf32>
      %broadcast_in_dim3A_607 = arith.constant 42 : i32
      %broadcast_in_dim3A_608 = vector.broadcast %broadcast_in_dim3A_607 : i32 to vector<16xi32>
      %gather3A_609 = tpu.vector_load_idx %arg6[%add3A_595, %broadcast_in_dim3A_608] : memref<128x128xf32, #tpu.memory_space<vmem>>[vector<16xi32>, vector<16xi32>], vector<16xf32>,
      %neg3A_610 = arith.constant 0.000000e+00 : f32
      %neg3A_611 = vector.broadcast %neg3A_610 : f32 to vector<16xf32>
      %neg3A_612 = arith.subf %neg3A_611, %gather3A_609 : vector<16xf32>
      %exp3A_613 = math.exp %neg3A_612 : vector<16xf32>
      %broadcast_in_dim3A_614 = arith.constant 63 : i32
      %broadcast_in_dim3A_615 = vector.broadcast %broadcast_in_dim3A_614 : i32 to vector<16xi32>
      %gather3A_616 = tpu.vector_load_idx %arg6[%add3A_595, %broadcast_in_dim3A_615] : memref<128x128xf32, #tpu.memory_space<vmem>>[vector<16xi32>, vector<16xi32>], vector<16xf32>,
      %exp3A_617 = math.exp %gather3A_616 : vector<16xf32>
      %broadcast_in_dim3A_618 = arith.constant 77 : i32
      %broadcast_in_dim3A_619 = vector.broadcast %broadcast_in_dim3A_618 : i32 to vector<16xi32>
      %gather3A_620 = tpu.vector_load_idx %arg6[%add3A_595, %broadcast_in_dim3A_619] : memref<128x128xf32, #tpu.memory_space<vmem>>[vector<16xi32>, vector<16xi32>], vector<16xf32>,
      %neg3A_621 = arith.constant 0.000000e+00 : f32
      %neg3A_622 = vector.broadcast %neg3A_621 : f32 to vector<16xf32>
      %neg3A_623 = arith.subf %neg3A_622, %gather3A_620 : vector<16xf32>
      %exp3A_624 = math.exp %neg3A_623 : vector<16xf32>
      %broadcast_in_dim3A_625 = arith.constant 99 : i32
      %broadcast_in_dim3A_626 = vector.broadcast %broadcast_in_dim3A_625 : i32 to vector<16xi32>
      %gather3A_627 = tpu.vector_load_idx %arg6[%add3A_595, %broadcast_in_dim3A_626] : memref<128x128xf32, #tpu.memory_space<vmem>>[vector<16xi32>, vector<16xi32>], vector<16xf32>,
      %exp3A_628 = math.exp %gather3A_627 : vector<16xf32>
      %broadcast_in_dim3A_629 = arith.constant 110 : i32
      %broadcast_in_dim3A_630 = vector.broadcast %broadcast_in_dim3A_629 : i32 to vector<16xi32>
      %gather3A_631 = tpu.vector_load_idx %arg6[%add3A_595, %broadcast_in_dim3A_630] : memref<128x128xf32, #tpu.memory_space<vmem>>[vector<16xi32>, vector<16xi32>], vector<16xf32>,
      %neg3A_632 = arith.constant 0.000000e+00 : f32
      %neg3A_633 = vector.broadcast %neg3A_632 : f32 to vector<16xf32>
      %neg3A_634 = arith.subf %neg3A_633, %gather3A_631 : vector<16xf32>
      %exp3A_635 = math.exp %neg3A_634 : vector<16xf32>
      %broadcast_in_dim3A_636 = arith.constant 120 : i32
      %broadcast_in_dim3A_637 = vector.broadcast %broadcast_in_dim3A_636 : i32 to vector<16xi32>
      %gather3A_638 = tpu.vector_load_idx %arg6[%add3A_595, %broadcast_in_dim3A_637] : memref<128x128xf32, #tpu.memory_space<vmem>>[vector<16xi32>, vector<16xi32>], vector<16xf32>,
      %exp3A_639 = math.exp %gather3A_638 : vector<16xf32>
      %add3A_640 = arith.addf %exp3A_602, %exp3A_606 : vector<16xf32>
      %add3A_641 = arith.addf %add3A_640, %exp3A_613 : vector<16xf32>
      %add3A_642 = arith.addf %add3A_641, %exp3A_617 : vector<16xf32>
      %add3A_643 = arith.addf %add3A_642, %exp3A_624 : vector<16xf32>
      %add3A_644 = arith.addf %add3A_643, %exp3A_628 : vector<16xf32>
      %add3A_645 = arith.addf %add3A_644, %exp3A_635 : vector<16xf32>
      %add3A_646 = arith.addf %add3A_645, %exp3A_639 : vector<16xf32>
      %div3A_647 = arith.divf %get3A_3, %add3A_646 : vector<16xf32>
      %mul3A_648 = arith.mulf %exp3A_602, %div3A_647 : vector<16xf32>
      %neg3A_649 = arith.constant 0.000000e+00 : f32
      %neg3A_650 = vector.broadcast %neg3A_649 : f32 to vector<16xf32>
      %neg3A_651 = arith.subf %neg3A_650, %mul3A_648 : vector<16xf32>
      tpu.vector_store_idx %arg8[%add3A_595, %broadcast_in_dim3A_597], %neg3A_651 : memref<128x128xf32, #tpu.memory_space<vmem>>[vector<16xi32>, vector<16xi32>], vector<16xf32>,
      %broadcast_in_dim3A_652 = arith.constant 0 : i32
      %broadcast_in_dim3A_653 = vector.broadcast %broadcast_in_dim3A_652 : i32 to vector<16xi32>
      tpu.vector_store_idx %arg10[%add3A_595, %broadcast_in_dim3A_653], %neg3A_651 : memref<128x8xf32, #tpu.memory_space<vmem>>[vector<16xi32>, vector<16xi32>], vector<16xf32>,
      %mul3A_654 = arith.mulf %exp3A_606, %div3A_647 : vector<16xf32>
      tpu.vector_store_idx %arg8[%add3A_595, %broadcast_in_dim3A_604], %mul3A_654 : memref<128x128xf32, #tpu.memory_space<vmem>>[vector<16xi32>, vector<16xi32>], vector<16xf32>,
      %broadcast_in_dim3A_655 = arith.constant 1 : i32
      %broadcast_in_dim3A_656 = vector.broadcast %broadcast_in_dim3A_655 : i32 to vector<16xi32>
      tpu.vector_store_idx %arg10[%add3A_595, %broadcast_in_dim3A_656], %mul3A_654 : memref<128x8xf32, #tpu.memory_space<vmem>>[vector<16xi32>, vector<16xi32>], vector<16xf32>,
      %mul3A_657 = arith.mulf %exp3A_613, %div3A_647 : vector<16xf32>
      %neg3A_658 = arith.constant 0.000000e+00 : f32
      %neg3A_659 = vector.broadcast %neg3A_658 : f32 to vector<16xf32>
      %neg3A_660 = arith.subf %neg3A_659, %mul3A_657 : vector<16xf32>
      tpu.vector_store_idx %arg8[%add3A_595, %broadcast_in_dim3A_608], %neg3A_660 : memref<128x128xf32, #tpu.memory_space<vmem>>[vector<16xi32>, vector<16xi32>], vector<16xf32>,
      %broadcast_in_dim3A_661 = arith.constant 2 : i32
      %broadcast_in_dim3A_662 = vector.broadcast %broadcast_in_dim3A_661 : i32 to vector<16xi32>
      tpu.vector_store_idx %arg10[%add3A_595, %broadcast_in_dim3A_662], %neg3A_660 : memref<128x8xf32, #tpu.memory_space<vmem>>[vector<16xi32>, vector<16xi32>], vector<16xf32>,
      %mul3A_663 = arith.mulf %exp3A_617, %div3A_647 : vector<16xf32>
      tpu.vector_store_idx %arg8[%add3A_595, %broadcast_in_dim3A_615], %mul3A_663 : memref<128x128xf32, #tpu.memory_space<vmem>>[vector<16xi32>, vector<16xi32>], vector<16xf32>,
      %broadcast_in_dim3A_664 = arith.constant 3 : i32
      %broadcast_in_dim3A_665 = vector.broadcast %broadcast_in_dim3A_664 : i32 to vector<16xi32>
      tpu.vector_store_idx %arg10[%add3A_595, %broadcast_in_dim3A_665], %mul3A_663 : memref<128x8xf32, #tpu.memory_space<vmem>>[vector<16xi32>, vector<16xi32>], vector<16xf32>,
      %mul3A_666 = arith.mulf %exp3A_624, %div3A_647 : vector<16xf32>
      %neg3A_667 = arith.constant 0.000000e+00 : f32
      %neg3A_668 = vector.broadcast %neg3A_667 : f32 to vector<16xf32>
      %neg3A_669 = arith.subf %neg3A_668, %mul3A_666 : vector<16xf32>
      tpu.vector_store_idx %arg8[%add3A_595, %broadcast_in_dim3A_619], %neg3A_669 : memref<128x128xf32, #tpu.memory_space<vmem>>[vector<16xi32>, vector<16xi32>], vector<16xf32>,
      %broadcast_in_dim3A_670 = arith.constant 4 : i32
      %broadcast_in_dim3A_671 = vector.broadcast %broadcast_in_dim3A_670 : i32 to vector<16xi32>
      tpu.vector_store_idx %arg10[%add3A_595, %broadcast_in_dim3A_671], %neg3A_669 : memref<128x8xf32, #tpu.memory_space<vmem>>[vector<16xi32>, vector<16xi32>], vector<16xf32>,
      %mul3A_672 = arith.mulf %exp3A_628, %div3A_647 : vector<16xf32>
      tpu.vector_store_idx %arg8[%add3A_595, %broadcast_in_dim3A_626], %mul3A_672 : memref<128x128xf32, #tpu.memory_space<vmem>>[vector<16xi32>, vector<16xi32>], vector<16xf32>,
      %broadcast_in_dim3A_673 = arith.constant 5 : i32
      %broadcast_in_dim3A_674 = vector.broadcast %broadcast_in_dim3A_673 : i32 to vector<16xi32>
      tpu.vector_store_idx %arg10[%add3A_595, %broadcast_in_dim3A_674], %mul3A_672 : memref<128x8xf32, #tpu.memory_space<vmem>>[vector<16xi32>, vector<16xi32>], vector<16xf32>,
      %mul3A_675 = arith.mulf %exp3A_635, %div3A_647 : vector<16xf32>
      %neg3A_676 = arith.constant 0.000000e+00 : f32
      %neg3A_677 = vector.broadcast %neg3A_676 : f32 to vector<16xf32>
      %neg3A_678 = arith.subf %neg3A_677, %mul3A_675 : vector<16xf32>
      tpu.vector_store_idx %arg8[%add3A_595, %broadcast_in_dim3A_630], %neg3A_678 : memref<128x128xf32, #tpu.memory_space<vmem>>[vector<16xi32>, vector<16xi32>], vector<16xf32>,
      %broadcast_in_dim3A_679 = arith.constant 6 : i32
      %broadcast_in_dim3A_680 = vector.broadcast %broadcast_in_dim3A_679 : i32 to vector<16xi32>
      tpu.vector_store_idx %arg10[%add3A_595, %broadcast_in_dim3A_680], %neg3A_678 : memref<128x8xf32, #tpu.memory_space<vmem>>[vector<16xi32>, vector<16xi32>], vector<16xf32>,
      %mul3A_681 = arith.mulf %exp3A_639, %div3A_647 : vector<16xf32>
      tpu.vector_store_idx %arg8[%add3A_595, %broadcast_in_dim3A_637], %mul3A_681 : memref<128x128xf32, #tpu.memory_space<vmem>>[vector<16xi32>, vector<16xi32>], vector<16xf32>,
      %broadcast_in_dim3A_682 = arith.constant 7 : i32
      %broadcast_in_dim3A_683 = vector.broadcast %broadcast_in_dim3A_682 : i32 to vector<16xi32>
      tpu.vector_store_idx %arg10[%add3A_595, %broadcast_in_dim3A_683], %mul3A_681 : memref<128x8xf32, #tpu.memory_space<vmem>>[vector<16xi32>, vector<16xi32>], vector<16xf32>,
      %add3A_684 = arith.constant 112 : i32
      %add3A_685 = vector.broadcast %add3A_684 : i32 to vector<16xi32>
      %add3A_686 = arith.addi %iota3A, %add3A_685 : vector<16xi32>
      %broadcast_in_dim3A_687 = arith.constant 3 : i32
      %broadcast_in_dim3A_688 = vector.broadcast %broadcast_in_dim3A_687 : i32 to vector<16xi32>
      %gather3A_689 = tpu.vector_load_idx %arg6[%add3A_686, %broadcast_in_dim3A_688] : memref<128x128xf32, #tpu.memory_space<vmem>>[vector<16xi32>, vector<16xi32>], vector<16xf32>,
      %neg3A_690 = arith.constant 0.000000e+00 : f32
      %neg3A_691 = vector.broadcast %neg3A_690 : f32 to vector<16xf32>
      %neg3A_692 = arith.subf %neg3A_691, %gather3A_689 : vector<16xf32>
      %exp3A_693 = math.exp %neg3A_692 : vector<16xf32>
      %broadcast_in_dim3A_694 = arith.constant 17 : i32
      %broadcast_in_dim3A_695 = vector.broadcast %broadcast_in_dim3A_694 : i32 to vector<16xi32>
      %gather3A_696 = tpu.vector_load_idx %arg6[%add3A_686, %broadcast_in_dim3A_695] : memref<128x128xf32, #tpu.memory_space<vmem>>[vector<16xi32>, vector<16xi32>], vector<16xf32>,
      %exp3A_697 = math.exp %gather3A_696 : vector<16xf32>
      %broadcast_in_dim3A_698 = arith.constant 42 : i32
      %broadcast_in_dim3A_699 = vector.broadcast %broadcast_in_dim3A_698 : i32 to vector<16xi32>
      %gather3A_700 = tpu.vector_load_idx %arg6[%add3A_686, %broadcast_in_dim3A_699] : memref<128x128xf32, #tpu.memory_space<vmem>>[vector<16xi32>, vector<16xi32>], vector<16xf32>,
      %neg3A_701 = arith.constant 0.000000e+00 : f32
      %neg3A_702 = vector.broadcast %neg3A_701 : f32 to vector<16xf32>
      %neg3A_703 = arith.subf %neg3A_702, %gather3A_700 : vector<16xf32>
      %exp3A_704 = math.exp %neg3A_703 : vector<16xf32>
      %broadcast_in_dim3A_705 = arith.constant 63 : i32
      %broadcast_in_dim3A_706 = vector.broadcast %broadcast_in_dim3A_705 : i32 to vector<16xi32>
      %gather3A_707 = tpu.vector_load_idx %arg6[%add3A_686, %broadcast_in_dim3A_706] : memref<128x128xf32, #tpu.memory_space<vmem>>[vector<16xi32>, vector<16xi32>], vector<16xf32>,
      %exp3A_708 = math.exp %gather3A_707 : vector<16xf32>
      %broadcast_in_dim3A_709 = arith.constant 77 : i32
      %broadcast_in_dim3A_710 = vector.broadcast %broadcast_in_dim3A_709 : i32 to vector<16xi32>
      %gather3A_711 = tpu.vector_load_idx %arg6[%add3A_686, %broadcast_in_dim3A_710] : memref<128x128xf32, #tpu.memory_space<vmem>>[vector<16xi32>, vector<16xi32>], vector<16xf32>,
      %neg3A_712 = arith.constant 0.000000e+00 : f32
      %neg3A_713 = vector.broadcast %neg3A_712 : f32 to vector<16xf32>
      %neg3A_714 = arith.subf %neg3A_713, %gather3A_711 : vector<16xf32>
      %exp3A_715 = math.exp %neg3A_714 : vector<16xf32>
      %broadcast_in_dim3A_716 = arith.constant 99 : i32
      %broadcast_in_dim3A_717 = vector.broadcast %broadcast_in_dim3A_716 : i32 to vector<16xi32>
      %gather3A_718 = tpu.vector_load_idx %arg6[%add3A_686, %broadcast_in_dim3A_717] : memref<128x128xf32, #tpu.memory_space<vmem>>[vector<16xi32>, vector<16xi32>], vector<16xf32>,
      %exp3A_719 = math.exp %gather3A_718 : vector<16xf32>
      %broadcast_in_dim3A_720 = arith.constant 110 : i32
      %broadcast_in_dim3A_721 = vector.broadcast %broadcast_in_dim3A_720 : i32 to vector<16xi32>
      %gather3A_722 = tpu.vector_load_idx %arg6[%add3A_686, %broadcast_in_dim3A_721] : memref<128x128xf32, #tpu.memory_space<vmem>>[vector<16xi32>, vector<16xi32>], vector<16xf32>,
      %neg3A_723 = arith.constant 0.000000e+00 : f32
      %neg3A_724 = vector.broadcast %neg3A_723 : f32 to vector<16xf32>
      %neg3A_725 = arith.subf %neg3A_724, %gather3A_722 : vector<16xf32>
      %exp3A_726 = math.exp %neg3A_725 : vector<16xf32>
      %broadcast_in_dim3A_727 = arith.constant 120 : i32
      %broadcast_in_dim3A_728 = vector.broadcast %broadcast_in_dim3A_727 : i32 to vector<16xi32>
      %gather3A_729 = tpu.vector_load_idx %arg6[%add3A_686, %broadcast_in_dim3A_728] : memref<128x128xf32, #tpu.memory_space<vmem>>[vector<16xi32>, vector<16xi32>], vector<16xf32>,
      %exp3A_730 = math.exp %gather3A_729 : vector<16xf32>
      %add3A_731 = arith.addf %exp3A_693, %exp3A_697 : vector<16xf32>
      %add3A_732 = arith.addf %add3A_731, %exp3A_704 : vector<16xf32>
      %add3A_733 = arith.addf %add3A_732, %exp3A_708 : vector<16xf32>
      %add3A_734 = arith.addf %add3A_733, %exp3A_715 : vector<16xf32>
      %add3A_735 = arith.addf %add3A_734, %exp3A_719 : vector<16xf32>
      %add3A_736 = arith.addf %add3A_735, %exp3A_726 : vector<16xf32>
      %add3A_737 = arith.addf %add3A_736, %exp3A_730 : vector<16xf32>
      %div3A_738 = arith.divf %get3A_3, %add3A_737 : vector<16xf32>
      %mul3A_739 = arith.mulf %exp3A_693, %div3A_738 : vector<16xf32>
      %neg3A_740 = arith.constant 0.000000e+00 : f32
      %neg3A_741 = vector.broadcast %neg3A_740 : f32 to vector<16xf32>
      %neg3A_742 = arith.subf %neg3A_741, %mul3A_739 : vector<16xf32>
      tpu.vector_store_idx %arg8[%add3A_686, %broadcast_in_dim3A_688], %neg3A_742 : memref<128x128xf32, #tpu.memory_space<vmem>>[vector<16xi32>, vector<16xi32>], vector<16xf32>,
      %broadcast_in_dim3A_743 = arith.constant 0 : i32
      %broadcast_in_dim3A_744 = vector.broadcast %broadcast_in_dim3A_743 : i32 to vector<16xi32>
      tpu.vector_store_idx %arg10[%add3A_686, %broadcast_in_dim3A_744], %neg3A_742 : memref<128x8xf32, #tpu.memory_space<vmem>>[vector<16xi32>, vector<16xi32>], vector<16xf32>,
      %mul3A_745 = arith.mulf %exp3A_697, %div3A_738 : vector<16xf32>
      tpu.vector_store_idx %arg8[%add3A_686, %broadcast_in_dim3A_695], %mul3A_745 : memref<128x128xf32, #tpu.memory_space<vmem>>[vector<16xi32>, vector<16xi32>], vector<16xf32>,
      %broadcast_in_dim3A_746 = arith.constant 1 : i32
      %broadcast_in_dim3A_747 = vector.broadcast %broadcast_in_dim3A_746 : i32 to vector<16xi32>
      tpu.vector_store_idx %arg10[%add3A_686, %broadcast_in_dim3A_747], %mul3A_745 : memref<128x8xf32, #tpu.memory_space<vmem>>[vector<16xi32>, vector<16xi32>], vector<16xf32>,
      %mul3A_748 = arith.mulf %exp3A_704, %div3A_738 : vector<16xf32>
      %neg3A_749 = arith.constant 0.000000e+00 : f32
      %neg3A_750 = vector.broadcast %neg3A_749 : f32 to vector<16xf32>
      %neg3A_751 = arith.subf %neg3A_750, %mul3A_748 : vector<16xf32>
      tpu.vector_store_idx %arg8[%add3A_686, %broadcast_in_dim3A_699], %neg3A_751 : memref<128x128xf32, #tpu.memory_space<vmem>>[vector<16xi32>, vector<16xi32>], vector<16xf32>,
      %broadcast_in_dim3A_752 = arith.constant 2 : i32
      %broadcast_in_dim3A_753 = vector.broadcast %broadcast_in_dim3A_752 : i32 to vector<16xi32>
      tpu.vector_store_idx %arg10[%add3A_686, %broadcast_in_dim3A_753], %neg3A_751 : memref<128x8xf32, #tpu.memory_space<vmem>>[vector<16xi32>, vector<16xi32>], vector<16xf32>,
      %mul3A_754 = arith.mulf %exp3A_708, %div3A_738 : vector<16xf32>
      tpu.vector_store_idx %arg8[%add3A_686, %broadcast_in_dim3A_706], %mul3A_754 : memref<128x128xf32, #tpu.memory_space<vmem>>[vector<16xi32>, vector<16xi32>], vector<16xf32>,
      %broadcast_in_dim3A_755 = arith.constant 3 : i32
      %broadcast_in_dim3A_756 = vector.broadcast %broadcast_in_dim3A_755 : i32 to vector<16xi32>
      tpu.vector_store_idx %arg10[%add3A_686, %broadcast_in_dim3A_756], %mul3A_754 : memref<128x8xf32, #tpu.memory_space<vmem>>[vector<16xi32>, vector<16xi32>], vector<16xf32>,
      %mul3A_757 = arith.mulf %exp3A_715, %div3A_738 : vector<16xf32>
      %neg3A_758 = arith.constant 0.000000e+00 : f32
      %neg3A_759 = vector.broadcast %neg3A_758 : f32 to vector<16xf32>
      %neg3A_760 = arith.subf %neg3A_759, %mul3A_757 : vector<16xf32>
      tpu.vector_store_idx %arg8[%add3A_686, %broadcast_in_dim3A_710], %neg3A_760 : memref<128x128xf32, #tpu.memory_space<vmem>>[vector<16xi32>, vector<16xi32>], vector<16xf32>,
      %broadcast_in_dim3A_761 = arith.constant 4 : i32
      %broadcast_in_dim3A_762 = vector.broadcast %broadcast_in_dim3A_761 : i32 to vector<16xi32>
      tpu.vector_store_idx %arg10[%add3A_686, %broadcast_in_dim3A_762], %neg3A_760 : memref<128x8xf32, #tpu.memory_space<vmem>>[vector<16xi32>, vector<16xi32>], vector<16xf32>,
      %mul3A_763 = arith.mulf %exp3A_719, %div3A_738 : vector<16xf32>
      tpu.vector_store_idx %arg8[%add3A_686, %broadcast_in_dim3A_717], %mul3A_763 : memref<128x128xf32, #tpu.memory_space<vmem>>[vector<16xi32>, vector<16xi32>], vector<16xf32>,
      %broadcast_in_dim3A_764 = arith.constant 5 : i32
      %broadcast_in_dim3A_765 = vector.broadcast %broadcast_in_dim3A_764 : i32 to vector<16xi32>
      tpu.vector_store_idx %arg10[%add3A_686, %broadcast_in_dim3A_765], %mul3A_763 : memref<128x8xf32, #tpu.memory_space<vmem>>[vector<16xi32>, vector<16xi32>], vector<16xf32>,
      %mul3A_766 = arith.mulf %exp3A_726, %div3A_738 : vector<16xf32>
      %neg3A_767 = arith.constant 0.000000e+00 : f32
      %neg3A_768 = vector.broadcast %neg3A_767 : f32 to vector<16xf32>
      %neg3A_769 = arith.subf %neg3A_768, %mul3A_766 : vector<16xf32>
      tpu.vector_store_idx %arg8[%add3A_686, %broadcast_in_dim3A_721], %neg3A_769 : memref<128x128xf32, #tpu.memory_space<vmem>>[vector<16xi32>, vector<16xi32>], vector<16xf32>,
      %broadcast_in_dim3A_770 = arith.constant 6 : i32
      %broadcast_in_dim3A_771 = vector.broadcast %broadcast_in_dim3A_770 : i32 to vector<16xi32>
      tpu.vector_store_idx %arg10[%add3A_686, %broadcast_in_dim3A_771], %neg3A_769 : memref<128x8xf32, #tpu.memory_space<vmem>>[vector<16xi32>, vector<16xi32>], vector<16xf32>,
      %mul3A_772 = arith.mulf %exp3A_730, %div3A_738 : vector<16xf32>
      tpu.vector_store_idx %arg8[%add3A_686, %broadcast_in_dim3A_728], %mul3A_772 : memref<128x128xf32, #tpu.memory_space<vmem>>[vector<16xi32>, vector<16xi32>], vector<16xf32>,
      %broadcast_in_dim3A_773 = arith.constant 7 : i32
      %broadcast_in_dim3A_774 = vector.broadcast %broadcast_in_dim3A_773 : i32 to vector<16xi32>
      tpu.vector_store_idx %arg10[%add3A_686, %broadcast_in_dim3A_774], %mul3A_772 : memref<128x8xf32, #tpu.memory_space<vmem>>[vector<16xi32>, vector<16xi32>], vector<16xf32>,
      %mul3A_775 = arith.constant 128 : i32
      %mul3A_776 = arith.muli %mul3A_44, %mul3A_775 : i32
      %add3A_777 = arith.addi %mul3A_2, %mul3A_776 : i32
      %dma_start3A_778 = arith.constant 0 : i32
      %dma_start3A_779 = tpu.memref_slice %arg4[%add3A_777, %dma_start3A_778] : memref<262144x128xf32, #tpu.memory_space<hbm>> -> memref<128x128xf32, #tpu.memory_space<hbm>>
      %dma_start3A_780 = arith.constant 0 : i32
      %dma_start3A_781 = tpu.memref_slice %arg4[%add3A_777, %dma_start3A_780] : memref<262144x128xf32, #tpu.memory_space<hbm>> -> memref<128x128xf32, #tpu.memory_space<hbm>>
      tpu.enqueue_dma source(%arg8 : memref<128x128xf32, #tpu.memory_space<vmem>>) target(%dma_start3A_781 : memref<128x128xf32, #tpu.memory_space<hbm>>) target_semaphore(%arg15 : memref<!tpu.dma_semaphore, #tpu.memory_space<semaphore_mem>>)
      %dma_start3A_782 = arith.constant 0 : i32
      %dma_start3A_783 = tpu.memref_slice %arg5[%add3A_777, %dma_start3A_782] : memref<262144x8xf32, #tpu.memory_space<hbm>> -> memref<128x8xf32, #tpu.memory_space<hbm>>
      %dma_start3A_784 = arith.constant 0 : i32
      %dma_start3A_785 = tpu.memref_slice %arg5[%add3A_777, %dma_start3A_784] : memref<262144x8xf32, #tpu.memory_space<hbm>> -> memref<128x8xf32, #tpu.memory_space<hbm>>
      tpu.enqueue_dma source(%arg10 : memref<128x8xf32, #tpu.memory_space<vmem>>) target(%dma_start3A_785 : memref<128x8xf32, #tpu.memory_space<hbm>>) target_semaphore(%arg17 : memref<!tpu.dma_semaphore, #tpu.memory_space<semaphore_mem>>)
      %lt3A = arith.constant 31 : i32
      %lt3A_786 = arith.cmpi slt, %scan3A_42, %lt3A : i32
      %convert_element_type3A_787 = arith.extui %lt3A_786 : i1 to i32
      %cond3A_788 = arith.constant 0 : i32
      %cond3A_789 = arith.cmpi ne, %convert_element_type3A_787, %cond3A_788 : i32
      scf.if %cond3A_789 {
        %add3A_1545 = arith.constant 2 : i32
        %add3A_1546 = arith.addi %mul3A_44, %add3A_1545 : i32
        %mul3A_1547 = arith.constant 128 : i32
        %mul3A_1548 = arith.muli %add3A_1546, %mul3A_1547 : i32
        %add3A_1549 = arith.addi %mul3A_2, %mul3A_1548 : i32
        %dma_start3A_1550 = arith.constant 0 : i32
        %dma_start3A_1551 = tpu.memref_slice %arg2[%add3A_1549, %dma_start3A_1550] : memref<262144x128xf32, #tpu.memory_space<hbm>> -> memref<128x128xf32, #tpu.memory_space<hbm>>
        %dma_start3A_1552 = arith.constant 0 : i32
        %dma_start3A_1553 = tpu.memref_slice %arg2[%add3A_1549, %dma_start3A_1552] : memref<262144x128xf32, #tpu.memory_space<hbm>> -> memref<128x128xf32, #tpu.memory_space<hbm>>
        tpu.enqueue_dma source(%dma_start3A_1553 : memref<128x128xf32, #tpu.memory_space<hbm>>) target(%arg6 : memref<128x128xf32, #tpu.memory_space<vmem>>) target_semaphore(%arg13 : memref<!tpu.dma_semaphore, #tpu.memory_space<semaphore_mem>>)
      } else {
      }
      %add3A_790 = arith.constant 1 : i32
      %add3A_791 = arith.addi %mul3A_44, %add3A_790 : i32
      %dma_wait3A_792 = arith.constant 0 : i32
      %dma_wait3A_793 = tpu.memref_slice %arg2[%mul3A_2, %dma_wait3A_792] : memref<262144x128xf32, #tpu.memory_space<hbm>> -> memref<128x128xf32, #tpu.memory_space<hbm>>
      %dma_wait3A_794 = arith.constant 0 : i32
      %dma_wait3A_795 = tpu.memref_slice %arg2[%mul3A_2, %dma_wait3A_794] : memref<262144x128xf32, #tpu.memory_space<hbm>> -> memref<128x128xf32, #tpu.memory_space<hbm>>
      tpu.wait_dma2 semaphore(%arg14 : memref<!tpu.dma_semaphore, #tpu.memory_space<semaphore_mem>>) src(%dma_wait3A_795 : memref<128x128xf32, #tpu.memory_space<hbm>>) dst(%arg7 : memref<128x128xf32, #tpu.memory_space<vmem>>)
      %gt3A_796 = arith.constant 0 : i32
      %gt3A_797 = arith.cmpi sgt, %scan3A_42, %gt3A_796 : i32
      %convert_element_type3A_798 = arith.extui %gt3A_797 : i1 to i32
      %cond3A_799 = arith.constant 0 : i32
      %cond3A_800 = arith.cmpi ne, %convert_element_type3A_798, %cond3A_799 : i32
      scf.if %cond3A_800 {
        %dma_wait3A_1545 = arith.constant 0 : i32
        %dma_wait3A_1546 = tpu.memref_slice %arg4[%mul3A_2, %dma_wait3A_1545] : memref<262144x128xf32, #tpu.memory_space<hbm>> -> memref<128x128xf32, #tpu.memory_space<hbm>>
        %dma_wait3A_1547 = arith.constant 0 : i32
        %dma_wait3A_1548 = tpu.memref_slice %arg4[%mul3A_2, %dma_wait3A_1547] : memref<262144x128xf32, #tpu.memory_space<hbm>> -> memref<128x128xf32, #tpu.memory_space<hbm>>
        tpu.wait_dma2 semaphore(%arg16 : memref<!tpu.dma_semaphore, #tpu.memory_space<semaphore_mem>>) src(%arg9 : memref<128x128xf32, #tpu.memory_space<vmem>>) dst(%dma_wait3A_1548 : memref<128x128xf32, #tpu.memory_space<hbm>>)
        %dma_wait3A_1549 = arith.constant 0 : i32
        %dma_wait3A_1550 = tpu.memref_slice %arg5[%mul3A_2, %dma_wait3A_1549] : memref<262144x8xf32, #tpu.memory_space<hbm>> -> memref<128x8xf32, #tpu.memory_space<hbm>>
        %dma_wait3A_1551 = arith.constant 0 : i32
        %dma_wait3A_1552 = tpu.memref_slice %arg5[%mul3A_2, %dma_wait3A_1551] : memref<262144x8xf32, #tpu.memory_space<hbm>> -> memref<128x8xf32, #tpu.memory_space<hbm>>
        tpu.wait_dma2 semaphore(%arg18 : memref<!tpu.dma_semaphore, #tpu.memory_space<semaphore_mem>>) src(%arg11 : memref<128x8xf32, #tpu.memory_space<vmem>>) dst(%dma_wait3A_1552 : memref<128x8xf32, #tpu.memory_space<hbm>>)
      } else {
      }
      %add3A_801 = arith.constant 0 : i32
      %add3A_802 = vector.broadcast %add3A_801 : i32 to vector<16xi32>
      %add3A_803 = arith.addi %iota3A, %add3A_802 : vector<16xi32>
      %broadcast_in_dim3A_804 = arith.constant 3 : i32
      %broadcast_in_dim3A_805 = vector.broadcast %broadcast_in_dim3A_804 : i32 to vector<16xi32>
      %gather3A_806 = tpu.vector_load_idx %arg7[%add3A_803, %broadcast_in_dim3A_805] : memref<128x128xf32, #tpu.memory_space<vmem>>[vector<16xi32>, vector<16xi32>], vector<16xf32>,
      %neg3A_807 = arith.constant 0.000000e+00 : f32
      %neg3A_808 = vector.broadcast %neg3A_807 : f32 to vector<16xf32>
      %neg3A_809 = arith.subf %neg3A_808, %gather3A_806 : vector<16xf32>
      %exp3A_810 = math.exp %neg3A_809 : vector<16xf32>
      %broadcast_in_dim3A_811 = arith.constant 17 : i32
      %broadcast_in_dim3A_812 = vector.broadcast %broadcast_in_dim3A_811 : i32 to vector<16xi32>
      %gather3A_813 = tpu.vector_load_idx %arg7[%add3A_803, %broadcast_in_dim3A_812] : memref<128x128xf32, #tpu.memory_space<vmem>>[vector<16xi32>, vector<16xi32>], vector<16xf32>,
      %exp3A_814 = math.exp %gather3A_813 : vector<16xf32>
      %broadcast_in_dim3A_815 = arith.constant 42 : i32
      %broadcast_in_dim3A_816 = vector.broadcast %broadcast_in_dim3A_815 : i32 to vector<16xi32>
      %gather3A_817 = tpu.vector_load_idx %arg7[%add3A_803, %broadcast_in_dim3A_816] : memref<128x128xf32, #tpu.memory_space<vmem>>[vector<16xi32>, vector<16xi32>], vector<16xf32>,
      %neg3A_818 = arith.constant 0.000000e+00 : f32
      %neg3A_819 = vector.broadcast %neg3A_818 : f32 to vector<16xf32>
      %neg3A_820 = arith.subf %neg3A_819, %gather3A_817 : vector<16xf32>
      %exp3A_821 = math.exp %neg3A_820 : vector<16xf32>
      %broadcast_in_dim3A_822 = arith.constant 63 : i32
      %broadcast_in_dim3A_823 = vector.broadcast %broadcast_in_dim3A_822 : i32 to vector<16xi32>
      %gather3A_824 = tpu.vector_load_idx %arg7[%add3A_803, %broadcast_in_dim3A_823] : memref<128x128xf32, #tpu.memory_space<vmem>>[vector<16xi32>, vector<16xi32>], vector<16xf32>,
      %exp3A_825 = math.exp %gather3A_824 : vector<16xf32>
      %broadcast_in_dim3A_826 = arith.constant 77 : i32
      %broadcast_in_dim3A_827 = vector.broadcast %broadcast_in_dim3A_826 : i32 to vector<16xi32>
      %gather3A_828 = tpu.vector_load_idx %arg7[%add3A_803, %broadcast_in_dim3A_827] : memref<128x128xf32, #tpu.memory_space<vmem>>[vector<16xi32>, vector<16xi32>], vector<16xf32>,
      %neg3A_829 = arith.constant 0.000000e+00 : f32
      %neg3A_830 = vector.broadcast %neg3A_829 : f32 to vector<16xf32>
      %neg3A_831 = arith.subf %neg3A_830, %gather3A_828 : vector<16xf32>
      %exp3A_832 = math.exp %neg3A_831 : vector<16xf32>
      %broadcast_in_dim3A_833 = arith.constant 99 : i32
      %broadcast_in_dim3A_834 = vector.broadcast %broadcast_in_dim3A_833 : i32 to vector<16xi32>
      %gather3A_835 = tpu.vector_load_idx %arg7[%add3A_803, %broadcast_in_dim3A_834] : memref<128x128xf32, #tpu.memory_space<vmem>>[vector<16xi32>, vector<16xi32>], vector<16xf32>,
      %exp3A_836 = math.exp %gather3A_835 : vector<16xf32>
      %broadcast_in_dim3A_837 = arith.constant 110 : i32
      %broadcast_in_dim3A_838 = vector.broadcast %broadcast_in_dim3A_837 : i32 to vector<16xi32>
      %gather3A_839 = tpu.vector_load_idx %arg7[%add3A_803, %broadcast_in_dim3A_838] : memref<128x128xf32, #tpu.memory_space<vmem>>[vector<16xi32>, vector<16xi32>], vector<16xf32>,
      %neg3A_840 = arith.constant 0.000000e+00 : f32
      %neg3A_841 = vector.broadcast %neg3A_840 : f32 to vector<16xf32>
      %neg3A_842 = arith.subf %neg3A_841, %gather3A_839 : vector<16xf32>
      %exp3A_843 = math.exp %neg3A_842 : vector<16xf32>
      %broadcast_in_dim3A_844 = arith.constant 120 : i32
      %broadcast_in_dim3A_845 = vector.broadcast %broadcast_in_dim3A_844 : i32 to vector<16xi32>
      %gather3A_846 = tpu.vector_load_idx %arg7[%add3A_803, %broadcast_in_dim3A_845] : memref<128x128xf32, #tpu.memory_space<vmem>>[vector<16xi32>, vector<16xi32>], vector<16xf32>,
      %exp3A_847 = math.exp %gather3A_846 : vector<16xf32>
      %add3A_848 = arith.addf %exp3A_810, %exp3A_814 : vector<16xf32>
      %add3A_849 = arith.addf %add3A_848, %exp3A_821 : vector<16xf32>
      %add3A_850 = arith.addf %add3A_849, %exp3A_825 : vector<16xf32>
      %add3A_851 = arith.addf %add3A_850, %exp3A_832 : vector<16xf32>
      %add3A_852 = arith.addf %add3A_851, %exp3A_836 : vector<16xf32>
      %add3A_853 = arith.addf %add3A_852, %exp3A_843 : vector<16xf32>
      %add3A_854 = arith.addf %add3A_853, %exp3A_847 : vector<16xf32>
      %div3A_855 = arith.divf %get3A_3, %add3A_854 : vector<16xf32>
      %mul3A_856 = arith.mulf %exp3A_810, %div3A_855 : vector<16xf32>
      %neg3A_857 = arith.constant 0.000000e+00 : f32
      %neg3A_858 = vector.broadcast %neg3A_857 : f32 to vector<16xf32>
      %neg3A_859 = arith.subf %neg3A_858, %mul3A_856 : vector<16xf32>
      tpu.vector_store_idx %arg9[%add3A_803, %broadcast_in_dim3A_805], %neg3A_859 : memref<128x128xf32, #tpu.memory_space<vmem>>[vector<16xi32>, vector<16xi32>], vector<16xf32>,
      %broadcast_in_dim3A_860 = arith.constant 0 : i32
      %broadcast_in_dim3A_861 = vector.broadcast %broadcast_in_dim3A_860 : i32 to vector<16xi32>
      tpu.vector_store_idx %arg11[%add3A_803, %broadcast_in_dim3A_861], %neg3A_859 : memref<128x8xf32, #tpu.memory_space<vmem>>[vector<16xi32>, vector<16xi32>], vector<16xf32>,
      %mul3A_862 = arith.mulf %exp3A_814, %div3A_855 : vector<16xf32>
      tpu.vector_store_idx %arg9[%add3A_803, %broadcast_in_dim3A_812], %mul3A_862 : memref<128x128xf32, #tpu.memory_space<vmem>>[vector<16xi32>, vector<16xi32>], vector<16xf32>,
      %broadcast_in_dim3A_863 = arith.constant 1 : i32
      %broadcast_in_dim3A_864 = vector.broadcast %broadcast_in_dim3A_863 : i32 to vector<16xi32>
      tpu.vector_store_idx %arg11[%add3A_803, %broadcast_in_dim3A_864], %mul3A_862 : memref<128x8xf32, #tpu.memory_space<vmem>>[vector<16xi32>, vector<16xi32>], vector<16xf32>,
      %mul3A_865 = arith.mulf %exp3A_821, %div3A_855 : vector<16xf32>
      %neg3A_866 = arith.constant 0.000000e+00 : f32
      %neg3A_867 = vector.broadcast %neg3A_866 : f32 to vector<16xf32>
      %neg3A_868 = arith.subf %neg3A_867, %mul3A_865 : vector<16xf32>
      tpu.vector_store_idx %arg9[%add3A_803, %broadcast_in_dim3A_816], %neg3A_868 : memref<128x128xf32, #tpu.memory_space<vmem>>[vector<16xi32>, vector<16xi32>], vector<16xf32>,
      %broadcast_in_dim3A_869 = arith.constant 2 : i32
      %broadcast_in_dim3A_870 = vector.broadcast %broadcast_in_dim3A_869 : i32 to vector<16xi32>
      tpu.vector_store_idx %arg11[%add3A_803, %broadcast_in_dim3A_870], %neg3A_868 : memref<128x8xf32, #tpu.memory_space<vmem>>[vector<16xi32>, vector<16xi32>], vector<16xf32>,
      %mul3A_871 = arith.mulf %exp3A_825, %div3A_855 : vector<16xf32>
      tpu.vector_store_idx %arg9[%add3A_803, %broadcast_in_dim3A_823], %mul3A_871 : memref<128x128xf32, #tpu.memory_space<vmem>>[vector<16xi32>, vector<16xi32>], vector<16xf32>,
      %broadcast_in_dim3A_872 = arith.constant 3 : i32
      %broadcast_in_dim3A_873 = vector.broadcast %broadcast_in_dim3A_872 : i32 to vector<16xi32>
      tpu.vector_store_idx %arg11[%add3A_803, %broadcast_in_dim3A_873], %mul3A_871 : memref<128x8xf32, #tpu.memory_space<vmem>>[vector<16xi32>, vector<16xi32>], vector<16xf32>,
      %mul3A_874 = arith.mulf %exp3A_832, %div3A_855 : vector<16xf32>
      %neg3A_875 = arith.constant 0.000000e+00 : f32
      %neg3A_876 = vector.broadcast %neg3A_875 : f32 to vector<16xf32>
      %neg3A_877 = arith.subf %neg3A_876, %mul3A_874 : vector<16xf32>
      tpu.vector_store_idx %arg9[%add3A_803, %broadcast_in_dim3A_827], %neg3A_877 : memref<128x128xf32, #tpu.memory_space<vmem>>[vector<16xi32>, vector<16xi32>], vector<16xf32>,
      %broadcast_in_dim3A_878 = arith.constant 4 : i32
      %broadcast_in_dim3A_879 = vector.broadcast %broadcast_in_dim3A_878 : i32 to vector<16xi32>
      tpu.vector_store_idx %arg11[%add3A_803, %broadcast_in_dim3A_879], %neg3A_877 : memref<128x8xf32, #tpu.memory_space<vmem>>[vector<16xi32>, vector<16xi32>], vector<16xf32>,
      %mul3A_880 = arith.mulf %exp3A_836, %div3A_855 : vector<16xf32>
      tpu.vector_store_idx %arg9[%add3A_803, %broadcast_in_dim3A_834], %mul3A_880 : memref<128x128xf32, #tpu.memory_space<vmem>>[vector<16xi32>, vector<16xi32>], vector<16xf32>,
      %broadcast_in_dim3A_881 = arith.constant 5 : i32
      %broadcast_in_dim3A_882 = vector.broadcast %broadcast_in_dim3A_881 : i32 to vector<16xi32>
      tpu.vector_store_idx %arg11[%add3A_803, %broadcast_in_dim3A_882], %mul3A_880 : memref<128x8xf32, #tpu.memory_space<vmem>>[vector<16xi32>, vector<16xi32>], vector<16xf32>,
      %mul3A_883 = arith.mulf %exp3A_843, %div3A_855 : vector<16xf32>
      %neg3A_884 = arith.constant 0.000000e+00 : f32
      %neg3A_885 = vector.broadcast %neg3A_884 : f32 to vector<16xf32>
      %neg3A_886 = arith.subf %neg3A_885, %mul3A_883 : vector<16xf32>
      tpu.vector_store_idx %arg9[%add3A_803, %broadcast_in_dim3A_838], %neg3A_886 : memref<128x128xf32, #tpu.memory_space<vmem>>[vector<16xi32>, vector<16xi32>], vector<16xf32>,
      %broadcast_in_dim3A_887 = arith.constant 6 : i32
      %broadcast_in_dim3A_888 = vector.broadcast %broadcast_in_dim3A_887 : i32 to vector<16xi32>
      tpu.vector_store_idx %arg11[%add3A_803, %broadcast_in_dim3A_888], %neg3A_886 : memref<128x8xf32, #tpu.memory_space<vmem>>[vector<16xi32>, vector<16xi32>], vector<16xf32>,
      %mul3A_889 = arith.mulf %exp3A_847, %div3A_855 : vector<16xf32>
      tpu.vector_store_idx %arg9[%add3A_803, %broadcast_in_dim3A_845], %mul3A_889 : memref<128x128xf32, #tpu.memory_space<vmem>>[vector<16xi32>, vector<16xi32>], vector<16xf32>,
      %broadcast_in_dim3A_890 = arith.constant 7 : i32
      %broadcast_in_dim3A_891 = vector.broadcast %broadcast_in_dim3A_890 : i32 to vector<16xi32>
      tpu.vector_store_idx %arg11[%add3A_803, %broadcast_in_dim3A_891], %mul3A_889 : memref<128x8xf32, #tpu.memory_space<vmem>>[vector<16xi32>, vector<16xi32>], vector<16xf32>,
      %add3A_892 = arith.constant 16 : i32
      %add3A_893 = vector.broadcast %add3A_892 : i32 to vector<16xi32>
      %add3A_894 = arith.addi %iota3A, %add3A_893 : vector<16xi32>
      %broadcast_in_dim3A_895 = arith.constant 3 : i32
      %broadcast_in_dim3A_896 = vector.broadcast %broadcast_in_dim3A_895 : i32 to vector<16xi32>
      %gather3A_897 = tpu.vector_load_idx %arg7[%add3A_894, %broadcast_in_dim3A_896] : memref<128x128xf32, #tpu.memory_space<vmem>>[vector<16xi32>, vector<16xi32>], vector<16xf32>,
      %neg3A_898 = arith.constant 0.000000e+00 : f32
      %neg3A_899 = vector.broadcast %neg3A_898 : f32 to vector<16xf32>
      %neg3A_900 = arith.subf %neg3A_899, %gather3A_897 : vector<16xf32>
      %exp3A_901 = math.exp %neg3A_900 : vector<16xf32>
      %broadcast_in_dim3A_902 = arith.constant 17 : i32
      %broadcast_in_dim3A_903 = vector.broadcast %broadcast_in_dim3A_902 : i32 to vector<16xi32>
      %gather3A_904 = tpu.vector_load_idx %arg7[%add3A_894, %broadcast_in_dim3A_903] : memref<128x128xf32, #tpu.memory_space<vmem>>[vector<16xi32>, vector<16xi32>], vector<16xf32>,
      %exp3A_905 = math.exp %gather3A_904 : vector<16xf32>
      %broadcast_in_dim3A_906 = arith.constant 42 : i32
      %broadcast_in_dim3A_907 = vector.broadcast %broadcast_in_dim3A_906 : i32 to vector<16xi32>
      %gather3A_908 = tpu.vector_load_idx %arg7[%add3A_894, %broadcast_in_dim3A_907] : memref<128x128xf32, #tpu.memory_space<vmem>>[vector<16xi32>, vector<16xi32>], vector<16xf32>,
      %neg3A_909 = arith.constant 0.000000e+00 : f32
      %neg3A_910 = vector.broadcast %neg3A_909 : f32 to vector<16xf32>
      %neg3A_911 = arith.subf %neg3A_910, %gather3A_908 : vector<16xf32>
      %exp3A_912 = math.exp %neg3A_911 : vector<16xf32>
      %broadcast_in_dim3A_913 = arith.constant 63 : i32
      %broadcast_in_dim3A_914 = vector.broadcast %broadcast_in_dim3A_913 : i32 to vector<16xi32>
      %gather3A_915 = tpu.vector_load_idx %arg7[%add3A_894, %broadcast_in_dim3A_914] : memref<128x128xf32, #tpu.memory_space<vmem>>[vector<16xi32>, vector<16xi32>], vector<16xf32>,
      %exp3A_916 = math.exp %gather3A_915 : vector<16xf32>
      %broadcast_in_dim3A_917 = arith.constant 77 : i32
      %broadcast_in_dim3A_918 = vector.broadcast %broadcast_in_dim3A_917 : i32 to vector<16xi32>
      %gather3A_919 = tpu.vector_load_idx %arg7[%add3A_894, %broadcast_in_dim3A_918] : memref<128x128xf32, #tpu.memory_space<vmem>>[vector<16xi32>, vector<16xi32>], vector<16xf32>,
      %neg3A_920 = arith.constant 0.000000e+00 : f32
      %neg3A_921 = vector.broadcast %neg3A_920 : f32 to vector<16xf32>
      %neg3A_922 = arith.subf %neg3A_921, %gather3A_919 : vector<16xf32>
      %exp3A_923 = math.exp %neg3A_922 : vector<16xf32>
      %broadcast_in_dim3A_924 = arith.constant 99 : i32
      %broadcast_in_dim3A_925 = vector.broadcast %broadcast_in_dim3A_924 : i32 to vector<16xi32>
      %gather3A_926 = tpu.vector_load_idx %arg7[%add3A_894, %broadcast_in_dim3A_925] : memref<128x128xf32, #tpu.memory_space<vmem>>[vector<16xi32>, vector<16xi32>], vector<16xf32>,
      %exp3A_927 = math.exp %gather3A_926 : vector<16xf32>
      %broadcast_in_dim3A_928 = arith.constant 110 : i32
      %broadcast_in_dim3A_929 = vector.broadcast %broadcast_in_dim3A_928 : i32 to vector<16xi32>
      %gather3A_930 = tpu.vector_load_idx %arg7[%add3A_894, %broadcast_in_dim3A_929] : memref<128x128xf32, #tpu.memory_space<vmem>>[vector<16xi32>, vector<16xi32>], vector<16xf32>,
      %neg3A_931 = arith.constant 0.000000e+00 : f32
      %neg3A_932 = vector.broadcast %neg3A_931 : f32 to vector<16xf32>
      %neg3A_933 = arith.subf %neg3A_932, %gather3A_930 : vector<16xf32>
      %exp3A_934 = math.exp %neg3A_933 : vector<16xf32>
      %broadcast_in_dim3A_935 = arith.constant 120 : i32
      %broadcast_in_dim3A_936 = vector.broadcast %broadcast_in_dim3A_935 : i32 to vector<16xi32>
      %gather3A_937 = tpu.vector_load_idx %arg7[%add3A_894, %broadcast_in_dim3A_936] : memref<128x128xf32, #tpu.memory_space<vmem>>[vector<16xi32>, vector<16xi32>], vector<16xf32>,
      %exp3A_938 = math.exp %gather3A_937 : vector<16xf32>
      %add3A_939 = arith.addf %exp3A_901, %exp3A_905 : vector<16xf32>
      %add3A_940 = arith.addf %add3A_939, %exp3A_912 : vector<16xf32>
      %add3A_941 = arith.addf %add3A_940, %exp3A_916 : vector<16xf32>
      %add3A_942 = arith.addf %add3A_941, %exp3A_923 : vector<16xf32>
      %add3A_943 = arith.addf %add3A_942, %exp3A_927 : vector<16xf32>
      %add3A_944 = arith.addf %add3A_943, %exp3A_934 : vector<16xf32>
      %add3A_945 = arith.addf %add3A_944, %exp3A_938 : vector<16xf32>
      %div3A_946 = arith.divf %get3A_3, %add3A_945 : vector<16xf32>
      %mul3A_947 = arith.mulf %exp3A_901, %div3A_946 : vector<16xf32>
      %neg3A_948 = arith.constant 0.000000e+00 : f32
      %neg3A_949 = vector.broadcast %neg3A_948 : f32 to vector<16xf32>
      %neg3A_950 = arith.subf %neg3A_949, %mul3A_947 : vector<16xf32>
      tpu.vector_store_idx %arg9[%add3A_894, %broadcast_in_dim3A_896], %neg3A_950 : memref<128x128xf32, #tpu.memory_space<vmem>>[vector<16xi32>, vector<16xi32>], vector<16xf32>,
      %broadcast_in_dim3A_951 = arith.constant 0 : i32
      %broadcast_in_dim3A_952 = vector.broadcast %broadcast_in_dim3A_951 : i32 to vector<16xi32>
      tpu.vector_store_idx %arg11[%add3A_894, %broadcast_in_dim3A_952], %neg3A_950 : memref<128x8xf32, #tpu.memory_space<vmem>>[vector<16xi32>, vector<16xi32>], vector<16xf32>,
      %mul3A_953 = arith.mulf %exp3A_905, %div3A_946 : vector<16xf32>
      tpu.vector_store_idx %arg9[%add3A_894, %broadcast_in_dim3A_903], %mul3A_953 : memref<128x128xf32, #tpu.memory_space<vmem>>[vector<16xi32>, vector<16xi32>], vector<16xf32>,
      %broadcast_in_dim3A_954 = arith.constant 1 : i32
      %broadcast_in_dim3A_955 = vector.broadcast %broadcast_in_dim3A_954 : i32 to vector<16xi32>
      tpu.vector_store_idx %arg11[%add3A_894, %broadcast_in_dim3A_955], %mul3A_953 : memref<128x8xf32, #tpu.memory_space<vmem>>[vector<16xi32>, vector<16xi32>], vector<16xf32>,
      %mul3A_956 = arith.mulf %exp3A_912, %div3A_946 : vector<16xf32>
      %neg3A_957 = arith.constant 0.000000e+00 : f32
      %neg3A_958 = vector.broadcast %neg3A_957 : f32 to vector<16xf32>
      %neg3A_959 = arith.subf %neg3A_958, %mul3A_956 : vector<16xf32>
      tpu.vector_store_idx %arg9[%add3A_894, %broadcast_in_dim3A_907], %neg3A_959 : memref<128x128xf32, #tpu.memory_space<vmem>>[vector<16xi32>, vector<16xi32>], vector<16xf32>,
      %broadcast_in_dim3A_960 = arith.constant 2 : i32
      %broadcast_in_dim3A_961 = vector.broadcast %broadcast_in_dim3A_960 : i32 to vector<16xi32>
      tpu.vector_store_idx %arg11[%add3A_894, %broadcast_in_dim3A_961], %neg3A_959 : memref<128x8xf32, #tpu.memory_space<vmem>>[vector<16xi32>, vector<16xi32>], vector<16xf32>,
      %mul3A_962 = arith.mulf %exp3A_916, %div3A_946 : vector<16xf32>
      tpu.vector_store_idx %arg9[%add3A_894, %broadcast_in_dim3A_914], %mul3A_962 : memref<128x128xf32, #tpu.memory_space<vmem>>[vector<16xi32>, vector<16xi32>], vector<16xf32>,
      %broadcast_in_dim3A_963 = arith.constant 3 : i32
      %broadcast_in_dim3A_964 = vector.broadcast %broadcast_in_dim3A_963 : i32 to vector<16xi32>
      tpu.vector_store_idx %arg11[%add3A_894, %broadcast_in_dim3A_964], %mul3A_962 : memref<128x8xf32, #tpu.memory_space<vmem>>[vector<16xi32>, vector<16xi32>], vector<16xf32>,
      %mul3A_965 = arith.mulf %exp3A_923, %div3A_946 : vector<16xf32>
      %neg3A_966 = arith.constant 0.000000e+00 : f32
      %neg3A_967 = vector.broadcast %neg3A_966 : f32 to vector<16xf32>
      %neg3A_968 = arith.subf %neg3A_967, %mul3A_965 : vector<16xf32>
      tpu.vector_store_idx %arg9[%add3A_894, %broadcast_in_dim3A_918], %neg3A_968 : memref<128x128xf32, #tpu.memory_space<vmem>>[vector<16xi32>, vector<16xi32>], vector<16xf32>,
      %broadcast_in_dim3A_969 = arith.constant 4 : i32
      %broadcast_in_dim3A_970 = vector.broadcast %broadcast_in_dim3A_969 : i32 to vector<16xi32>
      tpu.vector_store_idx %arg11[%add3A_894, %broadcast_in_dim3A_970], %neg3A_968 : memref<128x8xf32, #tpu.memory_space<vmem>>[vector<16xi32>, vector<16xi32>], vector<16xf32>,
      %mul3A_971 = arith.mulf %exp3A_927, %div3A_946 : vector<16xf32>
      tpu.vector_store_idx %arg9[%add3A_894, %broadcast_in_dim3A_925], %mul3A_971 : memref<128x128xf32, #tpu.memory_space<vmem>>[vector<16xi32>, vector<16xi32>], vector<16xf32>,
      %broadcast_in_dim3A_972 = arith.constant 5 : i32
      %broadcast_in_dim3A_973 = vector.broadcast %broadcast_in_dim3A_972 : i32 to vector<16xi32>
      tpu.vector_store_idx %arg11[%add3A_894, %broadcast_in_dim3A_973], %mul3A_971 : memref<128x8xf32, #tpu.memory_space<vmem>>[vector<16xi32>, vector<16xi32>], vector<16xf32>,
      %mul3A_974 = arith.mulf %exp3A_934, %div3A_946 : vector<16xf32>
      %neg3A_975 = arith.constant 0.000000e+00 : f32
      %neg3A_976 = vector.broadcast %neg3A_975 : f32 to vector<16xf32>
      %neg3A_977 = arith.subf %neg3A_976, %mul3A_974 : vector<16xf32>
      tpu.vector_store_idx %arg9[%add3A_894, %broadcast_in_dim3A_929], %neg3A_977 : memref<128x128xf32, #tpu.memory_space<vmem>>[vector<16xi32>, vector<16xi32>], vector<16xf32>,
      %broadcast_in_dim3A_978 = arith.constant 6 : i32
      %broadcast_in_dim3A_979 = vector.broadcast %broadcast_in_dim3A_978 : i32 to vector<16xi32>
      tpu.vector_store_idx %arg11[%add3A_894, %broadcast_in_dim3A_979], %neg3A_977 : memref<128x8xf32, #tpu.memory_space<vmem>>[vector<16xi32>, vector<16xi32>], vector<16xf32>,
      %mul3A_980 = arith.mulf %exp3A_938, %div3A_946 : vector<16xf32>
      tpu.vector_store_idx %arg9[%add3A_894, %broadcast_in_dim3A_936], %mul3A_980 : memref<128x128xf32, #tpu.memory_space<vmem>>[vector<16xi32>, vector<16xi32>], vector<16xf32>,
      %broadcast_in_dim3A_981 = arith.constant 7 : i32
      %broadcast_in_dim3A_982 = vector.broadcast %broadcast_in_dim3A_981 : i32 to vector<16xi32>
      tpu.vector_store_idx %arg11[%add3A_894, %broadcast_in_dim3A_982], %mul3A_980 : memref<128x8xf32, #tpu.memory_space<vmem>>[vector<16xi32>, vector<16xi32>], vector<16xf32>,
      %add3A_983 = arith.constant 32 : i32
      %add3A_984 = vector.broadcast %add3A_983 : i32 to vector<16xi32>
      %add3A_985 = arith.addi %iota3A, %add3A_984 : vector<16xi32>
      %broadcast_in_dim3A_986 = arith.constant 3 : i32
      %broadcast_in_dim3A_987 = vector.broadcast %broadcast_in_dim3A_986 : i32 to vector<16xi32>
      %gather3A_988 = tpu.vector_load_idx %arg7[%add3A_985, %broadcast_in_dim3A_987] : memref<128x128xf32, #tpu.memory_space<vmem>>[vector<16xi32>, vector<16xi32>], vector<16xf32>,
      %neg3A_989 = arith.constant 0.000000e+00 : f32
      %neg3A_990 = vector.broadcast %neg3A_989 : f32 to vector<16xf32>
      %neg3A_991 = arith.subf %neg3A_990, %gather3A_988 : vector<16xf32>
      %exp3A_992 = math.exp %neg3A_991 : vector<16xf32>
      %broadcast_in_dim3A_993 = arith.constant 17 : i32
      %broadcast_in_dim3A_994 = vector.broadcast %broadcast_in_dim3A_993 : i32 to vector<16xi32>
      %gather3A_995 = tpu.vector_load_idx %arg7[%add3A_985, %broadcast_in_dim3A_994] : memref<128x128xf32, #tpu.memory_space<vmem>>[vector<16xi32>, vector<16xi32>], vector<16xf32>,
      %exp3A_996 = math.exp %gather3A_995 : vector<16xf32>
      %broadcast_in_dim3A_997 = arith.constant 42 : i32
      %broadcast_in_dim3A_998 = vector.broadcast %broadcast_in_dim3A_997 : i32 to vector<16xi32>
      %gather3A_999 = tpu.vector_load_idx %arg7[%add3A_985, %broadcast_in_dim3A_998] : memref<128x128xf32, #tpu.memory_space<vmem>>[vector<16xi32>, vector<16xi32>], vector<16xf32>,
      %neg3A_1000 = arith.constant 0.000000e+00 : f32
      %neg3A_1001 = vector.broadcast %neg3A_1000 : f32 to vector<16xf32>
      %neg3A_1002 = arith.subf %neg3A_1001, %gather3A_999 : vector<16xf32>
      %exp3A_1003 = math.exp %neg3A_1002 : vector<16xf32>
      %broadcast_in_dim3A_1004 = arith.constant 63 : i32
      %broadcast_in_dim3A_1005 = vector.broadcast %broadcast_in_dim3A_1004 : i32 to vector<16xi32>
      %gather3A_1006 = tpu.vector_load_idx %arg7[%add3A_985, %broadcast_in_dim3A_1005] : memref<128x128xf32, #tpu.memory_space<vmem>>[vector<16xi32>, vector<16xi32>], vector<16xf32>,
      %exp3A_1007 = math.exp %gather3A_1006 : vector<16xf32>
      %broadcast_in_dim3A_1008 = arith.constant 77 : i32
      %broadcast_in_dim3A_1009 = vector.broadcast %broadcast_in_dim3A_1008 : i32 to vector<16xi32>
      %gather3A_1010 = tpu.vector_load_idx %arg7[%add3A_985, %broadcast_in_dim3A_1009] : memref<128x128xf32, #tpu.memory_space<vmem>>[vector<16xi32>, vector<16xi32>], vector<16xf32>,
      %neg3A_1011 = arith.constant 0.000000e+00 : f32
      %neg3A_1012 = vector.broadcast %neg3A_1011 : f32 to vector<16xf32>
      %neg3A_1013 = arith.subf %neg3A_1012, %gather3A_1010 : vector<16xf32>
      %exp3A_1014 = math.exp %neg3A_1013 : vector<16xf32>
      %broadcast_in_dim3A_1015 = arith.constant 99 : i32
      %broadcast_in_dim3A_1016 = vector.broadcast %broadcast_in_dim3A_1015 : i32 to vector<16xi32>
      %gather3A_1017 = tpu.vector_load_idx %arg7[%add3A_985, %broadcast_in_dim3A_1016] : memref<128x128xf32, #tpu.memory_space<vmem>>[vector<16xi32>, vector<16xi32>], vector<16xf32>,
      %exp3A_1018 = math.exp %gather3A_1017 : vector<16xf32>
      %broadcast_in_dim3A_1019 = arith.constant 110 : i32
      %broadcast_in_dim3A_1020 = vector.broadcast %broadcast_in_dim3A_1019 : i32 to vector<16xi32>
      %gather3A_1021 = tpu.vector_load_idx %arg7[%add3A_985, %broadcast_in_dim3A_1020] : memref<128x128xf32, #tpu.memory_space<vmem>>[vector<16xi32>, vector<16xi32>], vector<16xf32>,
      %neg3A_1022 = arith.constant 0.000000e+00 : f32
      %neg3A_1023 = vector.broadcast %neg3A_1022 : f32 to vector<16xf32>
      %neg3A_1024 = arith.subf %neg3A_1023, %gather3A_1021 : vector<16xf32>
      %exp3A_1025 = math.exp %neg3A_1024 : vector<16xf32>
      %broadcast_in_dim3A_1026 = arith.constant 120 : i32
      %broadcast_in_dim3A_1027 = vector.broadcast %broadcast_in_dim3A_1026 : i32 to vector<16xi32>
      %gather3A_1028 = tpu.vector_load_idx %arg7[%add3A_985, %broadcast_in_dim3A_1027] : memref<128x128xf32, #tpu.memory_space<vmem>>[vector<16xi32>, vector<16xi32>], vector<16xf32>,
      %exp3A_1029 = math.exp %gather3A_1028 : vector<16xf32>
      %add3A_1030 = arith.addf %exp3A_992, %exp3A_996 : vector<16xf32>
      %add3A_1031 = arith.addf %add3A_1030, %exp3A_1003 : vector<16xf32>
      %add3A_1032 = arith.addf %add3A_1031, %exp3A_1007 : vector<16xf32>
      %add3A_1033 = arith.addf %add3A_1032, %exp3A_1014 : vector<16xf32>
      %add3A_1034 = arith.addf %add3A_1033, %exp3A_1018 : vector<16xf32>
      %add3A_1035 = arith.addf %add3A_1034, %exp3A_1025 : vector<16xf32>
      %add3A_1036 = arith.addf %add3A_1035, %exp3A_1029 : vector<16xf32>
      %div3A_1037 = arith.divf %get3A_3, %add3A_1036 : vector<16xf32>
      %mul3A_1038 = arith.mulf %exp3A_992, %div3A_1037 : vector<16xf32>
      %neg3A_1039 = arith.constant 0.000000e+00 : f32
      %neg3A_1040 = vector.broadcast %neg3A_1039 : f32 to vector<16xf32>
      %neg3A_1041 = arith.subf %neg3A_1040, %mul3A_1038 : vector<16xf32>
      tpu.vector_store_idx %arg9[%add3A_985, %broadcast_in_dim3A_987], %neg3A_1041 : memref<128x128xf32, #tpu.memory_space<vmem>>[vector<16xi32>, vector<16xi32>], vector<16xf32>,
      %broadcast_in_dim3A_1042 = arith.constant 0 : i32
      %broadcast_in_dim3A_1043 = vector.broadcast %broadcast_in_dim3A_1042 : i32 to vector<16xi32>
      tpu.vector_store_idx %arg11[%add3A_985, %broadcast_in_dim3A_1043], %neg3A_1041 : memref<128x8xf32, #tpu.memory_space<vmem>>[vector<16xi32>, vector<16xi32>], vector<16xf32>,
      %mul3A_1044 = arith.mulf %exp3A_996, %div3A_1037 : vector<16xf32>
      tpu.vector_store_idx %arg9[%add3A_985, %broadcast_in_dim3A_994], %mul3A_1044 : memref<128x128xf32, #tpu.memory_space<vmem>>[vector<16xi32>, vector<16xi32>], vector<16xf32>,
      %broadcast_in_dim3A_1045 = arith.constant 1 : i32
      %broadcast_in_dim3A_1046 = vector.broadcast %broadcast_in_dim3A_1045 : i32 to vector<16xi32>
      tpu.vector_store_idx %arg11[%add3A_985, %broadcast_in_dim3A_1046], %mul3A_1044 : memref<128x8xf32, #tpu.memory_space<vmem>>[vector<16xi32>, vector<16xi32>], vector<16xf32>,
      %mul3A_1047 = arith.mulf %exp3A_1003, %div3A_1037 : vector<16xf32>
      %neg3A_1048 = arith.constant 0.000000e+00 : f32
      %neg3A_1049 = vector.broadcast %neg3A_1048 : f32 to vector<16xf32>
      %neg3A_1050 = arith.subf %neg3A_1049, %mul3A_1047 : vector<16xf32>
      tpu.vector_store_idx %arg9[%add3A_985, %broadcast_in_dim3A_998], %neg3A_1050 : memref<128x128xf32, #tpu.memory_space<vmem>>[vector<16xi32>, vector<16xi32>], vector<16xf32>,
      %broadcast_in_dim3A_1051 = arith.constant 2 : i32
      %broadcast_in_dim3A_1052 = vector.broadcast %broadcast_in_dim3A_1051 : i32 to vector<16xi32>
      tpu.vector_store_idx %arg11[%add3A_985, %broadcast_in_dim3A_1052], %neg3A_1050 : memref<128x8xf32, #tpu.memory_space<vmem>>[vector<16xi32>, vector<16xi32>], vector<16xf32>,
      %mul3A_1053 = arith.mulf %exp3A_1007, %div3A_1037 : vector<16xf32>
      tpu.vector_store_idx %arg9[%add3A_985, %broadcast_in_dim3A_1005], %mul3A_1053 : memref<128x128xf32, #tpu.memory_space<vmem>>[vector<16xi32>, vector<16xi32>], vector<16xf32>,
      %broadcast_in_dim3A_1054 = arith.constant 3 : i32
      %broadcast_in_dim3A_1055 = vector.broadcast %broadcast_in_dim3A_1054 : i32 to vector<16xi32>
      tpu.vector_store_idx %arg11[%add3A_985, %broadcast_in_dim3A_1055], %mul3A_1053 : memref<128x8xf32, #tpu.memory_space<vmem>>[vector<16xi32>, vector<16xi32>], vector<16xf32>,
      %mul3A_1056 = arith.mulf %exp3A_1014, %div3A_1037 : vector<16xf32>
      %neg3A_1057 = arith.constant 0.000000e+00 : f32
      %neg3A_1058 = vector.broadcast %neg3A_1057 : f32 to vector<16xf32>
      %neg3A_1059 = arith.subf %neg3A_1058, %mul3A_1056 : vector<16xf32>
      tpu.vector_store_idx %arg9[%add3A_985, %broadcast_in_dim3A_1009], %neg3A_1059 : memref<128x128xf32, #tpu.memory_space<vmem>>[vector<16xi32>, vector<16xi32>], vector<16xf32>,
      %broadcast_in_dim3A_1060 = arith.constant 4 : i32
      %broadcast_in_dim3A_1061 = vector.broadcast %broadcast_in_dim3A_1060 : i32 to vector<16xi32>
      tpu.vector_store_idx %arg11[%add3A_985, %broadcast_in_dim3A_1061], %neg3A_1059 : memref<128x8xf32, #tpu.memory_space<vmem>>[vector<16xi32>, vector<16xi32>], vector<16xf32>,
      %mul3A_1062 = arith.mulf %exp3A_1018, %div3A_1037 : vector<16xf32>
      tpu.vector_store_idx %arg9[%add3A_985, %broadcast_in_dim3A_1016], %mul3A_1062 : memref<128x128xf32, #tpu.memory_space<vmem>>[vector<16xi32>, vector<16xi32>], vector<16xf32>,
      %broadcast_in_dim3A_1063 = arith.constant 5 : i32
      %broadcast_in_dim3A_1064 = vector.broadcast %broadcast_in_dim3A_1063 : i32 to vector<16xi32>
      tpu.vector_store_idx %arg11[%add3A_985, %broadcast_in_dim3A_1064], %mul3A_1062 : memref<128x8xf32, #tpu.memory_space<vmem>>[vector<16xi32>, vector<16xi32>], vector<16xf32>,
      %mul3A_1065 = arith.mulf %exp3A_1025, %div3A_1037 : vector<16xf32>
      %neg3A_1066 = arith.constant 0.000000e+00 : f32
      %neg3A_1067 = vector.broadcast %neg3A_1066 : f32 to vector<16xf32>
      %neg3A_1068 = arith.subf %neg3A_1067, %mul3A_1065 : vector<16xf32>
      tpu.vector_store_idx %arg9[%add3A_985, %broadcast_in_dim3A_1020], %neg3A_1068 : memref<128x128xf32, #tpu.memory_space<vmem>>[vector<16xi32>, vector<16xi32>], vector<16xf32>,
      %broadcast_in_dim3A_1069 = arith.constant 6 : i32
      %broadcast_in_dim3A_1070 = vector.broadcast %broadcast_in_dim3A_1069 : i32 to vector<16xi32>
      tpu.vector_store_idx %arg11[%add3A_985, %broadcast_in_dim3A_1070], %neg3A_1068 : memref<128x8xf32, #tpu.memory_space<vmem>>[vector<16xi32>, vector<16xi32>], vector<16xf32>,
      %mul3A_1071 = arith.mulf %exp3A_1029, %div3A_1037 : vector<16xf32>
      tpu.vector_store_idx %arg9[%add3A_985, %broadcast_in_dim3A_1027], %mul3A_1071 : memref<128x128xf32, #tpu.memory_space<vmem>>[vector<16xi32>, vector<16xi32>], vector<16xf32>,
      %broadcast_in_dim3A_1072 = arith.constant 7 : i32
      %broadcast_in_dim3A_1073 = vector.broadcast %broadcast_in_dim3A_1072 : i32 to vector<16xi32>
      tpu.vector_store_idx %arg11[%add3A_985, %broadcast_in_dim3A_1073], %mul3A_1071 : memref<128x8xf32, #tpu.memory_space<vmem>>[vector<16xi32>, vector<16xi32>], vector<16xf32>,
      %add3A_1074 = arith.constant 48 : i32
      %add3A_1075 = vector.broadcast %add3A_1074 : i32 to vector<16xi32>
      %add3A_1076 = arith.addi %iota3A, %add3A_1075 : vector<16xi32>
      %broadcast_in_dim3A_1077 = arith.constant 3 : i32
      %broadcast_in_dim3A_1078 = vector.broadcast %broadcast_in_dim3A_1077 : i32 to vector<16xi32>
      %gather3A_1079 = tpu.vector_load_idx %arg7[%add3A_1076, %broadcast_in_dim3A_1078] : memref<128x128xf32, #tpu.memory_space<vmem>>[vector<16xi32>, vector<16xi32>], vector<16xf32>,
      %neg3A_1080 = arith.constant 0.000000e+00 : f32
      %neg3A_1081 = vector.broadcast %neg3A_1080 : f32 to vector<16xf32>
      %neg3A_1082 = arith.subf %neg3A_1081, %gather3A_1079 : vector<16xf32>
      %exp3A_1083 = math.exp %neg3A_1082 : vector<16xf32>
      %broadcast_in_dim3A_1084 = arith.constant 17 : i32
      %broadcast_in_dim3A_1085 = vector.broadcast %broadcast_in_dim3A_1084 : i32 to vector<16xi32>
      %gather3A_1086 = tpu.vector_load_idx %arg7[%add3A_1076, %broadcast_in_dim3A_1085] : memref<128x128xf32, #tpu.memory_space<vmem>>[vector<16xi32>, vector<16xi32>], vector<16xf32>,
      %exp3A_1087 = math.exp %gather3A_1086 : vector<16xf32>
      %broadcast_in_dim3A_1088 = arith.constant 42 : i32
      %broadcast_in_dim3A_1089 = vector.broadcast %broadcast_in_dim3A_1088 : i32 to vector<16xi32>
      %gather3A_1090 = tpu.vector_load_idx %arg7[%add3A_1076, %broadcast_in_dim3A_1089] : memref<128x128xf32, #tpu.memory_space<vmem>>[vector<16xi32>, vector<16xi32>], vector<16xf32>,
      %neg3A_1091 = arith.constant 0.000000e+00 : f32
      %neg3A_1092 = vector.broadcast %neg3A_1091 : f32 to vector<16xf32>
      %neg3A_1093 = arith.subf %neg3A_1092, %gather3A_1090 : vector<16xf32>
      %exp3A_1094 = math.exp %neg3A_1093 : vector<16xf32>
      %broadcast_in_dim3A_1095 = arith.constant 63 : i32
      %broadcast_in_dim3A_1096 = vector.broadcast %broadcast_in_dim3A_1095 : i32 to vector<16xi32>
      %gather3A_1097 = tpu.vector_load_idx %arg7[%add3A_1076, %broadcast_in_dim3A_1096] : memref<128x128xf32, #tpu.memory_space<vmem>>[vector<16xi32>, vector<16xi32>], vector<16xf32>,
      %exp3A_1098 = math.exp %gather3A_1097 : vector<16xf32>
      %broadcast_in_dim3A_1099 = arith.constant 77 : i32
      %broadcast_in_dim3A_1100 = vector.broadcast %broadcast_in_dim3A_1099 : i32 to vector<16xi32>
      %gather3A_1101 = tpu.vector_load_idx %arg7[%add3A_1076, %broadcast_in_dim3A_1100] : memref<128x128xf32, #tpu.memory_space<vmem>>[vector<16xi32>, vector<16xi32>], vector<16xf32>,
      %neg3A_1102 = arith.constant 0.000000e+00 : f32
      %neg3A_1103 = vector.broadcast %neg3A_1102 : f32 to vector<16xf32>
      %neg3A_1104 = arith.subf %neg3A_1103, %gather3A_1101 : vector<16xf32>
      %exp3A_1105 = math.exp %neg3A_1104 : vector<16xf32>
      %broadcast_in_dim3A_1106 = arith.constant 99 : i32
      %broadcast_in_dim3A_1107 = vector.broadcast %broadcast_in_dim3A_1106 : i32 to vector<16xi32>
      %gather3A_1108 = tpu.vector_load_idx %arg7[%add3A_1076, %broadcast_in_dim3A_1107] : memref<128x128xf32, #tpu.memory_space<vmem>>[vector<16xi32>, vector<16xi32>], vector<16xf32>,
      %exp3A_1109 = math.exp %gather3A_1108 : vector<16xf32>
      %broadcast_in_dim3A_1110 = arith.constant 110 : i32
      %broadcast_in_dim3A_1111 = vector.broadcast %broadcast_in_dim3A_1110 : i32 to vector<16xi32>
      %gather3A_1112 = tpu.vector_load_idx %arg7[%add3A_1076, %broadcast_in_dim3A_1111] : memref<128x128xf32, #tpu.memory_space<vmem>>[vector<16xi32>, vector<16xi32>], vector<16xf32>,
      %neg3A_1113 = arith.constant 0.000000e+00 : f32
      %neg3A_1114 = vector.broadcast %neg3A_1113 : f32 to vector<16xf32>
      %neg3A_1115 = arith.subf %neg3A_1114, %gather3A_1112 : vector<16xf32>
      %exp3A_1116 = math.exp %neg3A_1115 : vector<16xf32>
      %broadcast_in_dim3A_1117 = arith.constant 120 : i32
      %broadcast_in_dim3A_1118 = vector.broadcast %broadcast_in_dim3A_1117 : i32 to vector<16xi32>
      %gather3A_1119 = tpu.vector_load_idx %arg7[%add3A_1076, %broadcast_in_dim3A_1118] : memref<128x128xf32, #tpu.memory_space<vmem>>[vector<16xi32>, vector<16xi32>], vector<16xf32>,
      %exp3A_1120 = math.exp %gather3A_1119 : vector<16xf32>
      %add3A_1121 = arith.addf %exp3A_1083, %exp3A_1087 : vector<16xf32>
      %add3A_1122 = arith.addf %add3A_1121, %exp3A_1094 : vector<16xf32>
      %add3A_1123 = arith.addf %add3A_1122, %exp3A_1098 : vector<16xf32>
      %add3A_1124 = arith.addf %add3A_1123, %exp3A_1105 : vector<16xf32>
      %add3A_1125 = arith.addf %add3A_1124, %exp3A_1109 : vector<16xf32>
      %add3A_1126 = arith.addf %add3A_1125, %exp3A_1116 : vector<16xf32>
      %add3A_1127 = arith.addf %add3A_1126, %exp3A_1120 : vector<16xf32>
      %div3A_1128 = arith.divf %get3A_3, %add3A_1127 : vector<16xf32>
      %mul3A_1129 = arith.mulf %exp3A_1083, %div3A_1128 : vector<16xf32>
      %neg3A_1130 = arith.constant 0.000000e+00 : f32
      %neg3A_1131 = vector.broadcast %neg3A_1130 : f32 to vector<16xf32>
      %neg3A_1132 = arith.subf %neg3A_1131, %mul3A_1129 : vector<16xf32>
      tpu.vector_store_idx %arg9[%add3A_1076, %broadcast_in_dim3A_1078], %neg3A_1132 : memref<128x128xf32, #tpu.memory_space<vmem>>[vector<16xi32>, vector<16xi32>], vector<16xf32>,
      %broadcast_in_dim3A_1133 = arith.constant 0 : i32
      %broadcast_in_dim3A_1134 = vector.broadcast %broadcast_in_dim3A_1133 : i32 to vector<16xi32>
      tpu.vector_store_idx %arg11[%add3A_1076, %broadcast_in_dim3A_1134], %neg3A_1132 : memref<128x8xf32, #tpu.memory_space<vmem>>[vector<16xi32>, vector<16xi32>], vector<16xf32>,
      %mul3A_1135 = arith.mulf %exp3A_1087, %div3A_1128 : vector<16xf32>
      tpu.vector_store_idx %arg9[%add3A_1076, %broadcast_in_dim3A_1085], %mul3A_1135 : memref<128x128xf32, #tpu.memory_space<vmem>>[vector<16xi32>, vector<16xi32>], vector<16xf32>,
      %broadcast_in_dim3A_1136 = arith.constant 1 : i32
      %broadcast_in_dim3A_1137 = vector.broadcast %broadcast_in_dim3A_1136 : i32 to vector<16xi32>
      tpu.vector_store_idx %arg11[%add3A_1076, %broadcast_in_dim3A_1137], %mul3A_1135 : memref<128x8xf32, #tpu.memory_space<vmem>>[vector<16xi32>, vector<16xi32>], vector<16xf32>,
      %mul3A_1138 = arith.mulf %exp3A_1094, %div3A_1128 : vector<16xf32>
      %neg3A_1139 = arith.constant 0.000000e+00 : f32
      %neg3A_1140 = vector.broadcast %neg3A_1139 : f32 to vector<16xf32>
      %neg3A_1141 = arith.subf %neg3A_1140, %mul3A_1138 : vector<16xf32>
      tpu.vector_store_idx %arg9[%add3A_1076, %broadcast_in_dim3A_1089], %neg3A_1141 : memref<128x128xf32, #tpu.memory_space<vmem>>[vector<16xi32>, vector<16xi32>], vector<16xf32>,
      %broadcast_in_dim3A_1142 = arith.constant 2 : i32
      %broadcast_in_dim3A_1143 = vector.broadcast %broadcast_in_dim3A_1142 : i32 to vector<16xi32>
      tpu.vector_store_idx %arg11[%add3A_1076, %broadcast_in_dim3A_1143], %neg3A_1141 : memref<128x8xf32, #tpu.memory_space<vmem>>[vector<16xi32>, vector<16xi32>], vector<16xf32>,
      %mul3A_1144 = arith.mulf %exp3A_1098, %div3A_1128 : vector<16xf32>
      tpu.vector_store_idx %arg9[%add3A_1076, %broadcast_in_dim3A_1096], %mul3A_1144 : memref<128x128xf32, #tpu.memory_space<vmem>>[vector<16xi32>, vector<16xi32>], vector<16xf32>,
      %broadcast_in_dim3A_1145 = arith.constant 3 : i32
      %broadcast_in_dim3A_1146 = vector.broadcast %broadcast_in_dim3A_1145 : i32 to vector<16xi32>
      tpu.vector_store_idx %arg11[%add3A_1076, %broadcast_in_dim3A_1146], %mul3A_1144 : memref<128x8xf32, #tpu.memory_space<vmem>>[vector<16xi32>, vector<16xi32>], vector<16xf32>,
      %mul3A_1147 = arith.mulf %exp3A_1105, %div3A_1128 : vector<16xf32>
      %neg3A_1148 = arith.constant 0.000000e+00 : f32
      %neg3A_1149 = vector.broadcast %neg3A_1148 : f32 to vector<16xf32>
      %neg3A_1150 = arith.subf %neg3A_1149, %mul3A_1147 : vector<16xf32>
      tpu.vector_store_idx %arg9[%add3A_1076, %broadcast_in_dim3A_1100], %neg3A_1150 : memref<128x128xf32, #tpu.memory_space<vmem>>[vector<16xi32>, vector<16xi32>], vector<16xf32>,
      %broadcast_in_dim3A_1151 = arith.constant 4 : i32
      %broadcast_in_dim3A_1152 = vector.broadcast %broadcast_in_dim3A_1151 : i32 to vector<16xi32>
      tpu.vector_store_idx %arg11[%add3A_1076, %broadcast_in_dim3A_1152], %neg3A_1150 : memref<128x8xf32, #tpu.memory_space<vmem>>[vector<16xi32>, vector<16xi32>], vector<16xf32>,
      %mul3A_1153 = arith.mulf %exp3A_1109, %div3A_1128 : vector<16xf32>
      tpu.vector_store_idx %arg9[%add3A_1076, %broadcast_in_dim3A_1107], %mul3A_1153 : memref<128x128xf32, #tpu.memory_space<vmem>>[vector<16xi32>, vector<16xi32>], vector<16xf32>,
      %broadcast_in_dim3A_1154 = arith.constant 5 : i32
      %broadcast_in_dim3A_1155 = vector.broadcast %broadcast_in_dim3A_1154 : i32 to vector<16xi32>
      tpu.vector_store_idx %arg11[%add3A_1076, %broadcast_in_dim3A_1155], %mul3A_1153 : memref<128x8xf32, #tpu.memory_space<vmem>>[vector<16xi32>, vector<16xi32>], vector<16xf32>,
      %mul3A_1156 = arith.mulf %exp3A_1116, %div3A_1128 : vector<16xf32>
      %neg3A_1157 = arith.constant 0.000000e+00 : f32
      %neg3A_1158 = vector.broadcast %neg3A_1157 : f32 to vector<16xf32>
      %neg3A_1159 = arith.subf %neg3A_1158, %mul3A_1156 : vector<16xf32>
      tpu.vector_store_idx %arg9[%add3A_1076, %broadcast_in_dim3A_1111], %neg3A_1159 : memref<128x128xf32, #tpu.memory_space<vmem>>[vector<16xi32>, vector<16xi32>], vector<16xf32>,
      %broadcast_in_dim3A_1160 = arith.constant 6 : i32
      %broadcast_in_dim3A_1161 = vector.broadcast %broadcast_in_dim3A_1160 : i32 to vector<16xi32>
      tpu.vector_store_idx %arg11[%add3A_1076, %broadcast_in_dim3A_1161], %neg3A_1159 : memref<128x8xf32, #tpu.memory_space<vmem>>[vector<16xi32>, vector<16xi32>], vector<16xf32>,
      %mul3A_1162 = arith.mulf %exp3A_1120, %div3A_1128 : vector<16xf32>
      tpu.vector_store_idx %arg9[%add3A_1076, %broadcast_in_dim3A_1118], %mul3A_1162 : memref<128x128xf32, #tpu.memory_space<vmem>>[vector<16xi32>, vector<16xi32>], vector<16xf32>,
      %broadcast_in_dim3A_1163 = arith.constant 7 : i32
      %broadcast_in_dim3A_1164 = vector.broadcast %broadcast_in_dim3A_1163 : i32 to vector<16xi32>
      tpu.vector_store_idx %arg11[%add3A_1076, %broadcast_in_dim3A_1164], %mul3A_1162 : memref<128x8xf32, #tpu.memory_space<vmem>>[vector<16xi32>, vector<16xi32>], vector<16xf32>,
      %add3A_1165 = arith.constant 64 : i32
      %add3A_1166 = vector.broadcast %add3A_1165 : i32 to vector<16xi32>
      %add3A_1167 = arith.addi %iota3A, %add3A_1166 : vector<16xi32>
      %broadcast_in_dim3A_1168 = arith.constant 3 : i32
      %broadcast_in_dim3A_1169 = vector.broadcast %broadcast_in_dim3A_1168 : i32 to vector<16xi32>
      %gather3A_1170 = tpu.vector_load_idx %arg7[%add3A_1167, %broadcast_in_dim3A_1169] : memref<128x128xf32, #tpu.memory_space<vmem>>[vector<16xi32>, vector<16xi32>], vector<16xf32>,
      %neg3A_1171 = arith.constant 0.000000e+00 : f32
      %neg3A_1172 = vector.broadcast %neg3A_1171 : f32 to vector<16xf32>
      %neg3A_1173 = arith.subf %neg3A_1172, %gather3A_1170 : vector<16xf32>
      %exp3A_1174 = math.exp %neg3A_1173 : vector<16xf32>
      %broadcast_in_dim3A_1175 = arith.constant 17 : i32
      %broadcast_in_dim3A_1176 = vector.broadcast %broadcast_in_dim3A_1175 : i32 to vector<16xi32>
      %gather3A_1177 = tpu.vector_load_idx %arg7[%add3A_1167, %broadcast_in_dim3A_1176] : memref<128x128xf32, #tpu.memory_space<vmem>>[vector<16xi32>, vector<16xi32>], vector<16xf32>,
      %exp3A_1178 = math.exp %gather3A_1177 : vector<16xf32>
      %broadcast_in_dim3A_1179 = arith.constant 42 : i32
      %broadcast_in_dim3A_1180 = vector.broadcast %broadcast_in_dim3A_1179 : i32 to vector<16xi32>
      %gather3A_1181 = tpu.vector_load_idx %arg7[%add3A_1167, %broadcast_in_dim3A_1180] : memref<128x128xf32, #tpu.memory_space<vmem>>[vector<16xi32>, vector<16xi32>], vector<16xf32>,
      %neg3A_1182 = arith.constant 0.000000e+00 : f32
      %neg3A_1183 = vector.broadcast %neg3A_1182 : f32 to vector<16xf32>
      %neg3A_1184 = arith.subf %neg3A_1183, %gather3A_1181 : vector<16xf32>
      %exp3A_1185 = math.exp %neg3A_1184 : vector<16xf32>
      %broadcast_in_dim3A_1186 = arith.constant 63 : i32
      %broadcast_in_dim3A_1187 = vector.broadcast %broadcast_in_dim3A_1186 : i32 to vector<16xi32>
      %gather3A_1188 = tpu.vector_load_idx %arg7[%add3A_1167, %broadcast_in_dim3A_1187] : memref<128x128xf32, #tpu.memory_space<vmem>>[vector<16xi32>, vector<16xi32>], vector<16xf32>,
      %exp3A_1189 = math.exp %gather3A_1188 : vector<16xf32>
      %broadcast_in_dim3A_1190 = arith.constant 77 : i32
      %broadcast_in_dim3A_1191 = vector.broadcast %broadcast_in_dim3A_1190 : i32 to vector<16xi32>
      %gather3A_1192 = tpu.vector_load_idx %arg7[%add3A_1167, %broadcast_in_dim3A_1191] : memref<128x128xf32, #tpu.memory_space<vmem>>[vector<16xi32>, vector<16xi32>], vector<16xf32>,
      %neg3A_1193 = arith.constant 0.000000e+00 : f32
      %neg3A_1194 = vector.broadcast %neg3A_1193 : f32 to vector<16xf32>
      %neg3A_1195 = arith.subf %neg3A_1194, %gather3A_1192 : vector<16xf32>
      %exp3A_1196 = math.exp %neg3A_1195 : vector<16xf32>
      %broadcast_in_dim3A_1197 = arith.constant 99 : i32
      %broadcast_in_dim3A_1198 = vector.broadcast %broadcast_in_dim3A_1197 : i32 to vector<16xi32>
      %gather3A_1199 = tpu.vector_load_idx %arg7[%add3A_1167, %broadcast_in_dim3A_1198] : memref<128x128xf32, #tpu.memory_space<vmem>>[vector<16xi32>, vector<16xi32>], vector<16xf32>,
      %exp3A_1200 = math.exp %gather3A_1199 : vector<16xf32>
      %broadcast_in_dim3A_1201 = arith.constant 110 : i32
      %broadcast_in_dim3A_1202 = vector.broadcast %broadcast_in_dim3A_1201 : i32 to vector<16xi32>
      %gather3A_1203 = tpu.vector_load_idx %arg7[%add3A_1167, %broadcast_in_dim3A_1202] : memref<128x128xf32, #tpu.memory_space<vmem>>[vector<16xi32>, vector<16xi32>], vector<16xf32>,
      %neg3A_1204 = arith.constant 0.000000e+00 : f32
      %neg3A_1205 = vector.broadcast %neg3A_1204 : f32 to vector<16xf32>
      %neg3A_1206 = arith.subf %neg3A_1205, %gather3A_1203 : vector<16xf32>
      %exp3A_1207 = math.exp %neg3A_1206 : vector<16xf32>
      %broadcast_in_dim3A_1208 = arith.constant 120 : i32
      %broadcast_in_dim3A_1209 = vector.broadcast %broadcast_in_dim3A_1208 : i32 to vector<16xi32>
      %gather3A_1210 = tpu.vector_load_idx %arg7[%add3A_1167, %broadcast_in_dim3A_1209] : memref<128x128xf32, #tpu.memory_space<vmem>>[vector<16xi32>, vector<16xi32>], vector<16xf32>,
      %exp3A_1211 = math.exp %gather3A_1210 : vector<16xf32>
      %add3A_1212 = arith.addf %exp3A_1174, %exp3A_1178 : vector<16xf32>
      %add3A_1213 = arith.addf %add3A_1212, %exp3A_1185 : vector<16xf32>
      %add3A_1214 = arith.addf %add3A_1213, %exp3A_1189 : vector<16xf32>
      %add3A_1215 = arith.addf %add3A_1214, %exp3A_1196 : vector<16xf32>
      %add3A_1216 = arith.addf %add3A_1215, %exp3A_1200 : vector<16xf32>
      %add3A_1217 = arith.addf %add3A_1216, %exp3A_1207 : vector<16xf32>
      %add3A_1218 = arith.addf %add3A_1217, %exp3A_1211 : vector<16xf32>
      %div3A_1219 = arith.divf %get3A_3, %add3A_1218 : vector<16xf32>
      %mul3A_1220 = arith.mulf %exp3A_1174, %div3A_1219 : vector<16xf32>
      %neg3A_1221 = arith.constant 0.000000e+00 : f32
      %neg3A_1222 = vector.broadcast %neg3A_1221 : f32 to vector<16xf32>
      %neg3A_1223 = arith.subf %neg3A_1222, %mul3A_1220 : vector<16xf32>
      tpu.vector_store_idx %arg9[%add3A_1167, %broadcast_in_dim3A_1169], %neg3A_1223 : memref<128x128xf32, #tpu.memory_space<vmem>>[vector<16xi32>, vector<16xi32>], vector<16xf32>,
      %broadcast_in_dim3A_1224 = arith.constant 0 : i32
      %broadcast_in_dim3A_1225 = vector.broadcast %broadcast_in_dim3A_1224 : i32 to vector<16xi32>
      tpu.vector_store_idx %arg11[%add3A_1167, %broadcast_in_dim3A_1225], %neg3A_1223 : memref<128x8xf32, #tpu.memory_space<vmem>>[vector<16xi32>, vector<16xi32>], vector<16xf32>,
      %mul3A_1226 = arith.mulf %exp3A_1178, %div3A_1219 : vector<16xf32>
      tpu.vector_store_idx %arg9[%add3A_1167, %broadcast_in_dim3A_1176], %mul3A_1226 : memref<128x128xf32, #tpu.memory_space<vmem>>[vector<16xi32>, vector<16xi32>], vector<16xf32>,
      %broadcast_in_dim3A_1227 = arith.constant 1 : i32
      %broadcast_in_dim3A_1228 = vector.broadcast %broadcast_in_dim3A_1227 : i32 to vector<16xi32>
      tpu.vector_store_idx %arg11[%add3A_1167, %broadcast_in_dim3A_1228], %mul3A_1226 : memref<128x8xf32, #tpu.memory_space<vmem>>[vector<16xi32>, vector<16xi32>], vector<16xf32>,
      %mul3A_1229 = arith.mulf %exp3A_1185, %div3A_1219 : vector<16xf32>
      %neg3A_1230 = arith.constant 0.000000e+00 : f32
      %neg3A_1231 = vector.broadcast %neg3A_1230 : f32 to vector<16xf32>
      %neg3A_1232 = arith.subf %neg3A_1231, %mul3A_1229 : vector<16xf32>
      tpu.vector_store_idx %arg9[%add3A_1167, %broadcast_in_dim3A_1180], %neg3A_1232 : memref<128x128xf32, #tpu.memory_space<vmem>>[vector<16xi32>, vector<16xi32>], vector<16xf32>,
      %broadcast_in_dim3A_1233 = arith.constant 2 : i32
      %broadcast_in_dim3A_1234 = vector.broadcast %broadcast_in_dim3A_1233 : i32 to vector<16xi32>
      tpu.vector_store_idx %arg11[%add3A_1167, %broadcast_in_dim3A_1234], %neg3A_1232 : memref<128x8xf32, #tpu.memory_space<vmem>>[vector<16xi32>, vector<16xi32>], vector<16xf32>,
      %mul3A_1235 = arith.mulf %exp3A_1189, %div3A_1219 : vector<16xf32>
      tpu.vector_store_idx %arg9[%add3A_1167, %broadcast_in_dim3A_1187], %mul3A_1235 : memref<128x128xf32, #tpu.memory_space<vmem>>[vector<16xi32>, vector<16xi32>], vector<16xf32>,
      %broadcast_in_dim3A_1236 = arith.constant 3 : i32
      %broadcast_in_dim3A_1237 = vector.broadcast %broadcast_in_dim3A_1236 : i32 to vector<16xi32>
      tpu.vector_store_idx %arg11[%add3A_1167, %broadcast_in_dim3A_1237], %mul3A_1235 : memref<128x8xf32, #tpu.memory_space<vmem>>[vector<16xi32>, vector<16xi32>], vector<16xf32>,
      %mul3A_1238 = arith.mulf %exp3A_1196, %div3A_1219 : vector<16xf32>
      %neg3A_1239 = arith.constant 0.000000e+00 : f32
      %neg3A_1240 = vector.broadcast %neg3A_1239 : f32 to vector<16xf32>
      %neg3A_1241 = arith.subf %neg3A_1240, %mul3A_1238 : vector<16xf32>
      tpu.vector_store_idx %arg9[%add3A_1167, %broadcast_in_dim3A_1191], %neg3A_1241 : memref<128x128xf32, #tpu.memory_space<vmem>>[vector<16xi32>, vector<16xi32>], vector<16xf32>,
      %broadcast_in_dim3A_1242 = arith.constant 4 : i32
      %broadcast_in_dim3A_1243 = vector.broadcast %broadcast_in_dim3A_1242 : i32 to vector<16xi32>
      tpu.vector_store_idx %arg11[%add3A_1167, %broadcast_in_dim3A_1243], %neg3A_1241 : memref<128x8xf32, #tpu.memory_space<vmem>>[vector<16xi32>, vector<16xi32>], vector<16xf32>,
      %mul3A_1244 = arith.mulf %exp3A_1200, %div3A_1219 : vector<16xf32>
      tpu.vector_store_idx %arg9[%add3A_1167, %broadcast_in_dim3A_1198], %mul3A_1244 : memref<128x128xf32, #tpu.memory_space<vmem>>[vector<16xi32>, vector<16xi32>], vector<16xf32>,
      %broadcast_in_dim3A_1245 = arith.constant 5 : i32
      %broadcast_in_dim3A_1246 = vector.broadcast %broadcast_in_dim3A_1245 : i32 to vector<16xi32>
      tpu.vector_store_idx %arg11[%add3A_1167, %broadcast_in_dim3A_1246], %mul3A_1244 : memref<128x8xf32, #tpu.memory_space<vmem>>[vector<16xi32>, vector<16xi32>], vector<16xf32>,
      %mul3A_1247 = arith.mulf %exp3A_1207, %div3A_1219 : vector<16xf32>
      %neg3A_1248 = arith.constant 0.000000e+00 : f32
      %neg3A_1249 = vector.broadcast %neg3A_1248 : f32 to vector<16xf32>
      %neg3A_1250 = arith.subf %neg3A_1249, %mul3A_1247 : vector<16xf32>
      tpu.vector_store_idx %arg9[%add3A_1167, %broadcast_in_dim3A_1202], %neg3A_1250 : memref<128x128xf32, #tpu.memory_space<vmem>>[vector<16xi32>, vector<16xi32>], vector<16xf32>,
      %broadcast_in_dim3A_1251 = arith.constant 6 : i32
      %broadcast_in_dim3A_1252 = vector.broadcast %broadcast_in_dim3A_1251 : i32 to vector<16xi32>
      tpu.vector_store_idx %arg11[%add3A_1167, %broadcast_in_dim3A_1252], %neg3A_1250 : memref<128x8xf32, #tpu.memory_space<vmem>>[vector<16xi32>, vector<16xi32>], vector<16xf32>,
      %mul3A_1253 = arith.mulf %exp3A_1211, %div3A_1219 : vector<16xf32>
      tpu.vector_store_idx %arg9[%add3A_1167, %broadcast_in_dim3A_1209], %mul3A_1253 : memref<128x128xf32, #tpu.memory_space<vmem>>[vector<16xi32>, vector<16xi32>], vector<16xf32>,
      %broadcast_in_dim3A_1254 = arith.constant 7 : i32
      %broadcast_in_dim3A_1255 = vector.broadcast %broadcast_in_dim3A_1254 : i32 to vector<16xi32>
      tpu.vector_store_idx %arg11[%add3A_1167, %broadcast_in_dim3A_1255], %mul3A_1253 : memref<128x8xf32, #tpu.memory_space<vmem>>[vector<16xi32>, vector<16xi32>], vector<16xf32>,
      %add3A_1256 = arith.constant 80 : i32
      %add3A_1257 = vector.broadcast %add3A_1256 : i32 to vector<16xi32>
      %add3A_1258 = arith.addi %iota3A, %add3A_1257 : vector<16xi32>
      %broadcast_in_dim3A_1259 = arith.constant 3 : i32
      %broadcast_in_dim3A_1260 = vector.broadcast %broadcast_in_dim3A_1259 : i32 to vector<16xi32>
      %gather3A_1261 = tpu.vector_load_idx %arg7[%add3A_1258, %broadcast_in_dim3A_1260] : memref<128x128xf32, #tpu.memory_space<vmem>>[vector<16xi32>, vector<16xi32>], vector<16xf32>,
      %neg3A_1262 = arith.constant 0.000000e+00 : f32
      %neg3A_1263 = vector.broadcast %neg3A_1262 : f32 to vector<16xf32>
      %neg3A_1264 = arith.subf %neg3A_1263, %gather3A_1261 : vector<16xf32>
      %exp3A_1265 = math.exp %neg3A_1264 : vector<16xf32>
      %broadcast_in_dim3A_1266 = arith.constant 17 : i32
      %broadcast_in_dim3A_1267 = vector.broadcast %broadcast_in_dim3A_1266 : i32 to vector<16xi32>
      %gather3A_1268 = tpu.vector_load_idx %arg7[%add3A_1258, %broadcast_in_dim3A_1267] : memref<128x128xf32, #tpu.memory_space<vmem>>[vector<16xi32>, vector<16xi32>], vector<16xf32>,
      %exp3A_1269 = math.exp %gather3A_1268 : vector<16xf32>
      %broadcast_in_dim3A_1270 = arith.constant 42 : i32
      %broadcast_in_dim3A_1271 = vector.broadcast %broadcast_in_dim3A_1270 : i32 to vector<16xi32>
      %gather3A_1272 = tpu.vector_load_idx %arg7[%add3A_1258, %broadcast_in_dim3A_1271] : memref<128x128xf32, #tpu.memory_space<vmem>>[vector<16xi32>, vector<16xi32>], vector<16xf32>,
      %neg3A_1273 = arith.constant 0.000000e+00 : f32
      %neg3A_1274 = vector.broadcast %neg3A_1273 : f32 to vector<16xf32>
      %neg3A_1275 = arith.subf %neg3A_1274, %gather3A_1272 : vector<16xf32>
      %exp3A_1276 = math.exp %neg3A_1275 : vector<16xf32>
      %broadcast_in_dim3A_1277 = arith.constant 63 : i32
      %broadcast_in_dim3A_1278 = vector.broadcast %broadcast_in_dim3A_1277 : i32 to vector<16xi32>
      %gather3A_1279 = tpu.vector_load_idx %arg7[%add3A_1258, %broadcast_in_dim3A_1278] : memref<128x128xf32, #tpu.memory_space<vmem>>[vector<16xi32>, vector<16xi32>], vector<16xf32>,
      %exp3A_1280 = math.exp %gather3A_1279 : vector<16xf32>
      %broadcast_in_dim3A_1281 = arith.constant 77 : i32
      %broadcast_in_dim3A_1282 = vector.broadcast %broadcast_in_dim3A_1281 : i32 to vector<16xi32>
      %gather3A_1283 = tpu.vector_load_idx %arg7[%add3A_1258, %broadcast_in_dim3A_1282] : memref<128x128xf32, #tpu.memory_space<vmem>>[vector<16xi32>, vector<16xi32>], vector<16xf32>,
      %neg3A_1284 = arith.constant 0.000000e+00 : f32
      %neg3A_1285 = vector.broadcast %neg3A_1284 : f32 to vector<16xf32>
      %neg3A_1286 = arith.subf %neg3A_1285, %gather3A_1283 : vector<16xf32>
      %exp3A_1287 = math.exp %neg3A_1286 : vector<16xf32>
      %broadcast_in_dim3A_1288 = arith.constant 99 : i32
      %broadcast_in_dim3A_1289 = vector.broadcast %broadcast_in_dim3A_1288 : i32 to vector<16xi32>
      %gather3A_1290 = tpu.vector_load_idx %arg7[%add3A_1258, %broadcast_in_dim3A_1289] : memref<128x128xf32, #tpu.memory_space<vmem>>[vector<16xi32>, vector<16xi32>], vector<16xf32>,
      %exp3A_1291 = math.exp %gather3A_1290 : vector<16xf32>
      %broadcast_in_dim3A_1292 = arith.constant 110 : i32
      %broadcast_in_dim3A_1293 = vector.broadcast %broadcast_in_dim3A_1292 : i32 to vector<16xi32>
      %gather3A_1294 = tpu.vector_load_idx %arg7[%add3A_1258, %broadcast_in_dim3A_1293] : memref<128x128xf32, #tpu.memory_space<vmem>>[vector<16xi32>, vector<16xi32>], vector<16xf32>,
      %neg3A_1295 = arith.constant 0.000000e+00 : f32
      %neg3A_1296 = vector.broadcast %neg3A_1295 : f32 to vector<16xf32>
      %neg3A_1297 = arith.subf %neg3A_1296, %gather3A_1294 : vector<16xf32>
      %exp3A_1298 = math.exp %neg3A_1297 : vector<16xf32>
      %broadcast_in_dim3A_1299 = arith.constant 120 : i32
      %broadcast_in_dim3A_1300 = vector.broadcast %broadcast_in_dim3A_1299 : i32 to vector<16xi32>
      %gather3A_1301 = tpu.vector_load_idx %arg7[%add3A_1258, %broadcast_in_dim3A_1300] : memref<128x128xf32, #tpu.memory_space<vmem>>[vector<16xi32>, vector<16xi32>], vector<16xf32>,
      %exp3A_1302 = math.exp %gather3A_1301 : vector<16xf32>
      %add3A_1303 = arith.addf %exp3A_1265, %exp3A_1269 : vector<16xf32>
      %add3A_1304 = arith.addf %add3A_1303, %exp3A_1276 : vector<16xf32>
      %add3A_1305 = arith.addf %add3A_1304, %exp3A_1280 : vector<16xf32>
      %add3A_1306 = arith.addf %add3A_1305, %exp3A_1287 : vector<16xf32>
      %add3A_1307 = arith.addf %add3A_1306, %exp3A_1291 : vector<16xf32>
      %add3A_1308 = arith.addf %add3A_1307, %exp3A_1298 : vector<16xf32>
      %add3A_1309 = arith.addf %add3A_1308, %exp3A_1302 : vector<16xf32>
      %div3A_1310 = arith.divf %get3A_3, %add3A_1309 : vector<16xf32>
      %mul3A_1311 = arith.mulf %exp3A_1265, %div3A_1310 : vector<16xf32>
      %neg3A_1312 = arith.constant 0.000000e+00 : f32
      %neg3A_1313 = vector.broadcast %neg3A_1312 : f32 to vector<16xf32>
      %neg3A_1314 = arith.subf %neg3A_1313, %mul3A_1311 : vector<16xf32>
      tpu.vector_store_idx %arg9[%add3A_1258, %broadcast_in_dim3A_1260], %neg3A_1314 : memref<128x128xf32, #tpu.memory_space<vmem>>[vector<16xi32>, vector<16xi32>], vector<16xf32>,
      %broadcast_in_dim3A_1315 = arith.constant 0 : i32
      %broadcast_in_dim3A_1316 = vector.broadcast %broadcast_in_dim3A_1315 : i32 to vector<16xi32>
      tpu.vector_store_idx %arg11[%add3A_1258, %broadcast_in_dim3A_1316], %neg3A_1314 : memref<128x8xf32, #tpu.memory_space<vmem>>[vector<16xi32>, vector<16xi32>], vector<16xf32>,
      %mul3A_1317 = arith.mulf %exp3A_1269, %div3A_1310 : vector<16xf32>
      tpu.vector_store_idx %arg9[%add3A_1258, %broadcast_in_dim3A_1267], %mul3A_1317 : memref<128x128xf32, #tpu.memory_space<vmem>>[vector<16xi32>, vector<16xi32>], vector<16xf32>,
      %broadcast_in_dim3A_1318 = arith.constant 1 : i32
      %broadcast_in_dim3A_1319 = vector.broadcast %broadcast_in_dim3A_1318 : i32 to vector<16xi32>
      tpu.vector_store_idx %arg11[%add3A_1258, %broadcast_in_dim3A_1319], %mul3A_1317 : memref<128x8xf32, #tpu.memory_space<vmem>>[vector<16xi32>, vector<16xi32>], vector<16xf32>,
      %mul3A_1320 = arith.mulf %exp3A_1276, %div3A_1310 : vector<16xf32>
      %neg3A_1321 = arith.constant 0.000000e+00 : f32
      %neg3A_1322 = vector.broadcast %neg3A_1321 : f32 to vector<16xf32>
      %neg3A_1323 = arith.subf %neg3A_1322, %mul3A_1320 : vector<16xf32>
      tpu.vector_store_idx %arg9[%add3A_1258, %broadcast_in_dim3A_1271], %neg3A_1323 : memref<128x128xf32, #tpu.memory_space<vmem>>[vector<16xi32>, vector<16xi32>], vector<16xf32>,
      %broadcast_in_dim3A_1324 = arith.constant 2 : i32
      %broadcast_in_dim3A_1325 = vector.broadcast %broadcast_in_dim3A_1324 : i32 to vector<16xi32>
      tpu.vector_store_idx %arg11[%add3A_1258, %broadcast_in_dim3A_1325], %neg3A_1323 : memref<128x8xf32, #tpu.memory_space<vmem>>[vector<16xi32>, vector<16xi32>], vector<16xf32>,
      %mul3A_1326 = arith.mulf %exp3A_1280, %div3A_1310 : vector<16xf32>
      tpu.vector_store_idx %arg9[%add3A_1258, %broadcast_in_dim3A_1278], %mul3A_1326 : memref<128x128xf32, #tpu.memory_space<vmem>>[vector<16xi32>, vector<16xi32>], vector<16xf32>,
      %broadcast_in_dim3A_1327 = arith.constant 3 : i32
      %broadcast_in_dim3A_1328 = vector.broadcast %broadcast_in_dim3A_1327 : i32 to vector<16xi32>
      tpu.vector_store_idx %arg11[%add3A_1258, %broadcast_in_dim3A_1328], %mul3A_1326 : memref<128x8xf32, #tpu.memory_space<vmem>>[vector<16xi32>, vector<16xi32>], vector<16xf32>,
      %mul3A_1329 = arith.mulf %exp3A_1287, %div3A_1310 : vector<16xf32>
      %neg3A_1330 = arith.constant 0.000000e+00 : f32
      %neg3A_1331 = vector.broadcast %neg3A_1330 : f32 to vector<16xf32>
      %neg3A_1332 = arith.subf %neg3A_1331, %mul3A_1329 : vector<16xf32>
      tpu.vector_store_idx %arg9[%add3A_1258, %broadcast_in_dim3A_1282], %neg3A_1332 : memref<128x128xf32, #tpu.memory_space<vmem>>[vector<16xi32>, vector<16xi32>], vector<16xf32>,
      %broadcast_in_dim3A_1333 = arith.constant 4 : i32
      %broadcast_in_dim3A_1334 = vector.broadcast %broadcast_in_dim3A_1333 : i32 to vector<16xi32>
      tpu.vector_store_idx %arg11[%add3A_1258, %broadcast_in_dim3A_1334], %neg3A_1332 : memref<128x8xf32, #tpu.memory_space<vmem>>[vector<16xi32>, vector<16xi32>], vector<16xf32>,
      %mul3A_1335 = arith.mulf %exp3A_1291, %div3A_1310 : vector<16xf32>
      tpu.vector_store_idx %arg9[%add3A_1258, %broadcast_in_dim3A_1289], %mul3A_1335 : memref<128x128xf32, #tpu.memory_space<vmem>>[vector<16xi32>, vector<16xi32>], vector<16xf32>,
      %broadcast_in_dim3A_1336 = arith.constant 5 : i32
      %broadcast_in_dim3A_1337 = vector.broadcast %broadcast_in_dim3A_1336 : i32 to vector<16xi32>
      tpu.vector_store_idx %arg11[%add3A_1258, %broadcast_in_dim3A_1337], %mul3A_1335 : memref<128x8xf32, #tpu.memory_space<vmem>>[vector<16xi32>, vector<16xi32>], vector<16xf32>,
      %mul3A_1338 = arith.mulf %exp3A_1298, %div3A_1310 : vector<16xf32>
      %neg3A_1339 = arith.constant 0.000000e+00 : f32
      %neg3A_1340 = vector.broadcast %neg3A_1339 : f32 to vector<16xf32>
      %neg3A_1341 = arith.subf %neg3A_1340, %mul3A_1338 : vector<16xf32>
      tpu.vector_store_idx %arg9[%add3A_1258, %broadcast_in_dim3A_1293], %neg3A_1341 : memref<128x128xf32, #tpu.memory_space<vmem>>[vector<16xi32>, vector<16xi32>], vector<16xf32>,
      %broadcast_in_dim3A_1342 = arith.constant 6 : i32
      %broadcast_in_dim3A_1343 = vector.broadcast %broadcast_in_dim3A_1342 : i32 to vector<16xi32>
      tpu.vector_store_idx %arg11[%add3A_1258, %broadcast_in_dim3A_1343], %neg3A_1341 : memref<128x8xf32, #tpu.memory_space<vmem>>[vector<16xi32>, vector<16xi32>], vector<16xf32>,
      %mul3A_1344 = arith.mulf %exp3A_1302, %div3A_1310 : vector<16xf32>
      tpu.vector_store_idx %arg9[%add3A_1258, %broadcast_in_dim3A_1300], %mul3A_1344 : memref<128x128xf32, #tpu.memory_space<vmem>>[vector<16xi32>, vector<16xi32>], vector<16xf32>,
      %broadcast_in_dim3A_1345 = arith.constant 7 : i32
      %broadcast_in_dim3A_1346 = vector.broadcast %broadcast_in_dim3A_1345 : i32 to vector<16xi32>
      tpu.vector_store_idx %arg11[%add3A_1258, %broadcast_in_dim3A_1346], %mul3A_1344 : memref<128x8xf32, #tpu.memory_space<vmem>>[vector<16xi32>, vector<16xi32>], vector<16xf32>,
      %add3A_1347 = arith.constant 96 : i32
      %add3A_1348 = vector.broadcast %add3A_1347 : i32 to vector<16xi32>
      %add3A_1349 = arith.addi %iota3A, %add3A_1348 : vector<16xi32>
      %broadcast_in_dim3A_1350 = arith.constant 3 : i32
      %broadcast_in_dim3A_1351 = vector.broadcast %broadcast_in_dim3A_1350 : i32 to vector<16xi32>
      %gather3A_1352 = tpu.vector_load_idx %arg7[%add3A_1349, %broadcast_in_dim3A_1351] : memref<128x128xf32, #tpu.memory_space<vmem>>[vector<16xi32>, vector<16xi32>], vector<16xf32>,
      %neg3A_1353 = arith.constant 0.000000e+00 : f32
      %neg3A_1354 = vector.broadcast %neg3A_1353 : f32 to vector<16xf32>
      %neg3A_1355 = arith.subf %neg3A_1354, %gather3A_1352 : vector<16xf32>
      %exp3A_1356 = math.exp %neg3A_1355 : vector<16xf32>
      %broadcast_in_dim3A_1357 = arith.constant 17 : i32
      %broadcast_in_dim3A_1358 = vector.broadcast %broadcast_in_dim3A_1357 : i32 to vector<16xi32>
      %gather3A_1359 = tpu.vector_load_idx %arg7[%add3A_1349, %broadcast_in_dim3A_1358] : memref<128x128xf32, #tpu.memory_space<vmem>>[vector<16xi32>, vector<16xi32>], vector<16xf32>,
      %exp3A_1360 = math.exp %gather3A_1359 : vector<16xf32>
      %broadcast_in_dim3A_1361 = arith.constant 42 : i32
      %broadcast_in_dim3A_1362 = vector.broadcast %broadcast_in_dim3A_1361 : i32 to vector<16xi32>
      %gather3A_1363 = tpu.vector_load_idx %arg7[%add3A_1349, %broadcast_in_dim3A_1362] : memref<128x128xf32, #tpu.memory_space<vmem>>[vector<16xi32>, vector<16xi32>], vector<16xf32>,
      %neg3A_1364 = arith.constant 0.000000e+00 : f32
      %neg3A_1365 = vector.broadcast %neg3A_1364 : f32 to vector<16xf32>
      %neg3A_1366 = arith.subf %neg3A_1365, %gather3A_1363 : vector<16xf32>
      %exp3A_1367 = math.exp %neg3A_1366 : vector<16xf32>
      %broadcast_in_dim3A_1368 = arith.constant 63 : i32
      %broadcast_in_dim3A_1369 = vector.broadcast %broadcast_in_dim3A_1368 : i32 to vector<16xi32>
      %gather3A_1370 = tpu.vector_load_idx %arg7[%add3A_1349, %broadcast_in_dim3A_1369] : memref<128x128xf32, #tpu.memory_space<vmem>>[vector<16xi32>, vector<16xi32>], vector<16xf32>,
      %exp3A_1371 = math.exp %gather3A_1370 : vector<16xf32>
      %broadcast_in_dim3A_1372 = arith.constant 77 : i32
      %broadcast_in_dim3A_1373 = vector.broadcast %broadcast_in_dim3A_1372 : i32 to vector<16xi32>
      %gather3A_1374 = tpu.vector_load_idx %arg7[%add3A_1349, %broadcast_in_dim3A_1373] : memref<128x128xf32, #tpu.memory_space<vmem>>[vector<16xi32>, vector<16xi32>], vector<16xf32>,
      %neg3A_1375 = arith.constant 0.000000e+00 : f32
      %neg3A_1376 = vector.broadcast %neg3A_1375 : f32 to vector<16xf32>
      %neg3A_1377 = arith.subf %neg3A_1376, %gather3A_1374 : vector<16xf32>
      %exp3A_1378 = math.exp %neg3A_1377 : vector<16xf32>
      %broadcast_in_dim3A_1379 = arith.constant 99 : i32
      %broadcast_in_dim3A_1380 = vector.broadcast %broadcast_in_dim3A_1379 : i32 to vector<16xi32>
      %gather3A_1381 = tpu.vector_load_idx %arg7[%add3A_1349, %broadcast_in_dim3A_1380] : memref<128x128xf32, #tpu.memory_space<vmem>>[vector<16xi32>, vector<16xi32>], vector<16xf32>,
      %exp3A_1382 = math.exp %gather3A_1381 : vector<16xf32>
      %broadcast_in_dim3A_1383 = arith.constant 110 : i32
      %broadcast_in_dim3A_1384 = vector.broadcast %broadcast_in_dim3A_1383 : i32 to vector<16xi32>
      %gather3A_1385 = tpu.vector_load_idx %arg7[%add3A_1349, %broadcast_in_dim3A_1384] : memref<128x128xf32, #tpu.memory_space<vmem>>[vector<16xi32>, vector<16xi32>], vector<16xf32>,
      %neg3A_1386 = arith.constant 0.000000e+00 : f32
      %neg3A_1387 = vector.broadcast %neg3A_1386 : f32 to vector<16xf32>
      %neg3A_1388 = arith.subf %neg3A_1387, %gather3A_1385 : vector<16xf32>
      %exp3A_1389 = math.exp %neg3A_1388 : vector<16xf32>
      %broadcast_in_dim3A_1390 = arith.constant 120 : i32
      %broadcast_in_dim3A_1391 = vector.broadcast %broadcast_in_dim3A_1390 : i32 to vector<16xi32>
      %gather3A_1392 = tpu.vector_load_idx %arg7[%add3A_1349, %broadcast_in_dim3A_1391] : memref<128x128xf32, #tpu.memory_space<vmem>>[vector<16xi32>, vector<16xi32>], vector<16xf32>,
      %exp3A_1393 = math.exp %gather3A_1392 : vector<16xf32>
      %add3A_1394 = arith.addf %exp3A_1356, %exp3A_1360 : vector<16xf32>
      %add3A_1395 = arith.addf %add3A_1394, %exp3A_1367 : vector<16xf32>
      %add3A_1396 = arith.addf %add3A_1395, %exp3A_1371 : vector<16xf32>
      %add3A_1397 = arith.addf %add3A_1396, %exp3A_1378 : vector<16xf32>
      %add3A_1398 = arith.addf %add3A_1397, %exp3A_1382 : vector<16xf32>
      %add3A_1399 = arith.addf %add3A_1398, %exp3A_1389 : vector<16xf32>
      %add3A_1400 = arith.addf %add3A_1399, %exp3A_1393 : vector<16xf32>
      %div3A_1401 = arith.divf %get3A_3, %add3A_1400 : vector<16xf32>
      %mul3A_1402 = arith.mulf %exp3A_1356, %div3A_1401 : vector<16xf32>
      %neg3A_1403 = arith.constant 0.000000e+00 : f32
      %neg3A_1404 = vector.broadcast %neg3A_1403 : f32 to vector<16xf32>
      %neg3A_1405 = arith.subf %neg3A_1404, %mul3A_1402 : vector<16xf32>
      tpu.vector_store_idx %arg9[%add3A_1349, %broadcast_in_dim3A_1351], %neg3A_1405 : memref<128x128xf32, #tpu.memory_space<vmem>>[vector<16xi32>, vector<16xi32>], vector<16xf32>,
      %broadcast_in_dim3A_1406 = arith.constant 0 : i32
      %broadcast_in_dim3A_1407 = vector.broadcast %broadcast_in_dim3A_1406 : i32 to vector<16xi32>
      tpu.vector_store_idx %arg11[%add3A_1349, %broadcast_in_dim3A_1407], %neg3A_1405 : memref<128x8xf32, #tpu.memory_space<vmem>>[vector<16xi32>, vector<16xi32>], vector<16xf32>,
      %mul3A_1408 = arith.mulf %exp3A_1360, %div3A_1401 : vector<16xf32>
      tpu.vector_store_idx %arg9[%add3A_1349, %broadcast_in_dim3A_1358], %mul3A_1408 : memref<128x128xf32, #tpu.memory_space<vmem>>[vector<16xi32>, vector<16xi32>], vector<16xf32>,
      %broadcast_in_dim3A_1409 = arith.constant 1 : i32
      %broadcast_in_dim3A_1410 = vector.broadcast %broadcast_in_dim3A_1409 : i32 to vector<16xi32>
      tpu.vector_store_idx %arg11[%add3A_1349, %broadcast_in_dim3A_1410], %mul3A_1408 : memref<128x8xf32, #tpu.memory_space<vmem>>[vector<16xi32>, vector<16xi32>], vector<16xf32>,
      %mul3A_1411 = arith.mulf %exp3A_1367, %div3A_1401 : vector<16xf32>
      %neg3A_1412 = arith.constant 0.000000e+00 : f32
      %neg3A_1413 = vector.broadcast %neg3A_1412 : f32 to vector<16xf32>
      %neg3A_1414 = arith.subf %neg3A_1413, %mul3A_1411 : vector<16xf32>
      tpu.vector_store_idx %arg9[%add3A_1349, %broadcast_in_dim3A_1362], %neg3A_1414 : memref<128x128xf32, #tpu.memory_space<vmem>>[vector<16xi32>, vector<16xi32>], vector<16xf32>,
      %broadcast_in_dim3A_1415 = arith.constant 2 : i32
      %broadcast_in_dim3A_1416 = vector.broadcast %broadcast_in_dim3A_1415 : i32 to vector<16xi32>
      tpu.vector_store_idx %arg11[%add3A_1349, %broadcast_in_dim3A_1416], %neg3A_1414 : memref<128x8xf32, #tpu.memory_space<vmem>>[vector<16xi32>, vector<16xi32>], vector<16xf32>,
      %mul3A_1417 = arith.mulf %exp3A_1371, %div3A_1401 : vector<16xf32>
      tpu.vector_store_idx %arg9[%add3A_1349, %broadcast_in_dim3A_1369], %mul3A_1417 : memref<128x128xf32, #tpu.memory_space<vmem>>[vector<16xi32>, vector<16xi32>], vector<16xf32>,
      %broadcast_in_dim3A_1418 = arith.constant 3 : i32
      %broadcast_in_dim3A_1419 = vector.broadcast %broadcast_in_dim3A_1418 : i32 to vector<16xi32>
      tpu.vector_store_idx %arg11[%add3A_1349, %broadcast_in_dim3A_1419], %mul3A_1417 : memref<128x8xf32, #tpu.memory_space<vmem>>[vector<16xi32>, vector<16xi32>], vector<16xf32>,
      %mul3A_1420 = arith.mulf %exp3A_1378, %div3A_1401 : vector<16xf32>
      %neg3A_1421 = arith.constant 0.000000e+00 : f32
      %neg3A_1422 = vector.broadcast %neg3A_1421 : f32 to vector<16xf32>
      %neg3A_1423 = arith.subf %neg3A_1422, %mul3A_1420 : vector<16xf32>
      tpu.vector_store_idx %arg9[%add3A_1349, %broadcast_in_dim3A_1373], %neg3A_1423 : memref<128x128xf32, #tpu.memory_space<vmem>>[vector<16xi32>, vector<16xi32>], vector<16xf32>,
      %broadcast_in_dim3A_1424 = arith.constant 4 : i32
      %broadcast_in_dim3A_1425 = vector.broadcast %broadcast_in_dim3A_1424 : i32 to vector<16xi32>
      tpu.vector_store_idx %arg11[%add3A_1349, %broadcast_in_dim3A_1425], %neg3A_1423 : memref<128x8xf32, #tpu.memory_space<vmem>>[vector<16xi32>, vector<16xi32>], vector<16xf32>,
      %mul3A_1426 = arith.mulf %exp3A_1382, %div3A_1401 : vector<16xf32>
      tpu.vector_store_idx %arg9[%add3A_1349, %broadcast_in_dim3A_1380], %mul3A_1426 : memref<128x128xf32, #tpu.memory_space<vmem>>[vector<16xi32>, vector<16xi32>], vector<16xf32>,
      %broadcast_in_dim3A_1427 = arith.constant 5 : i32
      %broadcast_in_dim3A_1428 = vector.broadcast %broadcast_in_dim3A_1427 : i32 to vector<16xi32>
      tpu.vector_store_idx %arg11[%add3A_1349, %broadcast_in_dim3A_1428], %mul3A_1426 : memref<128x8xf32, #tpu.memory_space<vmem>>[vector<16xi32>, vector<16xi32>], vector<16xf32>,
      %mul3A_1429 = arith.mulf %exp3A_1389, %div3A_1401 : vector<16xf32>
      %neg3A_1430 = arith.constant 0.000000e+00 : f32
      %neg3A_1431 = vector.broadcast %neg3A_1430 : f32 to vector<16xf32>
      %neg3A_1432 = arith.subf %neg3A_1431, %mul3A_1429 : vector<16xf32>
      tpu.vector_store_idx %arg9[%add3A_1349, %broadcast_in_dim3A_1384], %neg3A_1432 : memref<128x128xf32, #tpu.memory_space<vmem>>[vector<16xi32>, vector<16xi32>], vector<16xf32>,
      %broadcast_in_dim3A_1433 = arith.constant 6 : i32
      %broadcast_in_dim3A_1434 = vector.broadcast %broadcast_in_dim3A_1433 : i32 to vector<16xi32>
      tpu.vector_store_idx %arg11[%add3A_1349, %broadcast_in_dim3A_1434], %neg3A_1432 : memref<128x8xf32, #tpu.memory_space<vmem>>[vector<16xi32>, vector<16xi32>], vector<16xf32>,
      %mul3A_1435 = arith.mulf %exp3A_1393, %div3A_1401 : vector<16xf32>
      tpu.vector_store_idx %arg9[%add3A_1349, %broadcast_in_dim3A_1391], %mul3A_1435 : memref<128x128xf32, #tpu.memory_space<vmem>>[vector<16xi32>, vector<16xi32>], vector<16xf32>,
      %broadcast_in_dim3A_1436 = arith.constant 7 : i32
      %broadcast_in_dim3A_1437 = vector.broadcast %broadcast_in_dim3A_1436 : i32 to vector<16xi32>
      tpu.vector_store_idx %arg11[%add3A_1349, %broadcast_in_dim3A_1437], %mul3A_1435 : memref<128x8xf32, #tpu.memory_space<vmem>>[vector<16xi32>, vector<16xi32>], vector<16xf32>,
      %add3A_1438 = arith.constant 112 : i32
      %add3A_1439 = vector.broadcast %add3A_1438 : i32 to vector<16xi32>
      %add3A_1440 = arith.addi %iota3A, %add3A_1439 : vector<16xi32>
      %broadcast_in_dim3A_1441 = arith.constant 3 : i32
      %broadcast_in_dim3A_1442 = vector.broadcast %broadcast_in_dim3A_1441 : i32 to vector<16xi32>
      %gather3A_1443 = tpu.vector_load_idx %arg7[%add3A_1440, %broadcast_in_dim3A_1442] : memref<128x128xf32, #tpu.memory_space<vmem>>[vector<16xi32>, vector<16xi32>], vector<16xf32>,
      %neg3A_1444 = arith.constant 0.000000e+00 : f32
      %neg3A_1445 = vector.broadcast %neg3A_1444 : f32 to vector<16xf32>
      %neg3A_1446 = arith.subf %neg3A_1445, %gather3A_1443 : vector<16xf32>
      %exp3A_1447 = math.exp %neg3A_1446 : vector<16xf32>
      %broadcast_in_dim3A_1448 = arith.constant 17 : i32
      %broadcast_in_dim3A_1449 = vector.broadcast %broadcast_in_dim3A_1448 : i32 to vector<16xi32>
      %gather3A_1450 = tpu.vector_load_idx %arg7[%add3A_1440, %broadcast_in_dim3A_1449] : memref<128x128xf32, #tpu.memory_space<vmem>>[vector<16xi32>, vector<16xi32>], vector<16xf32>,
      %exp3A_1451 = math.exp %gather3A_1450 : vector<16xf32>
      %broadcast_in_dim3A_1452 = arith.constant 42 : i32
      %broadcast_in_dim3A_1453 = vector.broadcast %broadcast_in_dim3A_1452 : i32 to vector<16xi32>
      %gather3A_1454 = tpu.vector_load_idx %arg7[%add3A_1440, %broadcast_in_dim3A_1453] : memref<128x128xf32, #tpu.memory_space<vmem>>[vector<16xi32>, vector<16xi32>], vector<16xf32>,
      %neg3A_1455 = arith.constant 0.000000e+00 : f32
      %neg3A_1456 = vector.broadcast %neg3A_1455 : f32 to vector<16xf32>
      %neg3A_1457 = arith.subf %neg3A_1456, %gather3A_1454 : vector<16xf32>
      %exp3A_1458 = math.exp %neg3A_1457 : vector<16xf32>
      %broadcast_in_dim3A_1459 = arith.constant 63 : i32
      %broadcast_in_dim3A_1460 = vector.broadcast %broadcast_in_dim3A_1459 : i32 to vector<16xi32>
      %gather3A_1461 = tpu.vector_load_idx %arg7[%add3A_1440, %broadcast_in_dim3A_1460] : memref<128x128xf32, #tpu.memory_space<vmem>>[vector<16xi32>, vector<16xi32>], vector<16xf32>,
      %exp3A_1462 = math.exp %gather3A_1461 : vector<16xf32>
      %broadcast_in_dim3A_1463 = arith.constant 77 : i32
      %broadcast_in_dim3A_1464 = vector.broadcast %broadcast_in_dim3A_1463 : i32 to vector<16xi32>
      %gather3A_1465 = tpu.vector_load_idx %arg7[%add3A_1440, %broadcast_in_dim3A_1464] : memref<128x128xf32, #tpu.memory_space<vmem>>[vector<16xi32>, vector<16xi32>], vector<16xf32>,
      %neg3A_1466 = arith.constant 0.000000e+00 : f32
      %neg3A_1467 = vector.broadcast %neg3A_1466 : f32 to vector<16xf32>
      %neg3A_1468 = arith.subf %neg3A_1467, %gather3A_1465 : vector<16xf32>
      %exp3A_1469 = math.exp %neg3A_1468 : vector<16xf32>
      %broadcast_in_dim3A_1470 = arith.constant 99 : i32
      %broadcast_in_dim3A_1471 = vector.broadcast %broadcast_in_dim3A_1470 : i32 to vector<16xi32>
      %gather3A_1472 = tpu.vector_load_idx %arg7[%add3A_1440, %broadcast_in_dim3A_1471] : memref<128x128xf32, #tpu.memory_space<vmem>>[vector<16xi32>, vector<16xi32>], vector<16xf32>,
      %exp3A_1473 = math.exp %gather3A_1472 : vector<16xf32>
      %broadcast_in_dim3A_1474 = arith.constant 110 : i32
      %broadcast_in_dim3A_1475 = vector.broadcast %broadcast_in_dim3A_1474 : i32 to vector<16xi32>
      %gather3A_1476 = tpu.vector_load_idx %arg7[%add3A_1440, %broadcast_in_dim3A_1475] : memref<128x128xf32, #tpu.memory_space<vmem>>[vector<16xi32>, vector<16xi32>], vector<16xf32>,
      %neg3A_1477 = arith.constant 0.000000e+00 : f32
      %neg3A_1478 = vector.broadcast %neg3A_1477 : f32 to vector<16xf32>
      %neg3A_1479 = arith.subf %neg3A_1478, %gather3A_1476 : vector<16xf32>
      %exp3A_1480 = math.exp %neg3A_1479 : vector<16xf32>
      %broadcast_in_dim3A_1481 = arith.constant 120 : i32
      %broadcast_in_dim3A_1482 = vector.broadcast %broadcast_in_dim3A_1481 : i32 to vector<16xi32>
      %gather3A_1483 = tpu.vector_load_idx %arg7[%add3A_1440, %broadcast_in_dim3A_1482] : memref<128x128xf32, #tpu.memory_space<vmem>>[vector<16xi32>, vector<16xi32>], vector<16xf32>,
      %exp3A_1484 = math.exp %gather3A_1483 : vector<16xf32>
      %add3A_1485 = arith.addf %exp3A_1447, %exp3A_1451 : vector<16xf32>
      %add3A_1486 = arith.addf %add3A_1485, %exp3A_1458 : vector<16xf32>
      %add3A_1487 = arith.addf %add3A_1486, %exp3A_1462 : vector<16xf32>
      %add3A_1488 = arith.addf %add3A_1487, %exp3A_1469 : vector<16xf32>
      %add3A_1489 = arith.addf %add3A_1488, %exp3A_1473 : vector<16xf32>
      %add3A_1490 = arith.addf %add3A_1489, %exp3A_1480 : vector<16xf32>
      %add3A_1491 = arith.addf %add3A_1490, %exp3A_1484 : vector<16xf32>
      %div3A_1492 = arith.divf %get3A_3, %add3A_1491 : vector<16xf32>
      %mul3A_1493 = arith.mulf %exp3A_1447, %div3A_1492 : vector<16xf32>
      %neg3A_1494 = arith.constant 0.000000e+00 : f32
      %neg3A_1495 = vector.broadcast %neg3A_1494 : f32 to vector<16xf32>
      %neg3A_1496 = arith.subf %neg3A_1495, %mul3A_1493 : vector<16xf32>
      tpu.vector_store_idx %arg9[%add3A_1440, %broadcast_in_dim3A_1442], %neg3A_1496 : memref<128x128xf32, #tpu.memory_space<vmem>>[vector<16xi32>, vector<16xi32>], vector<16xf32>,
      %broadcast_in_dim3A_1497 = arith.constant 0 : i32
      %broadcast_in_dim3A_1498 = vector.broadcast %broadcast_in_dim3A_1497 : i32 to vector<16xi32>
      tpu.vector_store_idx %arg11[%add3A_1440, %broadcast_in_dim3A_1498], %neg3A_1496 : memref<128x8xf32, #tpu.memory_space<vmem>>[vector<16xi32>, vector<16xi32>], vector<16xf32>,
      %mul3A_1499 = arith.mulf %exp3A_1451, %div3A_1492 : vector<16xf32>
      tpu.vector_store_idx %arg9[%add3A_1440, %broadcast_in_dim3A_1449], %mul3A_1499 : memref<128x128xf32, #tpu.memory_space<vmem>>[vector<16xi32>, vector<16xi32>], vector<16xf32>,
      %broadcast_in_dim3A_1500 = arith.constant 1 : i32
      %broadcast_in_dim3A_1501 = vector.broadcast %broadcast_in_dim3A_1500 : i32 to vector<16xi32>
      tpu.vector_store_idx %arg11[%add3A_1440, %broadcast_in_dim3A_1501], %mul3A_1499 : memref<128x8xf32, #tpu.memory_space<vmem>>[vector<16xi32>, vector<16xi32>], vector<16xf32>,
      %mul3A_1502 = arith.mulf %exp3A_1458, %div3A_1492 : vector<16xf32>
      %neg3A_1503 = arith.constant 0.000000e+00 : f32
      %neg3A_1504 = vector.broadcast %neg3A_1503 : f32 to vector<16xf32>
      %neg3A_1505 = arith.subf %neg3A_1504, %mul3A_1502 : vector<16xf32>
      tpu.vector_store_idx %arg9[%add3A_1440, %broadcast_in_dim3A_1453], %neg3A_1505 : memref<128x128xf32, #tpu.memory_space<vmem>>[vector<16xi32>, vector<16xi32>], vector<16xf32>,
      %broadcast_in_dim3A_1506 = arith.constant 2 : i32
      %broadcast_in_dim3A_1507 = vector.broadcast %broadcast_in_dim3A_1506 : i32 to vector<16xi32>
      tpu.vector_store_idx %arg11[%add3A_1440, %broadcast_in_dim3A_1507], %neg3A_1505 : memref<128x8xf32, #tpu.memory_space<vmem>>[vector<16xi32>, vector<16xi32>], vector<16xf32>,
      %mul3A_1508 = arith.mulf %exp3A_1462, %div3A_1492 : vector<16xf32>
      tpu.vector_store_idx %arg9[%add3A_1440, %broadcast_in_dim3A_1460], %mul3A_1508 : memref<128x128xf32, #tpu.memory_space<vmem>>[vector<16xi32>, vector<16xi32>], vector<16xf32>,
      %broadcast_in_dim3A_1509 = arith.constant 3 : i32
      %broadcast_in_dim3A_1510 = vector.broadcast %broadcast_in_dim3A_1509 : i32 to vector<16xi32>
      tpu.vector_store_idx %arg11[%add3A_1440, %broadcast_in_dim3A_1510], %mul3A_1508 : memref<128x8xf32, #tpu.memory_space<vmem>>[vector<16xi32>, vector<16xi32>], vector<16xf32>,
      %mul3A_1511 = arith.mulf %exp3A_1469, %div3A_1492 : vector<16xf32>
      %neg3A_1512 = arith.constant 0.000000e+00 : f32
      %neg3A_1513 = vector.broadcast %neg3A_1512 : f32 to vector<16xf32>
      %neg3A_1514 = arith.subf %neg3A_1513, %mul3A_1511 : vector<16xf32>
      tpu.vector_store_idx %arg9[%add3A_1440, %broadcast_in_dim3A_1464], %neg3A_1514 : memref<128x128xf32, #tpu.memory_space<vmem>>[vector<16xi32>, vector<16xi32>], vector<16xf32>,
      %broadcast_in_dim3A_1515 = arith.constant 4 : i32
      %broadcast_in_dim3A_1516 = vector.broadcast %broadcast_in_dim3A_1515 : i32 to vector<16xi32>
      tpu.vector_store_idx %arg11[%add3A_1440, %broadcast_in_dim3A_1516], %neg3A_1514 : memref<128x8xf32, #tpu.memory_space<vmem>>[vector<16xi32>, vector<16xi32>], vector<16xf32>,
      %mul3A_1517 = arith.mulf %exp3A_1473, %div3A_1492 : vector<16xf32>
      tpu.vector_store_idx %arg9[%add3A_1440, %broadcast_in_dim3A_1471], %mul3A_1517 : memref<128x128xf32, #tpu.memory_space<vmem>>[vector<16xi32>, vector<16xi32>], vector<16xf32>,
      %broadcast_in_dim3A_1518 = arith.constant 5 : i32
      %broadcast_in_dim3A_1519 = vector.broadcast %broadcast_in_dim3A_1518 : i32 to vector<16xi32>
      tpu.vector_store_idx %arg11[%add3A_1440, %broadcast_in_dim3A_1519], %mul3A_1517 : memref<128x8xf32, #tpu.memory_space<vmem>>[vector<16xi32>, vector<16xi32>], vector<16xf32>,
      %mul3A_1520 = arith.mulf %exp3A_1480, %div3A_1492 : vector<16xf32>
      %neg3A_1521 = arith.constant 0.000000e+00 : f32
      %neg3A_1522 = vector.broadcast %neg3A_1521 : f32 to vector<16xf32>
      %neg3A_1523 = arith.subf %neg3A_1522, %mul3A_1520 : vector<16xf32>
      tpu.vector_store_idx %arg9[%add3A_1440, %broadcast_in_dim3A_1475], %neg3A_1523 : memref<128x128xf32, #tpu.memory_space<vmem>>[vector<16xi32>, vector<16xi32>], vector<16xf32>,
      %broadcast_in_dim3A_1524 = arith.constant 6 : i32
      %broadcast_in_dim3A_1525 = vector.broadcast %broadcast_in_dim3A_1524 : i32 to vector<16xi32>
      tpu.vector_store_idx %arg11[%add3A_1440, %broadcast_in_dim3A_1525], %neg3A_1523 : memref<128x8xf32, #tpu.memory_space<vmem>>[vector<16xi32>, vector<16xi32>], vector<16xf32>,
      %mul3A_1526 = arith.mulf %exp3A_1484, %div3A_1492 : vector<16xf32>
      tpu.vector_store_idx %arg9[%add3A_1440, %broadcast_in_dim3A_1482], %mul3A_1526 : memref<128x128xf32, #tpu.memory_space<vmem>>[vector<16xi32>, vector<16xi32>], vector<16xf32>,
      %broadcast_in_dim3A_1527 = arith.constant 7 : i32
      %broadcast_in_dim3A_1528 = vector.broadcast %broadcast_in_dim3A_1527 : i32 to vector<16xi32>
      tpu.vector_store_idx %arg11[%add3A_1440, %broadcast_in_dim3A_1528], %mul3A_1526 : memref<128x8xf32, #tpu.memory_space<vmem>>[vector<16xi32>, vector<16xi32>], vector<16xf32>,
      %mul3A_1529 = arith.constant 128 : i32
      %mul3A_1530 = arith.muli %add3A_791, %mul3A_1529 : i32
      %add3A_1531 = arith.addi %mul3A_2, %mul3A_1530 : i32
      %dma_start3A_1532 = arith.constant 0 : i32
      %dma_start3A_1533 = tpu.memref_slice %arg4[%add3A_1531, %dma_start3A_1532] : memref<262144x128xf32, #tpu.memory_space<hbm>> -> memref<128x128xf32, #tpu.memory_space<hbm>>
      %dma_start3A_1534 = arith.constant 0 : i32
      %dma_start3A_1535 = tpu.memref_slice %arg4[%add3A_1531, %dma_start3A_1534] : memref<262144x128xf32, #tpu.memory_space<hbm>> -> memref<128x128xf32, #tpu.memory_space<hbm>>
      tpu.enqueue_dma source(%arg9 : memref<128x128xf32, #tpu.memory_space<vmem>>) target(%dma_start3A_1535 : memref<128x128xf32, #tpu.memory_space<hbm>>) target_semaphore(%arg16 : memref<!tpu.dma_semaphore, #tpu.memory_space<semaphore_mem>>)
      %dma_start3A_1536 = arith.constant 0 : i32
      %dma_start3A_1537 = tpu.memref_slice %arg5[%add3A_1531, %dma_start3A_1536] : memref<262144x8xf32, #tpu.memory_space<hbm>> -> memref<128x8xf32, #tpu.memory_space<hbm>>
      %dma_start3A_1538 = arith.constant 0 : i32
      %dma_start3A_1539 = tpu.memref_slice %arg5[%add3A_1531, %dma_start3A_1538] : memref<262144x8xf32, #tpu.memory_space<hbm>> -> memref<128x8xf32, #tpu.memory_space<hbm>>
      tpu.enqueue_dma source(%arg11 : memref<128x8xf32, #tpu.memory_space<vmem>>) target(%dma_start3A_1539 : memref<128x8xf32, #tpu.memory_space<hbm>>) target_semaphore(%arg18 : memref<!tpu.dma_semaphore, #tpu.memory_space<semaphore_mem>>)
      %lt3A_1540 = arith.constant 31 : i32
      %lt3A_1541 = arith.cmpi slt, %scan3A_42, %lt3A_1540 : i32
      %convert_element_type3A_1542 = arith.extui %lt3A_1541 : i1 to i32
      %cond3A_1543 = arith.constant 0 : i32
      %cond3A_1544 = arith.cmpi ne, %convert_element_type3A_1542, %cond3A_1543 : i32
      scf.if %cond3A_1544 {
        %add3A_1545 = arith.constant 2 : i32
        %add3A_1546 = arith.addi %add3A_791, %add3A_1545 : i32
        %mul3A_1547 = arith.constant 128 : i32
        %mul3A_1548 = arith.muli %add3A_1546, %mul3A_1547 : i32
        %add3A_1549 = arith.addi %mul3A_2, %mul3A_1548 : i32
        %dma_start3A_1550 = arith.constant 0 : i32
        %dma_start3A_1551 = tpu.memref_slice %arg2[%add3A_1549, %dma_start3A_1550] : memref<262144x128xf32, #tpu.memory_space<hbm>> -> memref<128x128xf32, #tpu.memory_space<hbm>>
        %dma_start3A_1552 = arith.constant 0 : i32
        %dma_start3A_1553 = tpu.memref_slice %arg2[%add3A_1549, %dma_start3A_1552] : memref<262144x128xf32, #tpu.memory_space<hbm>> -> memref<128x128xf32, #tpu.memory_space<hbm>>
        tpu.enqueue_dma source(%dma_start3A_1553 : memref<128x128xf32, #tpu.memory_space<hbm>>) target(%arg7 : memref<128x128xf32, #tpu.memory_space<vmem>>) target_semaphore(%arg14 : memref<!tpu.dma_semaphore, #tpu.memory_space<semaphore_mem>>)
      } else {
      }
    }
    %scan3A_26 = arith.constant 32 : i32
    %dma_wait3A = arith.constant 0 : i32
    %dma_wait3A_27 = tpu.memref_slice %arg4[%mul3A_2, %dma_wait3A] : memref<262144x128xf32, #tpu.memory_space<hbm>> -> memref<128x128xf32, #tpu.memory_space<hbm>>
    %dma_wait3A_28 = arith.constant 0 : i32
    %dma_wait3A_29 = tpu.memref_slice %arg4[%mul3A_2, %dma_wait3A_28] : memref<262144x128xf32, #tpu.memory_space<hbm>> -> memref<128x128xf32, #tpu.memory_space<hbm>>
    tpu.wait_dma2 semaphore(%arg15 : memref<!tpu.dma_semaphore, #tpu.memory_space<semaphore_mem>>) src(%arg8 : memref<128x128xf32, #tpu.memory_space<vmem>>) dst(%dma_wait3A_29 : memref<128x128xf32, #tpu.memory_space<hbm>>)
    %dma_wait3A_30 = arith.constant 0 : i32
    %dma_wait3A_31 = tpu.memref_slice %arg5[%mul3A_2, %dma_wait3A_30] : memref<262144x8xf32, #tpu.memory_space<hbm>> -> memref<128x8xf32, #tpu.memory_space<hbm>>
    %dma_wait3A_32 = arith.constant 0 : i32
    %dma_wait3A_33 = tpu.memref_slice %arg5[%mul3A_2, %dma_wait3A_32] : memref<262144x8xf32, #tpu.memory_space<hbm>> -> memref<128x8xf32, #tpu.memory_space<hbm>>
    tpu.wait_dma2 semaphore(%arg17 : memref<!tpu.dma_semaphore, #tpu.memory_space<semaphore_mem>>) src(%arg10 : memref<128x8xf32, #tpu.memory_space<vmem>>) dst(%dma_wait3A_33 : memref<128x8xf32, #tpu.memory_space<hbm>>)
    %dma_wait3A_34 = arith.constant 0 : i32
    %dma_wait3A_35 = tpu.memref_slice %arg4[%mul3A_2, %dma_wait3A_34] : memref<262144x128xf32, #tpu.memory_space<hbm>> -> memref<128x128xf32, #tpu.memory_space<hbm>>
    %dma_wait3A_36 = arith.constant 0 : i32
    %dma_wait3A_37 = tpu.memref_slice %arg4[%mul3A_2, %dma_wait3A_36] : memref<262144x128xf32, #tpu.memory_space<hbm>> -> memref<128x128xf32, #tpu.memory_space<hbm>>
    tpu.wait_dma2 semaphore(%arg16 : memref<!tpu.dma_semaphore, #tpu.memory_space<semaphore_mem>>) src(%arg9 : memref<128x128xf32, #tpu.memory_space<vmem>>) dst(%dma_wait3A_37 : memref<128x128xf32, #tpu.memory_space<hbm>>)
    %dma_wait3A_38 = arith.constant 0 : i32
    %dma_wait3A_39 = tpu.memref_slice %arg5[%mul3A_2, %dma_wait3A_38] : memref<262144x8xf32, #tpu.memory_space<hbm>> -> memref<128x8xf32, #tpu.memory_space<hbm>>
    %dma_wait3A_40 = arith.constant 0 : i32
    %dma_wait3A_41 = tpu.memref_slice %arg5[%mul3A_2, %dma_wait3A_40] : memref<262144x8xf32, #tpu.memory_space<hbm>> -> memref<128x8xf32, #tpu.memory_space<hbm>>
    tpu.wait_dma2 semaphore(%arg18 : memref<!tpu.dma_semaphore, #tpu.memory_space<semaphore_mem>>) src(%arg11 : memref<128x8xf32, #tpu.memory_space<vmem>>) dst(%dma_wait3A_41 : memref<128x8xf32, #tpu.memory_space<hbm>>)
    return
  }
}

</mosaic_0001>

<sc_bundles>
// kernel: kernel.3.cloned.1.call-start
scs
__scs_entry_jumppad:
0x0: {  	(pc) =	sbr.rel $0x88, $3  }
0x1: {  	(tag) =	ssettag $0x0;
	lr =	simm.s32 $0x1  }
0x2: {  	[smem:$0x3F9F] =	sst lr;
	_ =	strace $0xD0000000  }
0x3: {  	_ = 	snop  }
0x4: {  	_ = 	snop  }
0x5: {  	_ = 	snop  }
0x6: {  	_ = 	snop  }
0x7: {  	_ = 	snop  }
__scs_overlays_trampoline_lowered:
0x8: {  	[smem:$0x3FAE] =	sst s0  }
0x9: {  	[smem:$0x3FAF] =	sst s1  }
0xa: {  	[smem:$0x3FB0] =	sst s2  }
0xb: {  	[smem:$0x3FB1] =	sst s3  }
0xc: {  	[smem:$0x3FB2] =	sst s4  }
0xd: {  	[smem:$0x3FB3] =	sst s5  }
0xe: {  	[smem:$0x3FB4] =	sst s6  }
0xf: {  	[smem:$0x3FB5] =	sst s7  }
0x10: {  	[smem:$0x3FB6] =	sst s8  }
0x11: {  	[smem:$0x3FB7] =	sst s9;
	s0 =	simm.s32 @!p0 $0x0  }
0x12: {  	s1 =	sld [smem:$0x3F9D];
	s0 =	simm.s32 @p0 $0x1  }
0x13: {  	[smem:$0x3FB8] =	sst s0;
	s0 =	simm.s32 @!p1 $0x0  }
0x14: {  	s2 =	sld [smem:$0x3F9C];
	s0 =	simm.s32 @p1 $0x1  }
0x15: {  	[smem:$0x3FB9] =	sst s0;
	s0 =	simm.s32 @!p2 $0x0  }
0x16: {  	s3 =	sld [smem:$0x3FDB];
	s0 =	simm.s32 @p2 $0x1  }
0x17: {  	s4 =	simm.s32 $0x1BF5;
	[smem:$0x3FBB] =	sst s0  }
0x18: {  	s0 =	sld [smem:$0x3F9E];
	_ =	swait.ge [sflag:s4], $0x0  }
0x19: {  	s7 =	sld [smem:$0x3F9F]  }
0x1a: {  	s8 =	sadd.s32 $0xFFFFE003, lr  }
0x1b: {  	s9 =	sadd.s32 $0xFFFFFEF7, lr;
	s5 =	simm.s32 $0xFFFFFFFF;
	p2 =	slt.u32 s8, $0xFFFFF086  }
0x1c: {  	p1 =	slt.u32 s9, $0xF7A;
	s5 =	simm.s32 @!p2 $0x0  }
0x1d: {  	s5 =	simm.s32 @p1 $0x1;
	p0 =	seq.s32 s7, s2  }
0x1e: {  	s7 =	smul.u32 @!p0 $0xF7A, s2;
	p2 =	seq.s32 @!p0 s5, $0x0  }
0x1f: {  	s9 =	smul.u32 $0xF7A, s1;
	s8 =	simm.s32 @!p0 $0x1BF5;
	p2 =	por !p2, p0  }
0x20: {  	[sflag:s8] =	ssyncset.s32 @!p0 $0xFFFFF086;
	s6 =	sadd.s32 @!p0 s3, s7;
	s7 =	simm.s32 @!p0 $0x108  }
0x21: {  	s3 =	sadd.s32 s3, s9;
	s6 =	sadd.s32 @!p0 $0x88, s6;
	s7 =	simm.s32 @p2 $0x1082  }
0x22: {  	[simem:s7], [sflag:s8] =	dma.local @!p0 [hbm:s6], $0xF7A  }
0x23: {  	s9 =	sor.u32 $0xD0000000, s2;
	s6 =	simm.s32 $0x108;
	_ =	swait.ge @!p0 [sflag:s8], $0x0  }
0x24: {  	s3 =	sadd.s32 $0x88, s3;
	s6 =	simm.s32 @!p1 $0x1082;
	[sflag:s4] =	ssyncset.s32 $0xFFFFF086  }
0x25: {  	[simem:s6], [sflag:s4] =	dma.local [hbm:s3], $0xF7A  }
0x26: {  	[smem:$0x3F9F] =	sst s1;
	(tag) =	ssettag s2;
	_ =	strace s9  }
0x27: {  	s1 =	sld [smem:$0x3FAF]  }
0x28: {  	s2 =	sld [smem:$0x3FB0]  }
0x29: {  	s4 =	sld [smem:$0x3FB2]  }
0x2a: {  	p0 =	seq.s32 s5, $0x0;
	s5 =	sld [smem:$0x3FB3]  }
0x2b: {  	s6 =	sld [smem:$0x3FB4]  }
0x2c: {  	s7 =	sld [smem:$0x3FB5]  }
0x2d: {  	s3 =	simm.s32 $0x108;
	s8 =	sld [smem:$0x3FB6]  }
0x2e: {  	s3 =	simm.s32 @!p0 $0x1082;
	s9 =	sld [smem:$0x3FB7]  }
0x2f: {  	lr =	sadd.s32 s0, s3;
	s0 =	sld [smem:$0x3FAE]  }
0x30: {  	s3 =	sld [smem:$0x3FB1]  }
0x31: {  	[smem:$0x3FBA] =	sst s10  }
0x32: {  	s10 =	sld [smem:$0x3FB8];
	_ =	sdelay $0x3  }
0x33: {  	p0 =	seq.s32 s10, $0x1;
	s10 =	sld [smem:$0x3FBA];
	_ =	sdelay $0x3  }
0x34: {  	[smem:$0x3FBA] =	sst s10  }
0x35: {  	s10 =	sld [smem:$0x3FB9];
	_ =	sdelay $0x3  }
0x36: {  	p1 =	seq.s32 s10, $0x1;
	s10 =	sld [smem:$0x3FBA];
	_ =	sdelay $0x3  }
0x37: {  	[smem:$0x3FBA] =	sst s10  }
0x38: {  	s10 =	sld [smem:$0x3FBB]  }
0x39: {  	_ = 	snop;
	(pc) =	sbr.ind lr, $3  }
0x3a: {  	_ = 	snop  }
0x3b: {  	_ = 	snop  }
0x3c: {  	p2 =	seq.s32 s10, $0x1;
	s10 =	sld [smem:$0x3FBA]  }
0x3d: {  	_ =	shalt  }
0x3e: {  	_ =	shalt  }
0x3f: {  	_ =	shalt  }
0x40: {  	_ =	shalt  }
0x41: {  	_ =	shalt  }
0x42: {  	_ =	shalt  }
0x43: {  	_ =	shalt  }
0x44: {  	_ =	shalt  }
0x45: {  	_ =	shalt  }
0x46: {  	_ =	shalt  }
0x47: {  	_ =	shalt  }
0x48: {  	_ =	shalt  }
0x49: {  	_ =	shalt  }
0x4a: {  	_ =	shalt  }
0x4b: {  	_ =	shalt  }
0x4c: {  	_ =	shalt  }
0x4d: {  	_ =	shalt  }
0x4e: {  	_ =	shalt  }
0x4f: {  	_ =	shalt  }
0x50: {  	_ =	shalt  }
0x51: {  	_ =	shalt  }
0x52: {  	_ =	shalt  }
0x53: {  	_ =	shalt  }
0x54: {  	_ =	shalt  }
0x55: {  	_ =	shalt  }
0x56: {  	_ =	shalt  }
0x57: {  	_ =	shalt  }
0x58: {  	_ =	shalt  }
0x59: {  	_ =	shalt  }
0x5a: {  	_ =	shalt  }
0x5b: {  	_ =	shalt  }
0x5c: {  	_ =	shalt  }
0x5d: {  	_ =	shalt  }
0x5e: {  	_ =	shalt  }
0x5f: {  	_ =	shalt  }
0x60: {  	_ =	shalt  }
0x61: {  	_ =	shalt  }
0x62: {  	_ =	shalt  }
0x63: {  	_ =	shalt  }
0x64: {  	_ =	shalt  }
0x65: {  	_ =	shalt  }
0x66: {  	_ =	shalt  }
0x67: {  	_ =	shalt  }
0x68: {  	_ =	shalt  }
0x69: {  	_ =	shalt  }
0x6a: {  	_ =	shalt  }
0x6b: {  	_ =	shalt  }
0x6c: {  	_ =	shalt  }
0x6d: {  	_ =	shalt  }
0x6e: {  	_ =	shalt  }
0x6f: {  	_ =	shalt  }
0x70: {  	_ =	shalt  }
0x71: {  	_ =	shalt  }
0x72: {  	_ =	shalt  }
0x73: {  	_ =	shalt  }
0x74: {  	_ =	shalt  }
0x75: {  	_ =	shalt  }
0x76: {  	_ =	shalt  }
0x77: {  	_ =	shalt  }
0x78: {  	_ =	shalt  }
0x79: {  	_ =	shalt  }
0x7a: {  	_ =	shalt  }
0x7b: {  	_ =	shalt  }
0x7c: {  	_ =	shalt  }
0x7d: {  	_ =	shalt  }
0x7e: {  	_ =	shalt  }
0x7f: {  	_ =	shalt  }
0x80: {  	_ =	shalt  }
0x81: {  	_ =	shalt  }
0x82: {  	_ =	shalt  }
0x83: {  	_ =	shalt  }
0x84: {  	_ =	shalt  }
0x85: {  	_ =	shalt  }
0x86: {  	_ =	shalt  }
0x87: {  	_ =	shalt  }
.Lfunc_end0:
.L_simem_size_0:
called_computation_lowered:
.L_overlay_start_0:
0x88: {  	s2 =	sld [smem:$0x3FD9]  }
0x89: {  	s3 =	sld [smem:$0x3FFE];
	_ =	sdelay $0x1  }
0x8a: {  	s1 =	srdreg.scid  }
0x8b: {  	s0 =	sand.u32 $0x1, s1  }
0x8c: {  	s14 =	sshll.u32 s0, $0xA;
	s2 =	sadd.s32 s3, s2  }
0x8d: {  	s2 =	sadd.s32 s2, s14  }
0x8e: {  	[smem:$0x3FC6] =	sst s2  }
0x8f: {  	_ = 	snop  }
0x90: {  	s2 =	sld [smem:$0x3FD0];
	_ =	sdelay $0x2  }
0x91: {  	s4 =	simm.s32 $0xA;
	s5 =	simm.s32 $0x10;
	s15 =	sld [smem:$0x3FC9]  }
0x92: {  	[smem:s5], [sflag:s4] =	dma.local [hbm:s2], $0x1  }
0x93: {  	_ =	swait.eq [sflag:s4], $0x1  }
0x94: {  	[sflag:s4] =	ssyncset.done $0x0  }
0x95: {  	s16 =	sld [smem:$0x10];
	[sflag:s4] =	ssyncadd.s32 $0xFFFFFFFF  }
0x96: {  	s17 =	sld [smem:$0x11];
	(tm) =	ssettm $0x1  }
0x97: {  	s18 =	sld [smem:$0x3FFB];
	_ =	sdelay $0x3  }
0x98: {  	_ =	strace s18  }
0x99: {  	s5 =	sld [smem:$0x3FFC];
	_ =	sdelay $0x3  }
0x9a: {  	_ =	strace s5  }
0x9b: {  	s5 =	sld [smem:$0x3FFD];
	_ =	sdelay $0x3  }
0x9c: {  	_ =	strace s5  }
0x9d: {  	_ =	strace $0x8FFFFFFF  }
0x9e: {  	s19 =	sld [smem:$0x3FDB];
	_ =	sdelay $0x1  }
0x9f: {  	s6 =	simm.s32 $_scs_section_size  }
0xa0: {  	s7 =	simm.s32 $_size__tile_overlayer_lowered;
	s8 =	simm.s32 $_tile_overlayer_lowered  }
0xa1: {  	s22 =	simm.s32 $0x1BFF;
	s21 =	sshll.u32 s8, $0x1;
	s5 =	sadd.s32 s6, s19  }
0xa2: {  	s9 =	simm.s32 $0x0;
	s20 =	sshll.u32 s7, $0x1;
	s7 =	sadd.s32 s21, s5  }
0xa3: {  	[timem:s9], [sflag:s22] =	dma.local [hbm:s7], s20  }
0xa4: {  	_ =	swait.ge [sflag:s22], s20  }
0xa5: {  	s6 =	ssub.s32 $0x0, s20;
	[sflag:s22] =	ssyncset.done $0x0  }
0xa6: {  	[sflag:s22] =	ssyncadd.s32 s6;
	_ =	sdelay $0x1  }
0xa7: {  	s23 =	simm.s32 $0x1B8B  }
0xa8: {  	_ =	swait.ge [sflag:s23], $0x1  }
0xa9: {  	[sflag:s23] =	ssyncset.done $0x0  }
0xaa: {  	s25 =	simm.s32 $0x1B8E;
	s24 =	sld [smem:$0x3FFE];
	[sflag:s23] =	ssyncadd.s32 $0xFFFFFFFF  }
0xab: {  	s26 =	simm.s32 $execute0_lowered;
	[smem:$0x3FD2] =	sst s25  }
0xac: {  	s7 =	sshll.u32 s26, $0x1;
	_ =	strace $0x80000046;
	[dreg:$0x1] =	wrdreg $0xFFFFFFFF  }
0xad: {  	s28 =	simm.s32 $_size_execute0_lowered;
	s5 =	sadd.s32 s5, s7;
	[dreg:$0x0] =	wrdreg $0x0  }
0xae: {  	s7 =	sshll.u32 s28, $0x1;
	[dreg:$0x2] =	wrdreg s5  }
0xaf: {  	[dreg:$0x3] =	wrdreg s7  }
0xb0: {  	[dreg:$0x4] =	wrdreg $0xC0  }
0xb1: {  	_ =	task [dreg:s9], $0x5FFFF  }
0xb2: {  	[dreg:$0x1] =	wrdreg $0xFFFFFFFF  }
0xb3: {  	[dreg:$0x0] =	wrdreg $0x60  }
0xb4: {  	[dreg:$0x2] =	wrdreg s15  }
0xb5: {  	[dreg:$0x3] =	wrdreg s17  }
0xb6: {  	[dreg:$0x4] =	wrdreg s16  }
0xb7: {  	[dreg:$0x5] =	wrdreg s24  }
0xb8: {  	[dreg:$0x6] =	wrdreg $0x9  }
0xb9: {  	_ =	task.clear_ibuf [dreg:s9], $0x7FFFF;
	_ =	strace $0x90000046  }
0xba: {  	s29 =	simm.s32 $0x9;
	_ =	strace $0x80000048  }
0xbb: {  	_ =	swait.ge [sflag:s29], $0x1  }
0xbc: {  	[sflag:s29] =	ssyncadd.s32 $0xFFFFFFFF  }
0xbd: {  	_ =	strace $0x90000048  }
0xbe: {  	_ =	sfence  }
0xbf: {  	s30 =	sld [smem:$0x0];
	_ =	sdelay $0x2  }
0xc0: {  	s31 =	sshll.u32 s1, $0xD;
	s1 =	sshrl.u32 s1, $0x2  }
0xc1: {  	s3 =	sand.u32 $0x4000, s31;
	s1 =	sadd.s32 s1, s30  }
0xc2: {  	s0 =	sor.u32 s3, s0;
	s1 =	sshll.u32 s1, $0x11  }
0xc3: {  	s0 =	sor.u32 s1, s0  }
0xc4: {  	s0 =	sadd.s32 $0x8F2B, s0  }
0xc5: {  	[sflag:s0] =	ssyncadd.remote.s32 $0x1  }
0xc6: {  	_ =	sfence.sel $0xFFFF  }
0xc7: {  	[dreg:$0x0] =	wrdreg $0xFFFFFFFF;
	(pc) =	sbr.abs _section_cstart, $3  }
0xc8: {  	[dreg:$0x1] =	wrdreg $0xFFFFFFFF  }
0xc9: {  	_ =	task.clear_ibuf [dreg:s9], $0x2FFFF;
	_ =	strace $0x9FFFFFFF  }
0xca: {  	(tm) =	ssettm $0x7FFFFFFF  }
0xcb: {  	_ =	shalt  }
tec
execute0_lowered:
.L_overlay_start_1:
0x0: {  	(tag) =	ssettag $0x1  }
0x1: {  	v0 =	vlaneseq.u32  }
0x2: {  	v0 =	vmul.u32 $0x80, v0;
	_ =	sdelay $0x1  }
0x3: {  	v2 =	vor.u32 $0x3, v0  }
0x4: {  	[tilespmem:$0x1FC30] =	vst v2;
	v2 =	vor.u32 $0x11, v0  }
0x5: {  	[tilespmem:$0x1FC40] =	vst v2;
	v2 =	vor.u32 $0x2A, v0  }
0x6: {  	[tilespmem:$0x1FC50] =	vst v2;
	v2 =	vor.u32 $0x3F, v0  }
0x7: {  	[tilespmem:$0x1FC60] =	vst v2;
	v2 =	vor.u32 $0x4D, v0  }
0x8: {  	[tilespmem:$0x1FC70] =	vst v2;
	v2 =	vor.u32 $0x63, v0  }
0x9: {  	[tilespmem:$0x1FC80] =	vst v2;
	v2 =	vor.u32 $0x6E, v0  }
0xa: {  	[tilespmem:$0x1FC90] =	vst v2;
	v2 =	vor.u32 $0x78, v0  }
0xb: {  	[tilespmem:$0x1FCA0] =	vst v2;
	v2 =	vor.u32 $0x82A, v0  }
0xc: {  	[tilespmem:$0x1FCB0] =	vst v2;
	v2 =	vor.u32 $0x83F, v0  }
0xd: {  	[tilespmem:$0x1FCC0] =	vst v2;
	v2 =	vor.u32 $0x84D, v0  }
0xe: {  	[tilespmem:$0x1FCD0] =	vst v2;
	v2 =	vor.u32 $0x863, v0  }
0xf: {  	[tilespmem:$0x1FCE0] =	vst v2;
	v2 =	vor.u32 $0x86E, v0  }
0x10: {  	[tilespmem:$0x1FCF0] =	vst v2;
	v2 =	vor.u32 $0x878, v0  }
0x11: {  	[tilespmem:$0x1FD00] =	vst v2;
	v2 =	vor.u32 $0x800, v0  }
0x12: {  	s9 =	rddreg [dreg:$0x0];
	[tilespmem:$0x1FD10] =	vst v2;
	v2 =	vor.u32 $0x1011, v0  }
0x13: {  	s0 =	rddreg [dreg:$0x1];
	[tilespmem:$0x1FD20] =	vst v2;
	v2 =	vor.u32 $0x102A, v0  }
0x14: {  	s7 =	rddreg [dreg:$0x2];
	s3 =	srdreg.scid;
	[tilespmem:$0x1FD30] =	vst v2;
	v2 =	vor.u32 $0x103F, v0  }
0x15: {  	s5 =	rddreg [dreg:$0x3];
	s4 =	sand.u32 $0x1, s3;
	s3 =	simm.s32 $0x0;
	[tilespmem:$0x1FD40] =	vst v2;
	v2 =	vor.u32 $0x104D, v0  }
0x16: {  	[smem:$0x7FF] =	sst s3;
	[tilespmem:$0x1FD50] =	vst v2;
	v2 =	vor.u32 $0x1063, v0  }
0x17: {  	s1 =	rddreg [dreg:$0x4];
	v19 =	vor.u32 $0x2, v0;
	_ =	strace $0x80000047;
	[tilespmem:$0x1FD60] =	vst v2  }
0x18: {  	v25 =	vor.u32 $0x4, v0;
	[tilespmem:$0x1FE60] =	vst v19  }
0x19: {  	v26 =	vor.u32 $0x5, v0;
	[tilespmem:$0x1FE70] =	vst v25  }
0x1a: {  	v27 =	vor.u32 $0x7, v0;
	[tilespmem:$0x1FE80] =	vst v26  }
0x1b: {  	v28 =	vor.u32 $0x804, v0;
	[tilespmem:$0x1FE90] =	vst v27  }
0x1c: {  	v29 =	vor.u32 $0x805, v0;
	[tilespmem:$0x1FEA0] =	vst v28  }
0x1d: {  	v30 =	vor.u32 $0x807, v0;
	[tilespmem:$0x1FEB0] =	vst v29  }
0x1e: {  	v21 =	vor.u32 $0x1001, v0;
	[tilespmem:$0x1FEC0] =	vst v30  }
0x1f: {  	v22 =	vor.u32 $0x1804, v0;
	[tilespmem:$0x1FED0] =	vst v21  }
0x20: {  	v32 =	vor.u32 $0x1805, v0;
	[tilespmem:$0x1FEE0] =	vst v22  }
0x21: {  	v36 =	vor.u32 $0x1806, v0;
	[tilespmem:$0x1FEF0] =	vst v32  }
0x22: {  	v37 =	vor.u32 $0x1807, v0;
	[tilespmem:$0x1FF00] =	vst v36  }
0x23: {  	v47 =	vor.u32 $0x2003, v0;
	[tilespmem:$0x1FF10] =	vst v37  }
0x24: {  	v20 =	vor.u32 $0x1, v0;
	[tilespmem:$0x1FF20] =	vst v47  }
0x25: {  	v23 =	vor.u32 $0x6, v0;
	[tilespmem:$0x1FF30] =	vst v20  }
0x26: {  	v33 =	vor.u32 $0x803, v0;
	[tilespmem:$0x1FF40] =	vst v23  }
0x27: {  	v34 =	vor.u32 $0x811, v0;
	[tilespmem:$0x1FF50] =	vst v33  }
0x28: {  	v49 =	vor.u32 $0x801, v0;
	[tilespmem:$0x1FF60] =	vst v34  }
0x29: {  	v35 =	vor.u32 $0x802, v0;
	[tilespmem:$0x1FF70] =	vst v49  }
0x2a: {  	v38 =	vor.u32 $0x806, v0;
	[tilespmem:$0x1FF80] =	vst v35  }
0x2b: {  	v48 =	vor.u32 $0x1003, v0;
	[tilespmem:$0x1FF90] =	vst v38  }
0x2c: {  	v50 =	vor.u32 $0x1002, v0;
	[tilespmem:$0x1FFA0] =	vst v48  }
0x2d: {  	v51 =	vor.u32 $0x1004, v0;
	[tilespmem:$0x1FFB0] =	vst v50  }
0x2e: {  	v52 =	vor.u32 $0x1005, v0;
	[tilespmem:$0x1FFC0] =	vst v51  }
0x2f: {  	v53 =	vor.u32 $0x1006, v0;
	[tilespmem:$0x1FFD0] =	vst v52  }
0x30: {  	v62 =	vor.u32 $0x1007, v0;
	[tilespmem:$0x1FFE0] =	vst v53  }
0x31: {  	v2 =	vor.u32 $0x106E, v0;
	[tilespmem:$0x1FFF0] =	vst v62  }
0x32: {  	[tilespmem:$0x1FD70] =	vst v2;
	v2 =	vor.u32 $0x1078, v0  }
0x33: {  	[tilespmem:$0x1FD80] =	vst v2;
	v2 =	vor.u32 $0x1000, v0  }
0x34: {  	[tilespmem:$0x1FD90] =	vst v2;
	v2 =	vor.u32 $0x1803, v0  }
0x35: {  	[tilespmem:$0x1FDA0] =	vst v2;
	v2 =	vor.u32 $0x1811, v0  }
0x36: {  	s2 =	stileid.u32;
	s13 =	simm.s32 $0x1;
	[tilespmem:$0x1FDB0] =	vst v2;
	v2 =	vor.u32 $0x182A, v0  }
0x37: {  	s14 =	simm.s32 $0x8000;
	s15 =	simm.s32 $0x10000;
	s16 =	simm.s32 $0x2;
	[tilespmem:$0x1FDC0] =	vst v2;
	v2 =	vor.u32 $0x183F, v0  }
0x38: {  	s17 =	simm.s32 $0x4;
	s18 =	simm.s32 $0x6;
	s19 =	simm.s32 $0xC000;
	[tilespmem:$0x1FDD0] =	vst v2;
	v2 =	vor.u32 $0x184D, v0  }
0x39: {  	s20 =	simm.s32 $0x14000;
	s21 =	simm.s32 $0x3;
	s22 =	simm.s32 $0x5;
	[tilespmem:$0x1FDE0] =	vst v2;
	v2 =	vor.u32 $0x1863, v0  }
0x3a: {  	s23 =	simm.s32 $0x0;
	s10 =	sshll.u32 s2, $0x12;
	s11 =	sshll.u32 s4, $0x11;
	[tilespmem:$0x1FDF0] =	vst v2;
	v2 =	vor.u32 $0x186E, v0  }
0x3b: {  	s6 =	ssub.s32 $0x2, s4;
	s12 =	sadd.s32 s10, s5;
	s31 =	sadd.s32 s10, s7;
	[tilespmem:$0x1FE00] =	vst v2;
	v2 =	vor.u32 $0x1878, v0  }
.Ltmp0:
0x3c: {  	s29 =	sor.u32 s11, s10;
	s8 =	sshrl.u32 s6, $0x1;
	[tilespmem:$0x1FE10] =	vst v2;
	v2 =	vor.u32 $0x1800, v0;
	(pc) =	sbr.rel .LBB2_1-.Ltmp0, $4  }
0x3d: {  	s30 =	sadd.s32 s11, s12;
	s12 =	simm.s32 $0x4000;
	s4 =	sadd.s32 s9, s29;
	[tilespmem:$0x1FE20] =	vst v2;
	v2 =	vor.u32 $0x1801, v0  }
0x3e: {  	s6 =	ssub.s32 s6, s8;
	s7 =	sadd.s32 $0x800, s30;
	s8 =	sadd.s32 s11, s31;
	[tilespmem:$0x1FE30] =	vst v2;
	v2 =	vor.u32 $0x1802, v0  }
0x3f: {  	s9 =	sadd.s32 s10, s9;
	s10 =	simm.s32 $0x18000;
	s5 =	sadd.s32 $0x800, s4;
	[tilespmem:$0x1FE40] =	vst v2;
	v2 =	vor.u32 $0x2011, v0  }
0x40: {  	v1 =	vimm.f32 $0.0e+00;
	s6 =	smax.u32 s6, $0x1;
	s9 =	sadd.s32 s11, s9;
	s11 =	simm.s32 $0x7;
	[tilespmem:$0x1FE50] =	vst v2  }
.LBB2_10:
0x41: {  	_ =	swait.ge [sflag:s21], $0x4000  }
0x42: {  	[sflag:s21] =	ssyncset.done $0x0  }
0x43: {  	[sflag:s21] =	ssyncadd.s32 $0xFFFFC000  }
0x44: {  	_ =	swait.ge [sflag:s22], $0x4000  }
0x45: {  	[sflag:s22] =	ssyncset.done $0x0  }
0x46: {  	s23 =	sadd.s32 $0x1, s23;
	[sflag:s22] =	ssyncadd.s32 $0xFFFFC000  }
0x47: {  	p0 =	sne.s32 s23, s6;
	_ =	swait.ge [sflag:s17], $0x4000  }
.Ltmp1:
0x48: {  	[sflag:s17] =	ssyncset.done $0x0;
	(pc) =	sbr.rel @!p0 .LBB2_11-.Ltmp1, $4  }
0x49: {  	[sflag:s17] =	ssyncadd.s32 $0xFFFFC000  }
0x4a: {  	_ =	swait.ge [sflag:s18], $0x4000  }
0x4b: {  	[sflag:s18] =	ssyncset.done $0x0  }
0x4c: {  	v19 =	vmov v15;
	[sflag:s18] =	ssyncadd.s32 $0xFFFFC000  }
.LBB2_1:
0x4d: {  	[tilespmem:s10], [sflag:$0x7] =	stream.linear.gather [hbm4b:s0+s3], $0x80, $0x38;
	[tilespmem:$0x18080] =	vst v63  }
0x4e: {  	_ =	swait.ge [sflag:s11], $0x80  }
0x4f: {  	[sflag:s11] =	ssyncset.done $0x0  }
0x50: {  	[sflag:s11] =	ssyncadd.s32 $0xFFFFFF80  }
0x51: {  	s24 =	simm.s32 $0x0;
	s25 =	simm.s32 $0x200;
	v63 =	vld [tilespmem:$0x18000]  }
.LBB2_2:
0x52: {  	p0 =	sne.s32 s25, $0xFE00;
	[tilespmem:s24+$0xC070] =	vst v1  }
0x53: {  	[tilespmem:s24+$0x8000] =	vst v1  }
0x54: {  	[tilespmem:s24+$0xC000] =	vst v1  }
0x55: {  	[tilespmem:s24+$0x8010] =	vst v1  }
0x56: {  	[tilespmem:s24+$0xC010] =	vst v1  }
0x57: {  	[tilespmem:s24+$0x8020] =	vst v1  }
0x58: {  	[tilespmem:s24+$0xC020] =	vst v1  }
0x59: {  	[tilespmem:s24+$0x8030] =	vst v1  }
0x5a: {  	[tilespmem:s24+$0xC030] =	vst v1  }
0x5b: {  	[tilespmem:s24+$0x8040] =	vst v1  }
0x5c: {  	[tilespmem:s24+$0xC040] =	vst v1  }
.Ltmp2:
0x5d: {  	[tilespmem:s24+$0x8050] =	vst v1;
	(pc) =	sbr.rel @p0 .LBB2_2-.Ltmp2, $4  }
0x5e: {  	[tilespmem:s24+$0xC050] =	vst v1  }
0x5f: {  	[tilespmem:s24+$0x8060] =	vst v1  }
0x60: {  	[tilespmem:s24+$0xC060] =	vst v1  }
0x61: {  	[tilespmem:s24+$0x8070] =	vst v1;
	s24 =	sshra.s32 s25, $0x2;
	s25 =	sadd.s32 $0x200, s25  }
0x62: {  	[tilespmem:s24+$0xC070] =	vst v1  }
0x63: {  	[tilespmem:s24+$0x8000] =	vst v1  }
0x64: {  	[tilespmem:s24+$0xC000] =	vst v1  }
0x65: {  	[tilespmem:s24+$0x8010] =	vst v1  }
0x66: {  	[tilespmem:s24+$0xC010] =	vst v1  }
0x67: {  	[tilespmem:s24+$0x8020] =	vst v1  }
0x68: {  	[tilespmem:s24+$0xC020] =	vst v1  }
0x69: {  	[tilespmem:s24+$0x8030] =	vst v1  }
0x6a: {  	[tilespmem:s24+$0xC030] =	vst v1  }
0x6b: {  	[tilespmem:s24+$0x8040] =	vst v1  }
0x6c: {  	[tilespmem:s24+$0xC040] =	vst v1  }
0x6d: {  	[tilespmem:s24+$0x8050] =	vst v1  }
0x6e: {  	[tilespmem:s24+$0xC050] =	vst v1  }
0x6f: {  	[tilespmem:s24+$0x8060] =	vst v1  }
0x70: {  	[tilespmem:s24+$0xC060] =	vst v1  }
0x71: {  	[tilespmem:s24+$0x8070] =	vst v1;
	s24 =	simm.s32 $0x0  }
0x72: {  	[tilespmem:s24], [sflag:$0x1] =	stream.linear.gather [hbm4b:s4+s24], $0x4000, $0x38;
	[tilespmem:$0x18080] =	vst v63  }
0x73: {  	_ = 	snop  }
0x74: {  	[tilespmem:s12], [sflag:$0x2] =	stream.linear.gather [hbm4b:s5+s24], $0x4000, $0x38;
	[tilespmem:$0x18080] =	vst v63  }
.LBB2_4:
0x75: {  	_ =	swait.ge [sflag:s13], $0x4000  }
0x76: {  	p0 =	seq.s32 s24, $0x0;
	[sflag:s13] =	ssyncset.done $0x0  }
0x77: {  	s25 =	simm.s32 @!p0 $0x3;
	[sflag:s13] =	ssyncadd.s32 $0xFFFFC000  }
0x78: {  	_ =	swait.ge @!p0 [sflag:s25], $0x4000  }
0x79: {  	[sflag:s25] =	ssyncset.done @!p0 $0x0  }
0x7a: {  	[sflag:s25] =	ssyncadd.s32 @!p0 $0xFFFFC000;
	s25 =	simm.s32 @!p0 $0x5  }
0x7b: {  	_ =	swait.ge @!p0 [sflag:s25], $0x4000  }
0x7c: {  	v11 =	vld [tilespmem:$0x1FC30];
	_ =	sdelay $0x1  }
0x7d: {  	v13 =	vld [tilespmem:$0x1FC50]  }
0x7e: {  	v12 =	vld [tilespmem:$0x1FC40];
	_ =	sdelay $0x1  }
0x7f: {  	v14 =	vld [tilespmem:$0x1FC60]  }
0x80: {  	[sflag:s25] =	ssyncset.done @!p0 $0x0;
	v15 =	vld [tilespmem:$0x1FC70]  }
0x81: {  	v16 =	vld [tilespmem:$0x1FC80];
	[sflag:s25] =	ssyncadd.s32 @!p0 $0xFFFFC000  }
0x82: {  	v2 =	vld.idx.msk [tilespmem:v11+s3+$0x0], $0xffff  }
0x83: {  	v17 =	vld [tilespmem:$0x1FC90]  }
0x84: {  	v4 =	vld.idx.msk [tilespmem:v13+s3+$0x0], $0xffff  }
0x85: {  	v3 =	vld.idx.msk [tilespmem:v12+s3+$0x0], $0xffff;
	_ =	sdelay $0x1  }
0x86: {  	v5 =	vld.idx.msk [tilespmem:v14+s3+$0x0], $0xffff;
	v2 =	vsub.f32 $0.0e+00, v2  }
0x87: {  	v6 =	vld.idx.msk [tilespmem:v15+s3+$0x0], $0xffff  }
0x88: {  	v18 =	vld [tilespmem:$0x1FCA0];
	v4 =	vsub.f32 $0.0e+00, v4;
	v2 =	vmul.f32 $1.442695020e+00, v2  }
0x89: {  	v3 =	vmul.f32 $1.442695020e+00, v3  }
0x8a: {  	(erf) = vpow2.f32 v2;
	v2 =	vmul.f32 $1.442695020e+00, v4;
	v4 =	vld.idx.msk [tilespmem:v17+s3+$0x0], $0xffff  }
0x8b: {  	(erf) = vpow2.f32 v3;
	v3 =	vld.idx.msk [tilespmem:v16+s3+$0x0], $0xffff  }
0x8c: {  	(erf) = vpow2.f32 v2;
	v2 =	vmul.f32 $1.442695020e+00, v5;
	v5 =	vsub.f32 $0.0e+00, v6;
	_ =	sdelay $0x1  }
0x8d: {  	(erf) = vpow2.f32 v2;
	v2 =	vmul.f32 $1.442695020e+00, v5;
	_ =	sdelay $0x1  }
0x8e: {  	v5 =	vld.idx.msk [tilespmem:v18+s3+$0x0], $0xffff;
	(erf) = vpow2.f32 v2;
	v2 =	vmul.f32 $1.442695020e+00, v3;
	v3 =	vsub.f32 $0.0e+00, v4;
	_ =	sdelay $0x2  }
0x8f: {  	v4 =	vpop (erf);
	(erf) = vpow2.f32 v2;
	v2 =	vmul.f32 $1.442695020e+00, v3  }
0x90: {  	v3 =	vpop (erf)  }
0x91: {  	(erf) = vpow2.f32 v2;
	v2 =	vmul.f32 $1.442695020e+00, v5;
	v5 =	vadd.f32 v3, v4;
	_ =	sdelay $0x1  }
0x92: {  	v6 =	vpop (erf)  }
0x93: {  	(erf) = vpow2.f32 v2;
	v2 =	vadd.f32 v6, v5  }
0x94: {  	v5 =	vpop (erf)  }
0x95: {  	v2 =	vadd.f32 v2, v5  }
0x96: {  	v7 =	vpop (erf)  }
0x97: {  	v2 =	vadd.f32 v7, v2  }
0x98: {  	v8 =	vpop (erf)  }
0x99: {  	v2 =	vadd.f32 v2, v8  }
0x9a: {  	v9 =	vpop (erf)  }
0x9b: {  	v2 =	vadd.f32 v9, v2  }
0x9c: {  	v10 =	vpop (erf)  }
0x9d: {  	v2 =	vadd.f32 v2, v10;
	_ =	sdelay $0x1  }
0x9e: {  	(erf) = vrcp.f32 v2;
	_ =	sdelay $0x8  }
0x9f: {  	v2 =	vpop (erf)  }
0xa0: {  	v2 =	vmul.f32 v2, v63;
	_ =	sdelay $0x1  }
0xa1: {  	v4 =	vmul.f32 v2, v4;
	_ =	sdelay $0x1  }
0xa2: {  	v4 =	vsub.f32 $0.0e+00, v4;
	_ =	sdelay $0x1  }
0xa3: {  	v3 =	vmul.f32 v2, v3;
	v6 =	vmul.f32 v2, v6;
	[tilespmem:v11+s14+$0x0] =	vst.idx.msk $0xffff, v4  }
0xa4: {  	[tilespmem:v0+s15+$0x0] =	vst.idx.msk $0xffff, v4  }
0xa5: {  	v4 =	vsub.f32 $0.0e+00, v6;
	[tilespmem:v12+s14+$0x0] =	vst.idx.msk $0xffff, v3  }
0xa6: {  	[tilespmem:v20+s15+$0x0] =	vst.idx.msk $0xffff, v3  }
0xa7: {  	v3 =	vmul.f32 v2, v5;
	v5 =	vmul.f32 v2, v7;
	[tilespmem:v13+s14+$0x0] =	vst.idx.msk $0xffff, v4  }
0xa8: {  	[tilespmem:v19+s15+$0x0] =	vst.idx.msk $0xffff, v4  }
0xa9: {  	v4 =	vsub.f32 $0.0e+00, v5;
	[tilespmem:v14+s14+$0x0] =	vst.idx.msk $0xffff, v3  }
0xaa: {  	[tilespmem:v11+s15+$0x0] =	vst.idx.msk $0xffff, v3  }
0xab: {  	v5 =	vmul.f32 v2, v9;
	v3 =	vmul.f32 v2, v8;
	[tilespmem:v15+s14+$0x0] =	vst.idx.msk $0xffff, v4  }
0xac: {  	[tilespmem:v25+s15+$0x0] =	vst.idx.msk $0xffff, v4  }
0xad: {  	v11 =	vld [tilespmem:$0x1FCB0];
	v4 =	vsub.f32 $0.0e+00, v5;
	[tilespmem:v16+s14+$0x0] =	vst.idx.msk $0xffff, v3  }
0xae: {  	[tilespmem:v26+s15+$0x0] =	vst.idx.msk $0xffff, v3  }
0xaf: {  	v2 =	vmul.f32 v2, v10;
	[tilespmem:v17+s14+$0x0] =	vst.idx.msk $0xffff, v4  }
0xb0: {  	v12 =	vld [tilespmem:$0x1FCC0];
	[tilespmem:v23+s15+$0x0] =	vst.idx.msk $0xffff, v4  }
0xb1: {  	v13 =	vld [tilespmem:$0x1FCD0];
	[tilespmem:v18+s14+$0x0] =	vst.idx.msk $0xffff, v2  }
0xb2: {  	v14 =	vld [tilespmem:$0x1FCE0];
	[tilespmem:v27+s15+$0x0] =	vst.idx.msk $0xffff, v2  }
0xb3: {  	v2 =	vld.idx.msk [tilespmem:v33+s3+$0x0], $0xffff  }
0xb4: {  	v15 =	vld [tilespmem:$0x1FCF0]  }
0xb5: {  	v4 =	vld.idx.msk [tilespmem:v11+s3+$0x0], $0xffff  }
0xb6: {  	v3 =	vld.idx.msk [tilespmem:v34+s3+$0x0], $0xffff;
	_ =	sdelay $0x1  }
0xb7: {  	v5 =	vld.idx.msk [tilespmem:v12+s3+$0x0], $0xffff;
	v2 =	vsub.f32 $0.0e+00, v2  }
0xb8: {  	v6 =	vld.idx.msk [tilespmem:v13+s3+$0x0], $0xffff  }
0xb9: {  	v39 =	vld [tilespmem:$0x1FD00];
	v4 =	vsub.f32 $0.0e+00, v4;
	v2 =	vmul.f32 $1.442695020e+00, v2  }
0xba: {  	v3 =	vmul.f32 $1.442695020e+00, v3  }
0xbb: {  	(erf) = vpow2.f32 v2;
	v2 =	vmul.f32 $1.442695020e+00, v4;
	v4 =	vld.idx.msk [tilespmem:v15+s3+$0x0], $0xffff  }
0xbc: {  	(erf) = vpow2.f32 v3;
	v3 =	vld.idx.msk [tilespmem:v14+s3+$0x0], $0xffff  }
0xbd: {  	(erf) = vpow2.f32 v2;
	v2 =	vmul.f32 $1.442695020e+00, v5;
	v5 =	vsub.f32 $0.0e+00, v6;
	_ =	sdelay $0x1  }
0xbe: {  	(erf) = vpow2.f32 v2;
	v2 =	vmul.f32 $1.442695020e+00, v5;
	_ =	sdelay $0x1  }
0xbf: {  	v5 =	vld.idx.msk [tilespmem:v39+s3+$0x0], $0xffff;
	(erf) = vpow2.f32 v2;
	v2 =	vmul.f32 $1.442695020e+00, v3;
	v3 =	vsub.f32 $0.0e+00, v4;
	_ =	sdelay $0x2  }
0xc0: {  	v4 =	vpop (erf);
	(erf) = vpow2.f32 v2;
	v2 =	vmul.f32 $1.442695020e+00, v3  }
0xc1: {  	v3 =	vpop (erf)  }
0xc2: {  	(erf) = vpow2.f32 v2;
	v2 =	vmul.f32 $1.442695020e+00, v5;
	v5 =	vadd.f32 v3, v4;
	_ =	sdelay $0x1  }
0xc3: {  	v6 =	vpop (erf)  }
0xc4: {  	(erf) = vpow2.f32 v2;
	v2 =	vadd.f32 v6, v5  }
0xc5: {  	v5 =	vpop (erf)  }
0xc6: {  	v2 =	vadd.f32 v2, v5  }
0xc7: {  	v7 =	vpop (erf)  }
0xc8: {  	v2 =	vadd.f32 v7, v2  }
0xc9: {  	v8 =	vpop (erf)  }
0xca: {  	v2 =	vadd.f32 v2, v8  }
0xcb: {  	v9 =	vpop (erf)  }
0xcc: {  	v2 =	vadd.f32 v9, v2  }
0xcd: {  	v10 =	vpop (erf)  }
0xce: {  	v2 =	vadd.f32 v2, v10;
	_ =	sdelay $0x1  }
0xcf: {  	(erf) = vrcp.f32 v2;
	_ =	sdelay $0x8  }
0xd0: {  	v40 =	vld [tilespmem:$0x1FD10];
	v2 =	vpop (erf)  }
0xd1: {  	v2 =	vmul.f32 v2, v63;
	_ =	sdelay $0x1  }
0xd2: {  	v4 =	vmul.f32 v2, v4;
	_ =	sdelay $0x1  }
0xd3: {  	v4 =	vsub.f32 $0.0e+00, v4;
	_ =	sdelay $0x1  }
0xd4: {  	v3 =	vmul.f32 v2, v3;
	v6 =	vmul.f32 v2, v6;
	[tilespmem:v33+s14+$0x0] =	vst.idx.msk $0xffff, v4  }
0xd5: {  	[tilespmem:v40+s15+$0x0] =	vst.idx.msk $0xffff, v4  }
0xd6: {  	v4 =	vsub.f32 $0.0e+00, v6;
	[tilespmem:v34+s14+$0x0] =	vst.idx.msk $0xffff, v3  }
0xd7: {  	[tilespmem:v49+s15+$0x0] =	vst.idx.msk $0xffff, v3  }
0xd8: {  	v3 =	vmul.f32 v2, v5;
	v5 =	vmul.f32 v2, v7;
	[tilespmem:v11+s14+$0x0] =	vst.idx.msk $0xffff, v4  }
0xd9: {  	[tilespmem:v35+s15+$0x0] =	vst.idx.msk $0xffff, v4  }
0xda: {  	v4 =	vsub.f32 $0.0e+00, v5;
	[tilespmem:v12+s14+$0x0] =	vst.idx.msk $0xffff, v3  }
0xdb: {  	[tilespmem:v33+s15+$0x0] =	vst.idx.msk $0xffff, v3  }
0xdc: {  	v5 =	vmul.f32 v2, v9;
	v3 =	vmul.f32 v2, v8;
	[tilespmem:v13+s14+$0x0] =	vst.idx.msk $0xffff, v4  }
0xdd: {  	[tilespmem:v28+s15+$0x0] =	vst.idx.msk $0xffff, v4  }
0xde: {  	v12 =	vld [tilespmem:$0x1FD30];
	v4 =	vsub.f32 $0.0e+00, v5;
	[tilespmem:v14+s14+$0x0] =	vst.idx.msk $0xffff, v3  }
0xdf: {  	v11 =	vld [tilespmem:$0x1FD20];
	[tilespmem:v29+s15+$0x0] =	vst.idx.msk $0xffff, v3  }
0xe0: {  	v2 =	vmul.f32 v2, v10;
	[tilespmem:v15+s14+$0x0] =	vst.idx.msk $0xffff, v4  }
0xe1: {  	v13 =	vld [tilespmem:$0x1FD40];
	[tilespmem:v38+s15+$0x0] =	vst.idx.msk $0xffff, v4  }
0xe2: {  	v14 =	vld [tilespmem:$0x1FD50];
	[tilespmem:v39+s14+$0x0] =	vst.idx.msk $0xffff, v2  }
0xe3: {  	v41 =	vld [tilespmem:$0x1FD70];
	[tilespmem:v30+s15+$0x0] =	vst.idx.msk $0xffff, v2  }
0xe4: {  	v2 =	vld.idx.msk [tilespmem:v48+s3+$0x0], $0xffff  }
0xe5: {  	v15 =	vld [tilespmem:$0x1FD60]  }
0xe6: {  	v4 =	vld.idx.msk [tilespmem:v12+s3+$0x0], $0xffff  }
0xe7: {  	v3 =	vld.idx.msk [tilespmem:v11+s3+$0x0], $0xffff;
	_ =	sdelay $0x1  }
0xe8: {  	v5 =	vld.idx.msk [tilespmem:v13+s3+$0x0], $0xffff;
	v2 =	vsub.f32 $0.0e+00, v2  }
0xe9: {  	v6 =	vld.idx.msk [tilespmem:v14+s3+$0x0], $0xffff  }
0xea: {  	v42 =	vld [tilespmem:$0x1FD80];
	v4 =	vsub.f32 $0.0e+00, v4;
	v2 =	vmul.f32 $1.442695020e+00, v2  }
0xeb: {  	v3 =	vmul.f32 $1.442695020e+00, v3  }
0xec: {  	(erf) = vpow2.f32 v2;
	v2 =	vmul.f32 $1.442695020e+00, v4;
	v4 =	vld.idx.msk [tilespmem:v41+s3+$0x0], $0xffff  }
0xed: {  	(erf) = vpow2.f32 v3;
	v3 =	vld.idx.msk [tilespmem:v15+s3+$0x0], $0xffff  }
0xee: {  	(erf) = vpow2.f32 v2;
	v2 =	vmul.f32 $1.442695020e+00, v5;
	v5 =	vsub.f32 $0.0e+00, v6;
	_ =	sdelay $0x1  }
0xef: {  	(erf) = vpow2.f32 v2;
	v2 =	vmul.f32 $1.442695020e+00, v5;
	_ =	sdelay $0x1  }
0xf0: {  	v5 =	vld.idx.msk [tilespmem:v42+s3+$0x0], $0xffff;
	(erf) = vpow2.f32 v2;
	v2 =	vmul.f32 $1.442695020e+00, v3;
	v3 =	vsub.f32 $0.0e+00, v4;
	_ =	sdelay $0x2  }
0xf1: {  	v4 =	vpop (erf);
	(erf) = vpow2.f32 v2;
	v2 =	vmul.f32 $1.442695020e+00, v3  }
0xf2: {  	v3 =	vpop (erf)  }
0xf3: {  	(erf) = vpow2.f32 v2;
	v2 =	vmul.f32 $1.442695020e+00, v5;
	v5 =	vadd.f32 v3, v4;
	_ =	sdelay $0x1  }
0xf4: {  	v6 =	vpop (erf)  }
0xf5: {  	(erf) = vpow2.f32 v2;
	v2 =	vadd.f32 v6, v5  }
0xf6: {  	v5 =	vpop (erf)  }
0xf7: {  	v2 =	vadd.f32 v2, v5  }
0xf8: {  	v7 =	vpop (erf)  }
0xf9: {  	v2 =	vadd.f32 v7, v2  }
0xfa: {  	v8 =	vpop (erf)  }
0xfb: {  	v2 =	vadd.f32 v2, v8  }
0xfc: {  	v9 =	vpop (erf)  }
0xfd: {  	v2 =	vadd.f32 v9, v2  }
0xfe: {  	v10 =	vpop (erf)  }
0xff: {  	v2 =	vadd.f32 v2, v10;
	_ =	sdelay $0x1  }
0x100: {  	(erf) = vrcp.f32 v2;
	_ =	sdelay $0x8  }
0x101: {  	v43 =	vld [tilespmem:$0x1FD90];
	v2 =	vpop (erf)  }
0x102: {  	v2 =	vmul.f32 v2, v63;
	_ =	sdelay $0x1  }
0x103: {  	v4 =	vmul.f32 v2, v4;
	_ =	sdelay $0x1  }
0x104: {  	v4 =	vsub.f32 $0.0e+00, v4;
	_ =	sdelay $0x1  }
0x105: {  	v3 =	vmul.f32 v2, v3;
	v6 =	vmul.f32 v2, v6;
	[tilespmem:v48+s14+$0x0] =	vst.idx.msk $0xffff, v4  }
0x106: {  	[tilespmem:v43+s15+$0x0] =	vst.idx.msk $0xffff, v4  }
0x107: {  	v4 =	vsub.f32 $0.0e+00, v6;
	[tilespmem:v11+s14+$0x0] =	vst.idx.msk $0xffff, v3  }
0x108: {  	[tilespmem:v21+s15+$0x0] =	vst.idx.msk $0xffff, v3  }
0x109: {  	v3 =	vmul.f32 v2, v5;
	v5 =	vmul.f32 v2, v7;
	[tilespmem:v12+s14+$0x0] =	vst.idx.msk $0xffff, v4  }
0x10a: {  	[tilespmem:v50+s15+$0x0] =	vst.idx.msk $0xffff, v4  }
0x10b: {  	v4 =	vsub.f32 $0.0e+00, v5;
	[tilespmem:v13+s14+$0x0] =	vst.idx.msk $0xffff, v3  }
0x10c: {  	[tilespmem:v48+s15+$0x0] =	vst.idx.msk $0xffff, v3  }
0x10d: {  	v11 =	vld [tilespmem:$0x1FDA0];
	v5 =	vmul.f32 v2, v9;
	v3 =	vmul.f32 v2, v8;
	[tilespmem:v14+s14+$0x0] =	vst.idx.msk $0xffff, v4  }
0x10e: {  	[tilespmem:v51+s15+$0x0] =	vst.idx.msk $0xffff, v4  }
0x10f: {  	v13 =	vld [tilespmem:$0x1FDC0];
	v4 =	vsub.f32 $0.0e+00, v5;
	[tilespmem:v15+s14+$0x0] =	vst.idx.msk $0xffff, v3  }
0x110: {  	v12 =	vld [tilespmem:$0x1FDB0];
	[tilespmem:v52+s15+$0x0] =	vst.idx.msk $0xffff, v3  }
0x111: {  	v2 =	vmul.f32 v2, v10;
	[tilespmem:v41+s14+$0x0] =	vst.idx.msk $0xffff, v4  }
0x112: {  	v14 =	vld [tilespmem:$0x1FDD0];
	[tilespmem:v53+s15+$0x0] =	vst.idx.msk $0xffff, v4  }
0x113: {  	v15 =	vld [tilespmem:$0x1FDE0];
	[tilespmem:v42+s14+$0x0] =	vst.idx.msk $0xffff, v2  }
0x114: {  	v44 =	vld [tilespmem:$0x1FDF0];
	[tilespmem:v62+s15+$0x0] =	vst.idx.msk $0xffff, v2  }
0x115: {  	v2 =	vld.idx.msk [tilespmem:v11+s3+$0x0], $0xffff  }
0x116: {  	v45 =	vld [tilespmem:$0x1FE00]  }
0x117: {  	v4 =	vld.idx.msk [tilespmem:v13+s3+$0x0], $0xffff  }
0x118: {  	v3 =	vld.idx.msk [tilespmem:v12+s3+$0x0], $0xffff;
	_ =	sdelay $0x1  }
0x119: {  	v5 =	vld.idx.msk [tilespmem:v14+s3+$0x0], $0xffff;
	v2 =	vsub.f32 $0.0e+00, v2  }
0x11a: {  	v6 =	vld.idx.msk [tilespmem:v15+s3+$0x0], $0xffff  }
0x11b: {  	v46 =	vld [tilespmem:$0x1FE10];
	v4 =	vsub.f32 $0.0e+00, v4;
	v2 =	vmul.f32 $1.442695020e+00, v2  }
0x11c: {  	v3 =	vmul.f32 $1.442695020e+00, v3  }
0x11d: {  	(erf) = vpow2.f32 v2;
	v2 =	vmul.f32 $1.442695020e+00, v4;
	v4 =	vld.idx.msk [tilespmem:v45+s3+$0x0], $0xffff  }
0x11e: {  	(erf) = vpow2.f32 v3;
	v3 =	vld.idx.msk [tilespmem:v44+s3+$0x0], $0xffff  }
0x11f: {  	(erf) = vpow2.f32 v2;
	v2 =	vmul.f32 $1.442695020e+00, v5;
	v5 =	vsub.f32 $0.0e+00, v6;
	_ =	sdelay $0x1  }
0x120: {  	(erf) = vpow2.f32 v2;
	v2 =	vmul.f32 $1.442695020e+00, v5;
	_ =	sdelay $0x1  }
0x121: {  	v5 =	vld.idx.msk [tilespmem:v46+s3+$0x0], $0xffff;
	(erf) = vpow2.f32 v2;
	v2 =	vmul.f32 $1.442695020e+00, v3;
	v3 =	vsub.f32 $0.0e+00, v4;
	_ =	sdelay $0x2  }
0x122: {  	v4 =	vpop (erf);
	(erf) = vpow2.f32 v2;
	v2 =	vmul.f32 $1.442695020e+00, v3  }
0x123: {  	v3 =	vpop (erf)  }
0x124: {  	(erf) = vpow2.f32 v2;
	v2 =	vmul.f32 $1.442695020e+00, v5;
	v5 =	vadd.f32 v3, v4;
	_ =	sdelay $0x1  }
0x125: {  	v6 =	vpop (erf)  }
0x126: {  	(erf) = vpow2.f32 v2;
	v2 =	vadd.f32 v6, v5  }
0x127: {  	v5 =	vpop (erf)  }
0x128: {  	v2 =	vadd.f32 v2, v5  }
0x129: {  	v7 =	vpop (erf)  }
0x12a: {  	v2 =	vadd.f32 v7, v2  }
0x12b: {  	v8 =	vpop (erf)  }
0x12c: {  	v2 =	vadd.f32 v2, v8  }
0x12d: {  	v9 =	vpop (erf)  }
0x12e: {  	v2 =	vadd.f32 v9, v2  }
0x12f: {  	v10 =	vpop (erf)  }
0x130: {  	v2 =	vadd.f32 v2, v10;
	_ =	sdelay $0x1  }
0x131: {  	(erf) = vrcp.f32 v2;
	_ =	sdelay $0x8  }
0x132: {  	v48 =	vld [tilespmem:$0x1FE20];
	v2 =	vpop (erf)  }
0x133: {  	v2 =	vmul.f32 v2, v63;
	_ =	sdelay $0x1  }
0x134: {  	v4 =	vmul.f32 v2, v4;
	_ =	sdelay $0x1  }
0x135: {  	v4 =	vsub.f32 $0.0e+00, v4  }
0x136: {  	v6 =	vmul.f32 v2, v6  }
0x137: {  	[tilespmem:v11+s14+$0x0] =	vst.idx.msk $0xffff, v4  }
0x138: {  	[tilespmem:v48+s15+$0x0] =	vst.idx.msk $0xffff, v4;
	v4 =	vsub.f32 $0.0e+00, v6;
	v6 =	vld [tilespmem:$0x1FE30];
	_ =	sdelay $0x4  }
0x139: {  	v3 =	vmul.f32 v2, v3;
	_ =	sdelay $0x1  }
0x13a: {  	[tilespmem:v12+s14+$0x0] =	vst.idx.msk $0xffff, v3  }
0x13b: {  	[tilespmem:v6+s15+$0x0] =	vst.idx.msk $0xffff, v3;
	v6 =	vld [tilespmem:$0x1FE40];
	_ =	sdelay $0x6  }
0x13c: {  	v3 =	vmul.f32 v2, v5;
	v5 =	vmul.f32 v2, v7;
	[tilespmem:v13+s14+$0x0] =	vst.idx.msk $0xffff, v4  }
0x13d: {  	[tilespmem:v6+s15+$0x0] =	vst.idx.msk $0xffff, v4  }
0x13e: {  	v4 =	vsub.f32 $0.0e+00, v5;
	[tilespmem:v14+s14+$0x0] =	vst.idx.msk $0xffff, v3  }
0x13f: {  	[tilespmem:v11+s15+$0x0] =	vst.idx.msk $0xffff, v3  }
0x140: {  	v5 =	vmul.f32 v2, v9;
	v3 =	vmul.f32 v2, v8;
	[tilespmem:v15+s14+$0x0] =	vst.idx.msk $0xffff, v4  }
0x141: {  	[tilespmem:v22+s15+$0x0] =	vst.idx.msk $0xffff, v4  }
0x142: {  	v4 =	vsub.f32 $0.0e+00, v5;
	[tilespmem:v44+s14+$0x0] =	vst.idx.msk $0xffff, v3  }
0x143: {  	v8 =	vld [tilespmem:$0x1FE50];
	[tilespmem:v32+s15+$0x0] =	vst.idx.msk $0xffff, v3  }
0x144: {  	v2 =	vmul.f32 v2, v10;
	[tilespmem:v45+s14+$0x0] =	vst.idx.msk $0xffff, v4  }
0x145: {  	v14 =	vor.u32 $0x202A, v0;
	[tilespmem:v36+s15+$0x0] =	vst.idx.msk $0xffff, v4  }
0x146: {  	[tilespmem:v46+s14+$0x0] =	vst.idx.msk $0xffff, v2  }
0x147: {  	[tilespmem:v37+s15+$0x0] =	vst.idx.msk $0xffff, v2  }
0x148: {  	v13 =	vor.u32 $0x203F, v0;
	v2 =	vld.idx.msk [tilespmem:v47+s3+$0x0], $0xffff  }
0x149: {  	v12 =	vor.u32 $0x204D, v0  }
0x14a: {  	v4 =	vld.idx.msk [tilespmem:v14+s3+$0x0], $0xffff  }
0x14b: {  	v3 =	vld.idx.msk [tilespmem:v8+s3+$0x0], $0xffff  }
0x14c: {  	v10 =	vor.u32 $0x206E, v0  }
0x14d: {  	v15 =	vor.u32 $0x2063, v0;
	v5 =	vld.idx.msk [tilespmem:v13+s3+$0x0], $0xffff;
	v2 =	vsub.f32 $0.0e+00, v2  }
0x14e: {  	v6 =	vld.idx.msk [tilespmem:v12+s3+$0x0], $0xffff  }
0x14f: {  	v4 =	vsub.f32 $0.0e+00, v4;
	v2 =	vmul.f32 $1.442695020e+00, v2  }
0x150: {  	v3 =	vmul.f32 $1.442695020e+00, v3  }
0x151: {  	(erf) = vpow2.f32 v2;
	v2 =	vmul.f32 $1.442695020e+00, v4;
	v4 =	vld.idx.msk [tilespmem:v10+s3+$0x0], $0xffff  }
0x152: {  	v11 =	vor.u32 $0x2078, v0;
	(erf) = vpow2.f32 v3;
	v3 =	vld.idx.msk [tilespmem:v15+s3+$0x0], $0xffff  }
0x153: {  	(erf) = vpow2.f32 v2;
	v2 =	vmul.f32 $1.442695020e+00, v5;
	v5 =	vsub.f32 $0.0e+00, v6;
	_ =	sdelay $0x1  }
0x154: {  	(erf) = vpow2.f32 v2;
	v2 =	vmul.f32 $1.442695020e+00, v5;
	_ =	sdelay $0x1  }
0x155: {  	v5 =	vld.idx.msk [tilespmem:v11+s3+$0x0], $0xffff;
	(erf) = vpow2.f32 v2;
	v2 =	vmul.f32 $1.442695020e+00, v3;
	v3 =	vsub.f32 $0.0e+00, v4;
	_ =	sdelay $0x2  }
0x156: {  	v4 =	vpop (erf);
	(erf) = vpow2.f32 v2;
	v2 =	vmul.f32 $1.442695020e+00, v3  }
0x157: {  	v3 =	vpop (erf)  }
0x158: {  	(erf) = vpow2.f32 v2;
	v2 =	vmul.f32 $1.442695020e+00, v5;
	v5 =	vadd.f32 v3, v4;
	_ =	sdelay $0x1  }
0x159: {  	v7 =	vpop (erf)  }
0x15a: {  	(erf) = vpow2.f32 v2;
	v2 =	vadd.f32 v7, v5  }
0x15b: {  	v5 =	vpop (erf)  }
0x15c: {  	v2 =	vadd.f32 v2, v5  }
0x15d: {  	v9 =	vpop (erf)  }
0x15e: {  	v2 =	vadd.f32 v9, v2  }
0x15f: {  	v49 =	vpop (erf)  }
0x160: {  	v2 =	vadd.f32 v2, v49  }
0x161: {  	v50 =	vpop (erf)  }
0x162: {  	v2 =	vadd.f32 v50, v2  }
0x163: {  	v51 =	vpop (erf)  }
0x164: {  	v2 =	vadd.f32 v2, v51;
	_ =	sdelay $0x1  }
0x165: {  	(erf) = vrcp.f32 v2;
	_ =	sdelay $0x8  }
0x166: {  	v2 =	vpop (erf)  }
0x167: {  	v2 =	vmul.f32 v2, v63;
	_ =	sdelay $0x1  }
0x168: {  	v52 =	vor.u32 $0x2000, v0;
	[tilespmem:$0x1FA50] =	vst v10;
	v4 =	vmul.f32 v2, v4  }
0x169: {  	[tilespmem:$0x1FA30] =	vst v15;
	v6 =	vor.u32 $0x2001, v0  }
0x16a: {  	[tilespmem:$0x1FA00] =	vst v6;
	v53 =	vmul.f32 v2, v7;
	v7 =	vor.u32 $0x2002, v0;
	v4 =	vsub.f32 $0.0e+00, v4  }
0x16b: {  	[tilespmem:$0x1FA10] =	vst v7  }
0x16c: {  	v3 =	vmul.f32 v2, v3;
	[tilespmem:v47+s14+$0x0] =	vst.idx.msk $0xffff, v4  }
0x16d: {  	[tilespmem:v52+s15+$0x0] =	vst.idx.msk $0xffff, v4  }
0x16e: {  	v4 =	vsub.f32 $0.0e+00, v53;
	[tilespmem:v8+s14+$0x0] =	vst.idx.msk $0xffff, v3  }
0x16f: {  	[tilespmem:v6+s15+$0x0] =	vst.idx.msk $0xffff, v3  }
0x170: {  	v3 =	vmul.f32 v2, v5;
	v5 =	vmul.f32 v2, v9;
	v6 =	vor.u32 $0x2004, v0;
	[tilespmem:v14+s14+$0x0] =	vst.idx.msk $0xffff, v4  }
0x171: {  	[tilespmem:v7+s15+$0x0] =	vst.idx.msk $0xffff, v4  }
0x172: {  	v4 =	vsub.f32 $0.0e+00, v5;
	v7 =	vor.u32 $0x2005, v0;
	[tilespmem:v13+s14+$0x0] =	vst.idx.msk $0xffff, v3  }
0x173: {  	[tilespmem:v47+s15+$0x0] =	vst.idx.msk $0xffff, v3  }
0x174: {  	v8 =	vor.u32 $0x2006, v0;
	v5 =	vmul.f32 v2, v50;
	v3 =	vmul.f32 v2, v49;
	[tilespmem:v12+s14+$0x0] =	vst.idx.msk $0xffff, v4  }
0x175: {  	[tilespmem:v6+s15+$0x0] =	vst.idx.msk $0xffff, v4  }
0x176: {  	v4 =	vsub.f32 $0.0e+00, v5;
	v5 =	vor.u32 $0x2007, v0;
	[tilespmem:v15+s14+$0x0] =	vst.idx.msk $0xffff, v3  }
0x177: {  	v24 =	vor.u32 $0x2803, v0;
	[tilespmem:v7+s15+$0x0] =	vst.idx.msk $0xffff, v3  }
0x178: {  	v2 =	vmul.f32 v2, v51;
	[tilespmem:v10+s14+$0x0] =	vst.idx.msk $0xffff, v4  }
0x179: {  	v10 =	vor.u32 $0x282A, v0;
	[tilespmem:v8+s15+$0x0] =	vst.idx.msk $0xffff, v4  }
0x17a: {  	v15 =	vor.u32 $0x2811, v0;
	[tilespmem:v11+s14+$0x0] =	vst.idx.msk $0xffff, v2  }
0x17b: {  	[tilespmem:v5+s15+$0x0] =	vst.idx.msk $0xffff, v2  }
0x17c: {  	v9 =	vor.u32 $0x283F, v0;
	v2 =	vld.idx.msk [tilespmem:v24+s3+$0x0], $0xffff  }
0x17d: {  	[tilespmem:$0x1FA60] =	vst v8;
	v8 =	vor.u32 $0x284D, v0  }
0x17e: {  	v4 =	vld.idx.msk [tilespmem:v10+s3+$0x0], $0xffff  }
0x17f: {  	[tilespmem:$0x1FA20] =	vst v6;
	v3 =	vld.idx.msk [tilespmem:v15+s3+$0x0], $0xffff  }
0x180: {  	[tilespmem:$0x1FA40] =	vst v7;
	v6 =	vor.u32 $0x286E, v0  }
0x181: {  	[tilespmem:$0x1FA70] =	vst v5;
	v7 =	vor.u32 $0x2863, v0;
	v5 =	vld.idx.msk [tilespmem:v9+s3+$0x0], $0xffff;
	v2 =	vsub.f32 $0.0e+00, v2  }
0x182: {  	v54 =	vld.idx.msk [tilespmem:v8+s3+$0x0], $0xffff  }
0x183: {  	v4 =	vsub.f32 $0.0e+00, v4;
	v2 =	vmul.f32 $1.442695020e+00, v2  }
0x184: {  	v3 =	vmul.f32 $1.442695020e+00, v3  }
0x185: {  	(erf) = vpow2.f32 v2;
	v2 =	vmul.f32 $1.442695020e+00, v4;
	v4 =	vld.idx.msk [tilespmem:v6+s3+$0x0], $0xffff  }
0x186: {  	v39 =	vor.u32 $0x2878, v0;
	(erf) = vpow2.f32 v3;
	v3 =	vld.idx.msk [tilespmem:v7+s3+$0x0], $0xffff  }
0x187: {  	(erf) = vpow2.f32 v2;
	v2 =	vmul.f32 $1.442695020e+00, v5;
	v5 =	vsub.f32 $0.0e+00, v54;
	_ =	sdelay $0x1  }
0x188: {  	(erf) = vpow2.f32 v2;
	v2 =	vmul.f32 $1.442695020e+00, v5;
	_ =	sdelay $0x1  }
0x189: {  	v5 =	vld.idx.msk [tilespmem:v39+s3+$0x0], $0xffff;
	(erf) = vpow2.f32 v2;
	v2 =	vmul.f32 $1.442695020e+00, v3;
	v3 =	vsub.f32 $0.0e+00, v4;
	_ =	sdelay $0x2  }
0x18a: {  	v4 =	vpop (erf);
	(erf) = vpow2.f32 v2;
	v2 =	vmul.f32 $1.442695020e+00, v3  }
0x18b: {  	v3 =	vpop (erf)  }
0x18c: {  	(erf) = vpow2.f32 v2;
	v2 =	vmul.f32 $1.442695020e+00, v5;
	v5 =	vadd.f32 v3, v4;
	_ =	sdelay $0x1  }
0x18d: {  	v55 =	vpop (erf)  }
0x18e: {  	(erf) = vpow2.f32 v2;
	v2 =	vadd.f32 v55, v5  }
0x18f: {  	v5 =	vpop (erf)  }
0x190: {  	v2 =	vadd.f32 v2, v5  }
0x191: {  	v56 =	vpop (erf)  }
0x192: {  	v2 =	vadd.f32 v56, v2  }
0x193: {  	v57 =	vpop (erf)  }
0x194: {  	v2 =	vadd.f32 v2, v57  }
0x195: {  	v58 =	vpop (erf)  }
0x196: {  	v2 =	vadd.f32 v58, v2  }
0x197: {  	v59 =	vpop (erf)  }
0x198: {  	v2 =	vadd.f32 v2, v59;
	_ =	sdelay $0x1  }
0x199: {  	(erf) = vrcp.f32 v2;
	_ =	sdelay $0x8  }
0x19a: {  	v2 =	vpop (erf)  }
0x19b: {  	v2 =	vmul.f32 v2, v63;
	_ =	sdelay $0x1  }
0x19c: {  	v60 =	vor.u32 $0x2800, v0;
	v4 =	vmul.f32 v2, v4  }
0x19d: {  	[tilespmem:$0x1FAD0] =	vst v9  }
0x19e: {  	v61 =	vor.u32 $0x2801, v0;
	[tilespmem:$0x1FAB0] =	vst v10;
	v4 =	vsub.f32 $0.0e+00, v4  }
0x19f: {  	[tilespmem:$0x1FAE0] =	vst v8  }
0x1a0: {  	v62 =	vor.u32 $0x2802, v0;
	v3 =	vmul.f32 v2, v3;
	v16 =	vmul.f32 v2, v55;
	[tilespmem:v24+s14+$0x0] =	vst.idx.msk $0xffff, v4  }
0x1a1: {  	[tilespmem:v60+s15+$0x0] =	vst.idx.msk $0xffff, v4  }
0x1a2: {  	v4 =	vsub.f32 $0.0e+00, v16;
	[tilespmem:v15+s14+$0x0] =	vst.idx.msk $0xffff, v3  }
0x1a3: {  	[tilespmem:v61+s15+$0x0] =	vst.idx.msk $0xffff, v3  }
0x1a4: {  	v3 =	vmul.f32 v2, v5;
	v5 =	vmul.f32 v2, v56;
	[tilespmem:v10+s14+$0x0] =	vst.idx.msk $0xffff, v4;
	v10 =	vor.u32 $0x2804, v0  }
0x1a5: {  	[tilespmem:v62+s15+$0x0] =	vst.idx.msk $0xffff, v4  }
0x1a6: {  	v4 =	vsub.f32 $0.0e+00, v5;
	[tilespmem:v9+s14+$0x0] =	vst.idx.msk $0xffff, v3;
	v9 =	vor.u32 $0x2805, v0  }
0x1a7: {  	[tilespmem:v24+s15+$0x0] =	vst.idx.msk $0xffff, v3  }
0x1a8: {  	v5 =	vmul.f32 v2, v58;
	v3 =	vmul.f32 v2, v57;
	[tilespmem:v8+s14+$0x0] =	vst.idx.msk $0xffff, v4;
	v8 =	vor.u32 $0x2806, v0  }
0x1a9: {  	[tilespmem:v10+s15+$0x0] =	vst.idx.msk $0xffff, v4  }
0x1aa: {  	v4 =	vsub.f32 $0.0e+00, v5;
	v5 =	vor.u32 $0x2807, v0;
	[tilespmem:v7+s14+$0x0] =	vst.idx.msk $0xffff, v3  }
0x1ab: {  	v40 =	vor.u32 $0x3003, v0;
	[tilespmem:v9+s15+$0x0] =	vst.idx.msk $0xffff, v3  }
0x1ac: {  	v2 =	vmul.f32 v2, v59;
	[tilespmem:v6+s14+$0x0] =	vst.idx.msk $0xffff, v4  }
0x1ad: {  	v45 =	vor.u32 $0x302A, v0;
	[tilespmem:v8+s15+$0x0] =	vst.idx.msk $0xffff, v4  }
0x1ae: {  	v54 =	vor.u32 $0x3011, v0;
	[tilespmem:v39+s14+$0x0] =	vst.idx.msk $0xffff, v2  }
0x1af: {  	[tilespmem:v5+s15+$0x0] =	vst.idx.msk $0xffff, v2  }
0x1b0: {  	v44 =	vor.u32 $0x303F, v0;
	v2 =	vld.idx.msk [tilespmem:v40+s3+$0x0], $0xffff  }
0x1b1: {  	v43 =	vor.u32 $0x304D, v0  }
0x1b2: {  	v4 =	vld.idx.msk [tilespmem:v45+s3+$0x0], $0xffff  }
0x1b3: {  	v3 =	vld.idx.msk [tilespmem:v54+s3+$0x0], $0xffff  }
0x1b4: {  	v41 =	vor.u32 $0x306E, v0  }
0x1b5: {  	v42 =	vor.u32 $0x3063, v0;
	[tilespmem:$0x1FB40] =	vst v5;
	v5 =	vld.idx.msk [tilespmem:v44+s3+$0x0], $0xffff;
	v2 =	vsub.f32 $0.0e+00, v2  }
0x1b6: {  	v21 =	vld.idx.msk [tilespmem:v43+s3+$0x0], $0xffff  }
0x1b7: {  	v4 =	vsub.f32 $0.0e+00, v4;
	v2 =	vmul.f32 $1.442695020e+00, v2  }
0x1b8: {  	v3 =	vmul.f32 $1.442695020e+00, v3  }
0x1b9: {  	(erf) = vpow2.f32 v2;
	v2 =	vmul.f32 $1.442695020e+00, v4;
	v4 =	vld.idx.msk [tilespmem:v41+s3+$0x0], $0xffff  }
0x1ba: {  	v55 =	vor.u32 $0x3078, v0;
	(erf) = vpow2.f32 v3;
	v3 =	vld.idx.msk [tilespmem:v42+s3+$0x0], $0xffff  }
0x1bb: {  	(erf) = vpow2.f32 v2;
	v2 =	vmul.f32 $1.442695020e+00, v5;
	v5 =	vsub.f32 $0.0e+00, v21;
	_ =	sdelay $0x1  }
0x1bc: {  	(erf) = vpow2.f32 v2;
	v2 =	vmul.f32 $1.442695020e+00, v5;
	_ =	sdelay $0x1  }
0x1bd: {  	v5 =	vld.idx.msk [tilespmem:v55+s3+$0x0], $0xffff;
	(erf) = vpow2.f32 v2;
	v2 =	vmul.f32 $1.442695020e+00, v3;
	v3 =	vsub.f32 $0.0e+00, v4;
	_ =	sdelay $0x2  }
0x1be: {  	v4 =	vpop (erf);
	(erf) = vpow2.f32 v2;
	v2 =	vmul.f32 $1.442695020e+00, v3  }
0x1bf: {  	v3 =	vpop (erf)  }
0x1c0: {  	(erf) = vpow2.f32 v2;
	v2 =	vmul.f32 $1.442695020e+00, v5;
	v5 =	vadd.f32 v3, v4;
	_ =	sdelay $0x1  }
0x1c1: {  	v22 =	vpop (erf)  }
0x1c2: {  	(erf) = vpow2.f32 v2;
	v2 =	vadd.f32 v22, v5  }
0x1c3: {  	v5 =	vpop (erf)  }
0x1c4: {  	v2 =	vadd.f32 v2, v5  }
0x1c5: {  	v23 =	vpop (erf)  }
0x1c6: {  	v2 =	vadd.f32 v23, v2  }
0x1c7: {  	v28 =	vpop (erf)  }
0x1c8: {  	v2 =	vadd.f32 v2, v28  }
0x1c9: {  	v29 =	vpop (erf)  }
0x1ca: {  	v2 =	vadd.f32 v29, v2  }
0x1cb: {  	v30 =	vpop (erf)  }
0x1cc: {  	v2 =	vadd.f32 v2, v30;
	_ =	sdelay $0x1  }
0x1cd: {  	(erf) = vrcp.f32 v2;
	_ =	sdelay $0x8  }
0x1ce: {  	v2 =	vpop (erf)  }
0x1cf: {  	[tilespmem:$0x1FB20] =	vst v6;
	v2 =	vmul.f32 v2, v63  }
0x1d0: {  	[tilespmem:$0x1FB00] =	vst v7  }
0x1d1: {  	[tilespmem:$0x1FB30] =	vst v8;
	v7 =	vor.u32 $0x3002, v0;
	v8 =	vor.u32 $0x3000, v0;
	v4 =	vmul.f32 v2, v4  }
0x1d2: {  	[tilespmem:$0x1FB70] =	vst v7;
	v6 =	vor.u32 $0x3001, v0  }
0x1d3: {  	[tilespmem:$0x1FB60] =	vst v6;
	v4 =	vsub.f32 $0.0e+00, v4  }
0x1d4: {  	[tilespmem:$0x1FB50] =	vst v8  }
0x1d5: {  	v3 =	vmul.f32 v2, v3;
	v16 =	vmul.f32 v2, v22;
	[tilespmem:v40+s14+$0x0] =	vst.idx.msk $0xffff, v4  }
0x1d6: {  	[tilespmem:v8+s15+$0x0] =	vst.idx.msk $0xffff, v4  }
0x1d7: {  	v4 =	vsub.f32 $0.0e+00, v16;
	[tilespmem:v54+s14+$0x0] =	vst.idx.msk $0xffff, v3  }
0x1d8: {  	[tilespmem:v6+s15+$0x0] =	vst.idx.msk $0xffff, v3  }
0x1d9: {  	v3 =	vmul.f32 v2, v5;
	v5 =	vmul.f32 v2, v23;
	v6 =	vor.u32 $0x3004, v0;
	[tilespmem:v45+s14+$0x0] =	vst.idx.msk $0xffff, v4  }
0x1da: {  	[tilespmem:v7+s15+$0x0] =	vst.idx.msk $0xffff, v4  }
0x1db: {  	v4 =	vsub.f32 $0.0e+00, v5;
	v7 =	vor.u32 $0x3005, v0;
	[tilespmem:v44+s14+$0x0] =	vst.idx.msk $0xffff, v3  }
0x1dc: {  	[tilespmem:v40+s15+$0x0] =	vst.idx.msk $0xffff, v3  }
0x1dd: {  	v8 =	vor.u32 $0x3006, v0;
	v5 =	vmul.f32 v2, v29;
	v3 =	vmul.f32 v2, v28;
	[tilespmem:v43+s14+$0x0] =	vst.idx.msk $0xffff, v4  }
0x1de: {  	[tilespmem:v6+s15+$0x0] =	vst.idx.msk $0xffff, v4  }
0x1df: {  	v4 =	vsub.f32 $0.0e+00, v5;
	v5 =	vor.u32 $0x3007, v0;
	[tilespmem:v42+s14+$0x0] =	vst.idx.msk $0xffff, v3  }
0x1e0: {  	v56 =	vor.u32 $0x3803, v0;
	[tilespmem:v7+s15+$0x0] =	vst.idx.msk $0xffff, v3  }
0x1e1: {  	v2 =	vmul.f32 v2, v30;
	[tilespmem:v41+s14+$0x0] =	vst.idx.msk $0xffff, v4  }
0x1e2: {  	v3 =	vor.u32 $0x382A, v0;
	[tilespmem:v8+s15+$0x0] =	vst.idx.msk $0xffff, v4  }
0x1e3: {  	v4 =	vor.u32 $0x3811, v0;
	[tilespmem:v55+s14+$0x0] =	vst.idx.msk $0xffff, v2  }
0x1e4: {  	[tilespmem:v5+s15+$0x0] =	vst.idx.msk $0xffff, v2  }
0x1e5: {  	v2 =	vld.idx.msk [tilespmem:v56+s3+$0x0], $0xffff  }
0x1e6: {  	[tilespmem:$0x1FA80] =	vst v60;
	v60 =	vor.u32 $0x383F, v0  }
0x1e7: {  	v59 =	vor.u32 $0x384D, v0;
	v31 =	vld.idx.msk [tilespmem:v3+s3+$0x0], $0xffff  }
0x1e8: {  	[tilespmem:$0x1FBB0] =	vst v5;
	v5 =	vld.idx.msk [tilespmem:v4+s3+$0x0], $0xffff;
	_ =	sdelay $0x1  }
0x1e9: {  	v58 =	vor.u32 $0x3863, v0;
	v2 =	vsub.f32 $0.0e+00, v2  }
0x1ea: {  	v57 =	vor.u32 $0x386E, v0;
	v32 =	vld.idx.msk [tilespmem:v60+s3+$0x0], $0xffff  }
0x1eb: {  	v51 =	vld.idx.msk [tilespmem:v59+s3+$0x0], $0xffff;
	v2 =	vmul.f32 $1.442695020e+00, v2  }
0x1ec: {  	v16 =	vsub.f32 $0.0e+00, v31;
	v5 =	vmul.f32 $1.442695020e+00, v5  }
0x1ed: {  	(erf) = vpow2.f32 v2  }
0x1ee: {  	v33 =	vld.idx.msk [tilespmem:v58+s3+$0x0], $0xffff;
	v2 =	vmul.f32 $1.442695020e+00, v16;
	(erf) = vpow2.f32 v5;
	v5 =	vor.u32 $0x3878, v0  }
0x1ef: {  	[tilespmem:$0x1F9F0] =	vst v52;
	v52 =	vld.idx.msk [tilespmem:v57+s3+$0x0], $0xffff  }
0x1f0: {  	v34 =	vsub.f32 $0.0e+00, v51;
	(erf) = vpow2.f32 v2;
	v2 =	vmul.f32 $1.442695020e+00, v32;
	_ =	sdelay $0x1  }
0x1f1: {  	(erf) = vpow2.f32 v2;
	v2 =	vmul.f32 $1.442695020e+00, v34  }
0x1f2: {  	v35 =	vld.idx.msk [tilespmem:v5+s3+$0x0], $0xffff  }
0x1f3: {  	v36 =	vsub.f32 $0.0e+00, v52;
	(erf) = vpow2.f32 v2;
	v2 =	vmul.f32 $1.442695020e+00, v33;
	_ =	sdelay $0x1  }
0x1f4: {  	v37 =	vpop (erf);
	(erf) = vpow2.f32 v2;
	v2 =	vmul.f32 $1.442695020e+00, v36  }
0x1f5: {  	v38 =	vpop (erf)  }
0x1f6: {  	(erf) = vpow2.f32 v2;
	v2 =	vmul.f32 $1.442695020e+00, v35;
	v47 =	vadd.f32 v38, v37  }
0x1f7: {  	v49 =	vpop (erf)  }
0x1f8: {  	(erf) = vpow2.f32 v2;
	v2 =	vadd.f32 v49, v47  }
0x1f9: {  	v50 =	vpop (erf)  }
0x1fa: {  	v2 =	vadd.f32 v2, v50  }
0x1fb: {  	v31 =	vpop (erf)  }
0x1fc: {  	v2 =	vadd.f32 v31, v2  }
0x1fd: {  	v46 =	vpop (erf)  }
0x1fe: {  	v2 =	vadd.f32 v2, v46  }
0x1ff: {  	[tilespmem:$0x1FAA0] =	vst v61;
	v61 =	vpop (erf)  }
0x200: {  	v2 =	vadd.f32 v61, v2  }
0x201: {  	[tilespmem:$0x1FB80] =	vst v6;
	v6 =	vpop (erf)  }
0x202: {  	v2 =	vadd.f32 v2, v6;
	_ =	sdelay $0x1  }
0x203: {  	(erf) = vrcp.f32 v2;
	_ =	sdelay $0x6  }
0x204: {  	[tilespmem:$0x1FAC0] =	vst v62  }
0x205: {  	[tilespmem:$0x1FA90] =	vst v15  }
0x206: {  	[tilespmem:$0x1FAF0] =	vst v10;
	v2 =	vpop (erf)  }
0x207: {  	[tilespmem:$0x1FB90] =	vst v7;
	v7 =	vmul.f32 v2, v63  }
0x208: {  	[tilespmem:$0x1FB10] =	vst v9;
	v10 =	vor.u32 $0x3800, v0  }
0x209: {  	[tilespmem:$0x1FBC0] =	vst v10;
	v9 =	vor.u32 $0x3802, v0;
	v2 =	vmul.f32 v7, v37  }
0x20a: {  	[tilespmem:$0x1FBE0] =	vst v9  }
0x20b: {  	[tilespmem:$0x1FBA0] =	vst v8;
	v8 =	vor.u32 $0x3801, v0;
	v2 =	vsub.f32 $0.0e+00, v2  }
0x20c: {  	[tilespmem:$0x1FBD0] =	vst v8  }
0x20d: {  	v16 =	vmul.f32 v7, v38;
	v53 =	vmul.f32 v7, v49;
	[tilespmem:v56+s14+$0x0] =	vst.idx.msk $0xffff, v2  }
0x20e: {  	[tilespmem:v10+s15+$0x0] =	vst.idx.msk $0xffff, v2  }
0x20f: {  	v2 =	vsub.f32 $0.0e+00, v53;
	[tilespmem:v4+s14+$0x0] =	vst.idx.msk $0xffff, v16  }
0x210: {  	[tilespmem:v8+s15+$0x0] =	vst.idx.msk $0xffff, v16  }
0x211: {  	v8 =	vor.u32 $0x3804, v0;
	[tilespmem:v3+s14+$0x0] =	vst.idx.msk $0xffff, v2  }
0x212: {  	v53 =	vmul.f32 v7, v50;
	[tilespmem:$0x1FBF0] =	vst v8  }
0x213: {  	[tilespmem:v9+s15+$0x0] =	vst.idx.msk $0xffff, v2  }
0x214: {  	v31 =	vmul.f32 v7, v31;
	v2 =	vor.u32 $0x3805, v0;
	[tilespmem:v60+s14+$0x0] =	vst.idx.msk $0xffff, v53  }
0x215: {  	v9 =	vor.u32 $0x3806, v0;
	[tilespmem:$0x1FC00] =	vst v2  }
0x216: {  	v31 =	vsub.f32 $0.0e+00, v31;
	[tilespmem:$0x1FC10] =	vst v9  }
0x217: {  	[tilespmem:v56+s15+$0x0] =	vst.idx.msk $0xffff, v53  }
0x218: {  	v46 =	vmul.f32 v7, v46;
	v61 =	vmul.f32 v7, v61;
	[tilespmem:v59+s14+$0x0] =	vst.idx.msk $0xffff, v31  }
0x219: {  	[tilespmem:v8+s15+$0x0] =	vst.idx.msk $0xffff, v31  }
0x21a: {  	v62 =	vsub.f32 $0.0e+00, v61;
	v8 =	vor.u32 $0x3807, v0;
	[tilespmem:v58+s14+$0x0] =	vst.idx.msk $0xffff, v46  }
0x21b: {  	[tilespmem:v2+s15+$0x0] =	vst.idx.msk $0xffff, v46  }
0x21c: {  	v6 =	vmul.f32 v7, v6;
	[tilespmem:v57+s14+$0x0] =	vst.idx.msk $0xffff, v62  }
0x21d: {  	p1 =	sne.s32 s24, $0x1F000;
	[tilespmem:v9+s15+$0x0] =	vst.idx.msk $0xffff, v62  }
.Ltmp3:
0x21e: {  	[tilespmem:v5+s14+$0x0] =	vst.idx.msk $0xffff, v6;
	(pc) =	sbr.rel @p1 .LBB2_6-.Ltmp3, $4  }
0x21f: {  	s25 =	sadd.s32 s24, s8;
	[tilespmem:v8+s15+$0x0] =	vst.idx.msk $0xffff, v6  }
0x220: {  	[hbm4b:s25+s3] =	stream.linear.scatter [tilespmem:s14], [sflag:$0x3], $0x4000, $0x38;
	[tilespmem:$0x18080] =	vst v63  }
0x221: {  	s26 =	sadd.s32 s24, s7;
	[tilespmem:$0x1FC20] =	vst v8  }
0x222: {  	[hbm4b:s26+s3] =	stream.linear.scatter [tilespmem:s15], [sflag:$0x5], $0x4000, $0x38;
	[tilespmem:$0x18080] =	vst v63  }
.Ltmp4:
0x223: {  	(pc) =	sbr.rel .LBB2_7-.Ltmp4, $4  }
0x224: {  	_ = 	snop  }
0x225: {  	_ =	swait.ge [sflag:s16], $0x4000  }
0x226: {  	[sflag:s16] =	ssyncset.done $0x0  }
0x227: {  	[sflag:s16] =	ssyncadd.s32 $0xFFFFC000  }
.LBB2_6:
0x228: {  	s28 =	sadd.s32 s24, s9  }
.Ltmp5:
0x229: {  	s28 =	sadd.s32 $0x1000, s28;
	(pc) =	sbr.rel @p0 .LBB2_8-.Ltmp5, $4  }
0x22a: {  	[tilespmem:s3], [sflag:$0x1] =	stream.linear.gather [hbm4b:s28+s3], $0x4000, $0x38;
	[tilespmem:$0x18080] =	vst v63  }
0x22b: {  	_ =	swait.ge [sflag:s16], $0x4000  }
0x22c: {  	[sflag:s16] =	ssyncset.done $0x0  }
0x22d: {  	[sflag:s16] =	ssyncadd.s32 $0xFFFFC000  }
.LBB2_7:
0x22e: {  	_ =	swait.ge [sflag:s17], $0x4000  }
0x22f: {  	[sflag:s17] =	ssyncset.done $0x0  }
0x230: {  	[sflag:s17] =	ssyncadd.s32 $0xFFFFC000  }
0x231: {  	_ =	swait.ge [sflag:s18], $0x4000  }
0x232: {  	[sflag:s18] =	ssyncset.done $0x0  }
0x233: {  	[sflag:s18] =	ssyncadd.s32 $0xFFFFC000  }
.LBB2_8:
0x234: {  	v19 =	vld [tilespmem:$0x1FC30];
	_ =	sdelay $0x1  }
0x235: {  	v20 =	vld [tilespmem:$0x1FC40]  }
0x236: {  	v21 =	vld [tilespmem:$0x1FC50];
	_ =	sdelay $0x1  }
0x237: {  	v22 =	vld [tilespmem:$0x1FC60]  }
0x238: {  	v23 =	vld [tilespmem:$0x1FC70]  }
0x239: {  	v32 =	vld [tilespmem:$0x1FC80]  }
0x23a: {  	v6 =	vld.idx.msk [tilespmem:v19+s12+$0x0], $0xffff  }
0x23b: {  	v33 =	vld [tilespmem:$0x1FC90]  }
0x23c: {  	v7 =	vld.idx.msk [tilespmem:v20+s12+$0x0], $0xffff  }
0x23d: {  	v31 =	vld.idx.msk [tilespmem:v21+s12+$0x0], $0xffff;
	_ =	sdelay $0x1  }
0x23e: {  	v34 =	vld [tilespmem:$0x1FCA0];
	v6 =	vsub.f32 $0.0e+00, v6  }
0x23f: {  	v46 =	vld.idx.msk [tilespmem:v22+s12+$0x0], $0xffff  }
0x240: {  	v61 =	vld.idx.msk [tilespmem:v23+s12+$0x0], $0xffff;
	v6 =	vmul.f32 $1.442695020e+00, v6  }
0x241: {  	v7 =	vmul.f32 $1.442695020e+00, v7;
	v31 =	vsub.f32 $0.0e+00, v31  }
0x242: {  	(erf) = vpow2.f32 v6  }
0x243: {  	v36 =	vld.idx.msk [tilespmem:v32+s12+$0x0], $0xffff;
	v10 =	vmul.f32 $1.442695020e+00, v31;
	(erf) = vpow2.f32 v7  }
0x244: {  	v31 =	vld.idx.msk [tilespmem:v33+s12+$0x0], $0xffff  }
0x245: {  	v37 =	vmul.f32 $1.442695020e+00, v46;
	v38 =	vsub.f32 $0.0e+00, v61;
	(erf) = vpow2.f32 v10;
	_ =	sdelay $0x1  }
0x246: {  	v48 =	vmul.f32 $1.442695020e+00, v38;
	(erf) = vpow2.f32 v37  }
0x247: {  	v49 =	vld.idx.msk [tilespmem:v34+s12+$0x0], $0xffff  }
0x248: {  	v50 =	vmul.f32 $1.442695020e+00, v36;
	v51 =	vsub.f32 $0.0e+00, v31;
	(erf) = vpow2.f32 v48;
	_ =	sdelay $0x1  }
0x249: {  	v52 =	vmul.f32 $1.442695020e+00, v51;
	v31 =	vpop (erf);
	(erf) = vpow2.f32 v50  }
0x24a: {  	v53 =	vpop (erf)  }
0x24b: {  	v10 =	vmul.f32 $1.442695020e+00, v49;
	(erf) = vpow2.f32 v52;
	v35 =	vadd.f32 v53, v31  }
0x24c: {  	v36 =	vpop (erf)  }
0x24d: {  	(erf) = vpow2.f32 v10;
	v37 =	vadd.f32 v36, v35  }
0x24e: {  	v38 =	vpop (erf)  }
0x24f: {  	v6 =	vadd.f32 v37, v38  }
0x250: {  	v8 =	vpop (erf)  }
0x251: {  	v6 =	vadd.f32 v8, v6  }
0x252: {  	v9 =	vpop (erf)  }
0x253: {  	v6 =	vadd.f32 v6, v9  }
0x254: {  	v17 =	vpop (erf)  }
0x255: {  	v6 =	vadd.f32 v17, v6  }
0x256: {  	v18 =	vpop (erf)  }
0x257: {  	v6 =	vadd.f32 v6, v18;
	_ =	sdelay $0x1  }
0x258: {  	(erf) = vrcp.f32 v6;
	_ =	sdelay $0x8  }
0x259: {  	v6 =	vpop (erf)  }
0x25a: {  	v6 =	vmul.f32 v6, v63;
	_ =	sdelay $0x1  }
0x25b: {  	v31 =	vmul.f32 v6, v31;
	_ =	sdelay $0x1  }
0x25c: {  	v31 =	vsub.f32 $0.0e+00, v31;
	_ =	sdelay $0x1  }
0x25d: {  	v7 =	vmul.f32 v6, v53;
	[tilespmem:v19+s19+$0x0] =	vst.idx.msk $0xffff, v31  }
0x25e: {  	[tilespmem:v0+s20+$0x0] =	vst.idx.msk $0xffff, v31  }
0x25f: {  	[tilespmem:v20+s19+$0x0] =	vst.idx.msk $0xffff, v7;
	v20 =	vld [tilespmem:$0x1FF30];
	_ =	sdelay $0x1  }
0x260: {  	v2 =	vld [tilespmem:$0x1FE60];
	_ =	sdelay $0x2  }
0x261: {  	v61 =	vmul.f32 v6, v36;
	_ =	sdelay $0x1  }
0x262: {  	v31 =	vsub.f32 $0.0e+00, v61  }
0x263: {  	[tilespmem:v20+s20+$0x0] =	vst.idx.msk $0xffff, v7  }
0x264: {  	[tilespmem:v21+s19+$0x0] =	vst.idx.msk $0xffff, v31  }
0x265: {  	v15 =	vmov v2;
	[tilespmem:v2+s20+$0x0] =	vst.idx.msk $0xffff, v31;
	v2 =	vld [tilespmem:$0x1FE70];
	_ =	sdelay $0x2  }
0x266: {  	v47 =	vmul.f32 v6, v38;
	v8 =	vmul.f32 v6, v8;
	_ =	sdelay $0x1  }
0x267: {  	v8 =	vsub.f32 $0.0e+00, v8;
	[tilespmem:v22+s19+$0x0] =	vst.idx.msk $0xffff, v47  }
0x268: {  	[tilespmem:v19+s20+$0x0] =	vst.idx.msk $0xffff, v47  }
0x269: {  	[tilespmem:v23+s19+$0x0] =	vst.idx.msk $0xffff, v8  }
0x26a: {  	v25 =	vmov v2;
	[tilespmem:v2+s20+$0x0] =	vst.idx.msk $0xffff, v8;
	v2 =	vld [tilespmem:$0x1FE80];
	_ =	sdelay $0x2  }
0x26b: {  	v23 =	vld [tilespmem:$0x1FF40];
	_ =	sdelay $0x1  }
0x26c: {  	v48 =	vmul.f32 v6, v9;
	v49 =	vmul.f32 v6, v17;
	_ =	sdelay $0x1  }
0x26d: {  	v50 =	vsub.f32 $0.0e+00, v49;
	[tilespmem:v32+s19+$0x0] =	vst.idx.msk $0xffff, v48  }
0x26e: {  	v26 =	vmov v2;
	[tilespmem:v2+s20+$0x0] =	vst.idx.msk $0xffff, v48;
	v2 =	vld [tilespmem:$0x1FE90]  }
0x26f: {  	[tilespmem:v33+s19+$0x0] =	vst.idx.msk $0xffff, v50;
	v33 =	vld [tilespmem:$0x1FF50]  }
0x270: {  	v6 =	vmul.f32 v6, v18  }
0x271: {  	v35 =	vld [tilespmem:$0x1FCB0];
	[tilespmem:v23+s20+$0x0] =	vst.idx.msk $0xffff, v50  }
0x272: {  	[tilespmem:v34+s19+$0x0] =	vst.idx.msk $0xffff, v6;
	v34 =	vld [tilespmem:$0x1FF60];
	_ =	sdelay $0x1  }
0x273: {  	v37 =	vld [tilespmem:$0x1FCD0]  }
0x274: {  	v36 =	vld [tilespmem:$0x1FCC0]  }
0x275: {  	v38 =	vld [tilespmem:$0x1FCE0];
	[tilespmem:v2+s20+$0x0] =	vst.idx.msk $0xffff, v6  }
0x276: {  	v6 =	vld.idx.msk [tilespmem:v33+s12+$0x0], $0xffff  }
0x277: {  	v47 =	vld [tilespmem:$0x1FCF0]  }
0x278: {  	v8 =	vld.idx.msk [tilespmem:v35+s12+$0x0], $0xffff  }
0x279: {  	v7 =	vld.idx.msk [tilespmem:v34+s12+$0x0], $0xffff;
	_ =	sdelay $0x1  }
0x27a: {  	v48 =	vld [tilespmem:$0x1FD00];
	v6 =	vsub.f32 $0.0e+00, v6  }
0x27b: {  	v51 =	vld.idx.msk [tilespmem:v36+s12+$0x0], $0xffff  }
0x27c: {  	v17 =	vld.idx.msk [tilespmem:v37+s12+$0x0], $0xffff;
	v6 =	vmul.f32 $1.442695020e+00, v6  }
0x27d: {  	v8 =	vsub.f32 $0.0e+00, v8;
	v7 =	vmul.f32 $1.442695020e+00, v7  }
0x27e: {  	(erf) = vpow2.f32 v6  }
0x27f: {  	v53 =	vld.idx.msk [tilespmem:v38+s12+$0x0], $0xffff;
	v52 =	vmul.f32 $1.442695020e+00, v8;
	(erf) = vpow2.f32 v7  }
0x280: {  	v61 =	vld.idx.msk [tilespmem:v47+s12+$0x0], $0xffff  }
0x281: {  	v62 =	vmul.f32 $1.442695020e+00, v51;
	v32 =	vsub.f32 $0.0e+00, v17;
	(erf) = vpow2.f32 v52;
	_ =	sdelay $0x1  }
0x282: {  	v46 =	vmul.f32 $1.442695020e+00, v32;
	(erf) = vpow2.f32 v62  }
0x283: {  	v49 =	vld.idx.msk [tilespmem:v48+s12+$0x0], $0xffff  }
0x284: {  	v50 =	vmul.f32 $1.442695020e+00, v53;
	v51 =	vsub.f32 $0.0e+00, v61;
	(erf) = vpow2.f32 v46;
	_ =	sdelay $0x1  }
0x285: {  	v52 =	vmul.f32 $1.442695020e+00, v51;
	v8 =	vpop (erf);
	(erf) = vpow2.f32 v50  }
0x286: {  	v53 =	vpop (erf)  }
0x287: {  	v49 =	vmul.f32 $1.442695020e+00, v49;
	(erf) = vpow2.f32 v52;
	v50 =	vadd.f32 v53, v8  }
0x288: {  	v17 =	vpop (erf)  }
0x289: {  	(erf) = vpow2.f32 v49;
	v51 =	vadd.f32 v17, v50  }
0x28a: {  	v52 =	vpop (erf)  }
0x28b: {  	v6 =	vadd.f32 v51, v52  }
0x28c: {  	v18 =	vpop (erf)  }
0x28d: {  	v6 =	vadd.f32 v18, v6  }
0x28e: {  	v31 =	vpop (erf)  }
0x28f: {  	v6 =	vadd.f32 v6, v31  }
0x290: {  	v46 =	vpop (erf)  }
0x291: {  	v6 =	vadd.f32 v46, v6  }
0x292: {  	v61 =	vpop (erf)  }
0x293: {  	v6 =	vadd.f32 v6, v61;
	_ =	sdelay $0x1  }
0x294: {  	(erf) = vrcp.f32 v6;
	_ =	sdelay $0x8  }
0x295: {  	v49 =	vld [tilespmem:$0x1FD10];
	v6 =	vpop (erf)  }
0x296: {  	v6 =	vmul.f32 v6, v63;
	_ =	sdelay $0x1  }
0x297: {  	v8 =	vmul.f32 v6, v8;
	_ =	sdelay $0x1  }
0x298: {  	v8 =	vsub.f32 $0.0e+00, v8;
	_ =	sdelay $0x1  }
0x299: {  	[tilespmem:v33+s19+$0x0] =	vst.idx.msk $0xffff, v8  }
0x29a: {  	[tilespmem:v49+s20+$0x0] =	vst.idx.msk $0xffff, v8;
	v49 =	vld [tilespmem:$0x1FF70];
	_ =	sdelay $0x4  }
0x29b: {  	v7 =	vmul.f32 v6, v53;
	v17 =	vmul.f32 v6, v17;
	_ =	sdelay $0x1  }
0x29c: {  	v53 =	vsub.f32 $0.0e+00, v17;
	[tilespmem:v34+s19+$0x0] =	vst.idx.msk $0xffff, v7  }
0x29d: {  	[tilespmem:v49+s20+$0x0] =	vst.idx.msk $0xffff, v7  }
0x29e: {  	[tilespmem:v35+s19+$0x0] =	vst.idx.msk $0xffff, v53;
	v35 =	vld [tilespmem:$0x1FF80];
	_ =	sdelay $0x3  }
0x29f: {  	v27 =	vmov v2;
	v2 =	vld [tilespmem:$0x1FEA0];
	_ =	sdelay $0x2  }
0x2a0: {  	v62 =	vmul.f32 v6, v52;
	v50 =	vmul.f32 v6, v18  }
0x2a1: {  	[tilespmem:v35+s20+$0x0] =	vst.idx.msk $0xffff, v53  }
0x2a2: {  	v51 =	vsub.f32 $0.0e+00, v50;
	[tilespmem:v36+s19+$0x0] =	vst.idx.msk $0xffff, v62  }
0x2a3: {  	[tilespmem:v33+s20+$0x0] =	vst.idx.msk $0xffff, v62  }
0x2a4: {  	[tilespmem:v37+s19+$0x0] =	vst.idx.msk $0xffff, v51  }
0x2a5: {  	v28 =	vmov v2;
	v52 =	vmul.f32 v6, v31;
	[tilespmem:v2+s20+$0x0] =	vst.idx.msk $0xffff, v51;
	v2 =	vld [tilespmem:$0x1FEB0];
	_ =	sdelay $0x1  }
0x2a6: {  	[tilespmem:v38+s19+$0x0] =	vst.idx.msk $0xffff, v52;
	v38 =	vld [tilespmem:$0x1FF90];
	_ =	sdelay $0x2  }
0x2a7: {  	v53 =	vmul.f32 v6, v46;
	_ =	sdelay $0x1  }
0x2a8: {  	v62 =	vsub.f32 $0.0e+00, v53  }
0x2a9: {  	[tilespmem:v2+s20+$0x0] =	vst.idx.msk $0xffff, v52  }
0x2aa: {  	v6 =	vmul.f32 v6, v61;
	[tilespmem:v47+s19+$0x0] =	vst.idx.msk $0xffff, v62  }
0x2ab: {  	v29 =	vmov v2;
	v2 =	vld [tilespmem:$0x1FEC0];
	[tilespmem:v38+s20+$0x0] =	vst.idx.msk $0xffff, v62  }
0x2ac: {  	[tilespmem:v48+s19+$0x0] =	vst.idx.msk $0xffff, v6;
	v48 =	vld [tilespmem:$0x1FFA0];
	_ =	sdelay $0x1  }
0x2ad: {  	v50 =	vld [tilespmem:$0x1FD20]  }
0x2ae: {  	v51 =	vld [tilespmem:$0x1FD30];
	_ =	sdelay $0x1  }
0x2af: {  	v53 =	vld [tilespmem:$0x1FD50]  }
0x2b0: {  	v52 =	vld [tilespmem:$0x1FD40]  }
0x2b1: {  	v62 =	vld [tilespmem:$0x1FD60];
	[tilespmem:v2+s20+$0x0] =	vst.idx.msk $0xffff, v6  }
0x2b2: {  	v6 =	vld.idx.msk [tilespmem:v48+s12+$0x0], $0xffff  }
0x2b3: {  	v30 =	vmov v2;
	v2 =	vld [tilespmem:$0x1FD70]  }
0x2b4: {  	v7 =	vld.idx.msk [tilespmem:v50+s12+$0x0], $0xffff  }
0x2b5: {  	v8 =	vld.idx.msk [tilespmem:v51+s12+$0x0], $0xffff;
	_ =	sdelay $0x1  }
0x2b6: {  	v16 =	vld [tilespmem:$0x1FD80];
	v6 =	vsub.f32 $0.0e+00, v6  }
0x2b7: {  	v32 =	vld.idx.msk [tilespmem:v52+s12+$0x0], $0xffff  }
0x2b8: {  	v17 =	vld.idx.msk [tilespmem:v53+s12+$0x0], $0xffff;
	v6 =	vmul.f32 $1.442695020e+00, v6  }
0x2b9: {  	v7 =	vmul.f32 $1.442695020e+00, v7;
	v8 =	vsub.f32 $0.0e+00, v8  }
0x2ba: {  	(erf) = vpow2.f32 v6  }
0x2bb: {  	v37 =	vld.idx.msk [tilespmem:v62+s12+$0x0], $0xffff;
	v36 =	vmul.f32 $1.442695020e+00, v8;
	(erf) = vpow2.f32 v7  }
0x2bc: {  	v46 =	vld.idx.msk [tilespmem:v2+s12+$0x0], $0xffff  }
0x2bd: {  	v47 =	vmul.f32 $1.442695020e+00, v32;
	v61 =	vsub.f32 $0.0e+00, v17;
	(erf) = vpow2.f32 v36;
	_ =	sdelay $0x1  }
0x2be: {  	v32 =	vmul.f32 $1.442695020e+00, v61;
	(erf) = vpow2.f32 v47  }
0x2bf: {  	v36 =	vld.idx.msk [tilespmem:v16+s12+$0x0], $0xffff  }
0x2c0: {  	v37 =	vmul.f32 $1.442695020e+00, v37;
	v46 =	vsub.f32 $0.0e+00, v46;
	(erf) = vpow2.f32 v32;
	_ =	sdelay $0x1  }
0x2c1: {  	v47 =	vmul.f32 $1.442695020e+00, v46;
	v8 =	vpop (erf);
	(erf) = vpow2.f32 v37  }
0x2c2: {  	v7 =	vpop (erf)  }
0x2c3: {  	v61 =	vmul.f32 $1.442695020e+00, v36;
	(erf) = vpow2.f32 v47;
	v32 =	vadd.f32 v7, v8  }
0x2c4: {  	v17 =	vpop (erf)  }
0x2c5: {  	(erf) = vpow2.f32 v61;
	v36 =	vadd.f32 v17, v32  }
0x2c6: {  	v37 =	vpop (erf)  }
0x2c7: {  	v6 =	vadd.f32 v36, v37  }
0x2c8: {  	v18 =	vpop (erf)  }
0x2c9: {  	v6 =	vadd.f32 v18, v6  }
0x2ca: {  	v31 =	vpop (erf)  }
0x2cb: {  	v6 =	vadd.f32 v6, v31  }
0x2cc: {  	v46 =	vpop (erf)  }
0x2cd: {  	v6 =	vadd.f32 v46, v6  }
0x2ce: {  	v61 =	vpop (erf)  }
0x2cf: {  	v6 =	vadd.f32 v6, v61;
	_ =	sdelay $0x1  }
0x2d0: {  	(erf) = vrcp.f32 v6;
	_ =	sdelay $0x8  }
0x2d1: {  	v21 =	vld [tilespmem:$0x1FD90];
	v6 =	vpop (erf)  }
0x2d2: {  	v6 =	vmul.f32 v6, v63;
	_ =	sdelay $0x1  }
0x2d3: {  	v8 =	vmul.f32 v6, v8;
	_ =	sdelay $0x1  }
0x2d4: {  	v8 =	vsub.f32 $0.0e+00, v8;
	_ =	sdelay $0x1  }
0x2d5: {  	[tilespmem:v48+s19+$0x0] =	vst.idx.msk $0xffff, v8  }
0x2d6: {  	v7 =	vmul.f32 v6, v7;
	[tilespmem:v21+s20+$0x0] =	vst.idx.msk $0xffff, v8;
	v21 =	vld [tilespmem:$0x1FED0];
	_ =	sdelay $0x1  }
0x2d7: {  	[tilespmem:v50+s19+$0x0] =	vst.idx.msk $0xffff, v7;
	v50 =	vld [tilespmem:$0x1FFB0];
	_ =	sdelay $0x2  }
0x2d8: {  	v17 =	vmul.f32 v6, v17;
	_ =	sdelay $0x1  }
0x2d9: {  	v36 =	vsub.f32 $0.0e+00, v17  }
0x2da: {  	[tilespmem:v21+s20+$0x0] =	vst.idx.msk $0xffff, v7  }
0x2db: {  	v37 =	vmul.f32 v6, v37;
	[tilespmem:v51+s19+$0x0] =	vst.idx.msk $0xffff, v36;
	v51 =	vld [tilespmem:$0x1FFC0]  }
0x2dc: {  	v47 =	vmul.f32 v6, v18;
	[tilespmem:v50+s20+$0x0] =	vst.idx.msk $0xffff, v36  }
0x2dd: {  	[tilespmem:v52+s19+$0x0] =	vst.idx.msk $0xffff, v37;
	v52 =	vld [tilespmem:$0x1FFD0]  }
0x2de: {  	v32 =	vsub.f32 $0.0e+00, v47  }
0x2df: {  	[tilespmem:v48+s20+$0x0] =	vst.idx.msk $0xffff, v37  }
0x2e0: {  	[tilespmem:v53+s19+$0x0] =	vst.idx.msk $0xffff, v32;
	v53 =	vld [tilespmem:$0x1FFE0];
	_ =	sdelay $0x1  }
0x2e1: {  	v36 =	vmul.f32 v6, v31;
	v37 =	vmul.f32 v6, v46  }
0x2e2: {  	[tilespmem:v51+s20+$0x0] =	vst.idx.msk $0xffff, v32  }
0x2e3: {  	v46 =	vsub.f32 $0.0e+00, v37;
	[tilespmem:v62+s19+$0x0] =	vst.idx.msk $0xffff, v36  }
0x2e4: {  	v62 =	vld [tilespmem:$0x1FFF0];
	[tilespmem:v52+s20+$0x0] =	vst.idx.msk $0xffff, v36  }
0x2e5: {  	[tilespmem:v2+s19+$0x0] =	vst.idx.msk $0xffff, v46;
	v2 =	vld [tilespmem:$0x1FDA0]  }
0x2e6: {  	v19 =	vld [tilespmem:$0x1FDC0];
	v6 =	vmul.f32 v6, v61  }
0x2e7: {  	v22 =	vld [tilespmem:$0x1FDD0];
	[tilespmem:v53+s20+$0x0] =	vst.idx.msk $0xffff, v46  }
0x2e8: {  	[tilespmem:v16+s19+$0x0] =	vst.idx.msk $0xffff, v6;
	v16 =	vld [tilespmem:$0x1FDB0]  }
0x2e9: {  	v32 =	vld [tilespmem:$0x1FDE0];
	_ =	sdelay $0x2  }
0x2ea: {  	[tilespmem:v62+s20+$0x0] =	vst.idx.msk $0xffff, v6  }
0x2eb: {  	v6 =	vld.idx.msk [tilespmem:v2+s12+$0x0], $0xffff  }
0x2ec: {  	v8 =	vld.idx.msk [tilespmem:v19+s12+$0x0], $0xffff  }
0x2ed: {  	v47 =	vld.idx.msk [tilespmem:v22+s12+$0x0], $0xffff  }
0x2ee: {  	v7 =	vld.idx.msk [tilespmem:v16+s12+$0x0], $0xffff  }
0x2ef: {  	v17 =	vld.idx.msk [tilespmem:v32+s12+$0x0], $0xffff  }
0x2f0: {  	v6 =	vsub.f32 $0.0e+00, v6  }
0x2f1: {  	v37 =	vld [tilespmem:$0x1FE00]  }
0x2f2: {  	v36 =	vld [tilespmem:$0x1FDF0];
	v8 =	vsub.f32 $0.0e+00, v8;
	v6 =	vmul.f32 $1.442695020e+00, v6  }
0x2f3: {  	v46 =	vmul.f32 $1.442695020e+00, v47;
	v7 =	vmul.f32 $1.442695020e+00, v7  }
0x2f4: {  	v47 =	vsub.f32 $0.0e+00, v17;
	v61 =	vmul.f32 $1.442695020e+00, v8;
	(erf) = vpow2.f32 v6  }
0x2f5: {  	(erf) = vpow2.f32 v7  }
0x2f6: {  	(erf) = vpow2.f32 v61;
	v61 =	vmul.f32 $1.442695020e+00, v47;
	v47 =	vld [tilespmem:$0x1FE10];
	_ =	sdelay $0x2  }
0x2f7: {  	v8 =	vld.idx.msk [tilespmem:v37+s12+$0x0], $0xffff  }
0x2f8: {  	v7 =	vld.idx.msk [tilespmem:v36+s12+$0x0], $0xffff;
	_ =	sdelay $0x2  }
0x2f9: {  	(erf) = vpow2.f32 v46  }
0x2fa: {  	v9 =	vld.idx.msk [tilespmem:v47+s12+$0x0], $0xffff  }
0x2fb: {  	(erf) = vpow2.f32 v61;
	v61 =	vsub.f32 $0.0e+00, v8;
	v46 =	vmul.f32 $1.442695020e+00, v7;
	_ =	sdelay $0x1  }
0x2fc: {  	v8 =	vpop (erf);
	(erf) = vpow2.f32 v46;
	v46 =	vmul.f32 $1.442695020e+00, v61  }
0x2fd: {  	v7 =	vpop (erf)  }
0x2fe: {  	(erf) = vpow2.f32 v46;
	v46 =	vadd.f32 v7, v8;
	v61 =	vmul.f32 $1.442695020e+00, v9  }
0x2ff: {  	v17 =	vpop (erf)  }
0x300: {  	(erf) = vpow2.f32 v61;
	v61 =	vadd.f32 v17, v46  }
0x301: {  	v9 =	vpop (erf)  }
0x302: {  	v6 =	vadd.f32 v61, v9  }
0x303: {  	v18 =	vpop (erf)  }
0x304: {  	v6 =	vadd.f32 v18, v6  }
0x305: {  	v31 =	vpop (erf)  }
0x306: {  	v6 =	vadd.f32 v6, v31  }
0x307: {  	v46 =	vpop (erf)  }
0x308: {  	v6 =	vadd.f32 v46, v6  }
0x309: {  	v61 =	vpop (erf)  }
0x30a: {  	v6 =	vadd.f32 v6, v61;
	_ =	sdelay $0x1  }
0x30b: {  	(erf) = vrcp.f32 v6;
	_ =	sdelay $0x8  }
0x30c: {  	v10 =	vld [tilespmem:$0x1FE20];
	v6 =	vpop (erf)  }
0x30d: {  	v6 =	vmul.f32 v6, v63;
	_ =	sdelay $0x1  }
0x30e: {  	v8 =	vmul.f32 v6, v8;
	_ =	sdelay $0x1  }
0x30f: {  	v8 =	vsub.f32 $0.0e+00, v8;
	_ =	sdelay $0x1  }
0x310: {  	[tilespmem:v2+s19+$0x0] =	vst.idx.msk $0xffff, v8  }
0x311: {  	[tilespmem:v10+s20+$0x0] =	vst.idx.msk $0xffff, v8;
	v10 =	vld [tilespmem:$0x1FE30];
	_ =	sdelay $0x4  }
0x312: {  	v7 =	vmul.f32 v6, v7;
	_ =	sdelay $0x1  }
0x313: {  	[tilespmem:v16+s19+$0x0] =	vst.idx.msk $0xffff, v7  }
0x314: {  	[tilespmem:v10+s20+$0x0] =	vst.idx.msk $0xffff, v7;
	v10 =	vld [tilespmem:$0x1FE40];
	_ =	sdelay $0x2  }
0x315: {  	v17 =	vmul.f32 v6, v17;
	_ =	sdelay $0x1  }
0x316: {  	v8 =	vsub.f32 $0.0e+00, v17;
	_ =	sdelay $0x1  }
0x317: {  	v7 =	vmul.f32 v6, v9;
	[tilespmem:v19+s19+$0x0] =	vst.idx.msk $0xffff, v8  }
0x318: {  	[tilespmem:v10+s20+$0x0] =	vst.idx.msk $0xffff, v8  }
0x319: {  	[tilespmem:v22+s19+$0x0] =	vst.idx.msk $0xffff, v7;
	v22 =	vld [tilespmem:$0x1FEE0]  }
0x31a: {  	v9 =	vmul.f32 v6, v18;
	_ =	sdelay $0x1  }
0x31b: {  	v8 =	vsub.f32 $0.0e+00, v9  }
0x31c: {  	[tilespmem:v2+s20+$0x0] =	vst.idx.msk $0xffff, v7  }
0x31d: {  	[tilespmem:v32+s19+$0x0] =	vst.idx.msk $0xffff, v8;
	v32 =	vmul.f32 v6, v46;
	_ =	sdelay $0x1  }
0x31e: {  	v7 =	vmul.f32 v6, v31;
	v46 =	vsub.f32 $0.0e+00, v32;
	v32 =	vld [tilespmem:$0x1FEF0]  }
0x31f: {  	[tilespmem:v22+s20+$0x0] =	vst.idx.msk $0xffff, v8  }
0x320: {  	[tilespmem:v36+s19+$0x0] =	vst.idx.msk $0xffff, v7;
	v36 =	vld [tilespmem:$0x1FF00];
	_ =	sdelay $0x5  }
0x321: {  	[tilespmem:v32+s20+$0x0] =	vst.idx.msk $0xffff, v7  }
0x322: {  	v6 =	vmul.f32 v6, v61;
	[tilespmem:v37+s19+$0x0] =	vst.idx.msk $0xffff, v46  }
0x323: {  	v37 =	vld [tilespmem:$0x1FF10];
	[tilespmem:v36+s20+$0x0] =	vst.idx.msk $0xffff, v46  }
0x324: {  	[tilespmem:v47+s19+$0x0] =	vst.idx.msk $0xffff, v6;
	v47 =	vld [tilespmem:$0x1FF20];
	_ =	sdelay $0x1  }
0x325: {  	v2 =	vld [tilespmem:$0x1FE50];
	_ =	sdelay $0x4  }
0x326: {  	v16 =	vld [tilespmem:$0x1FA30];
	[tilespmem:v37+s20+$0x0] =	vst.idx.msk $0xffff, v6  }
0x327: {  	v6 =	vld.idx.msk [tilespmem:v47+s12+$0x0], $0xffff  }
0x328: {  	v10 =	vld [tilespmem:$0x1FA50]  }
0x329: {  	v7 =	vld.idx.msk [tilespmem:v2+s12+$0x0], $0xffff  }
0x32a: {  	v8 =	vld.idx.msk [tilespmem:v14+s12+$0x0], $0xffff;
	_ =	sdelay $0x1  }
0x32b: {  	v6 =	vsub.f32 $0.0e+00, v6  }
0x32c: {  	v61 =	vld.idx.msk [tilespmem:v13+s12+$0x0], $0xffff  }
0x32d: {  	v17 =	vld.idx.msk [tilespmem:v12+s12+$0x0], $0xffff;
	v6 =	vmul.f32 $1.442695020e+00, v6  }
0x32e: {  	v7 =	vmul.f32 $1.442695020e+00, v7;
	v8 =	vsub.f32 $0.0e+00, v8  }
0x32f: {  	(erf) = vpow2.f32 v6  }
0x330: {  	v46 =	vmul.f32 $1.442695020e+00, v8;
	v8 =	vld.idx.msk [tilespmem:v10+s12+$0x0], $0xffff;
	(erf) = vpow2.f32 v7  }
0x331: {  	v7 =	vld.idx.msk [tilespmem:v16+s12+$0x0], $0xffff  }
0x332: {  	v61 =	vmul.f32 $1.442695020e+00, v61;
	(erf) = vpow2.f32 v46;
	v46 =	vsub.f32 $0.0e+00, v17;
	_ =	sdelay $0x1  }
0x333: {  	(erf) = vpow2.f32 v61;
	v61 =	vmul.f32 $1.442695020e+00, v46  }
0x334: {  	v9 =	vld.idx.msk [tilespmem:v11+s12+$0x0], $0xffff  }
0x335: {  	(erf) = vpow2.f32 v61;
	v46 =	vmul.f32 $1.442695020e+00, v7;
	v61 =	vsub.f32 $0.0e+00, v8;
	_ =	sdelay $0x1  }
0x336: {  	v8 =	vpop (erf);
	(erf) = vpow2.f32 v46;
	v46 =	vmul.f32 $1.442695020e+00, v61  }
0x337: {  	v7 =	vpop (erf)  }
0x338: {  	v61 =	vmul.f32 $1.442695020e+00, v9;
	(erf) = vpow2.f32 v46;
	v46 =	vadd.f32 v7, v8  }
0x339: {  	v17 =	vpop (erf)  }
0x33a: {  	(erf) = vpow2.f32 v61;
	v61 =	vadd.f32 v17, v46  }
0x33b: {  	v9 =	vpop (erf)  }
0x33c: {  	v6 =	vadd.f32 v61, v9  }
0x33d: {  	v18 =	vpop (erf)  }
0x33e: {  	v6 =	vadd.f32 v18, v6  }
0x33f: {  	v31 =	vpop (erf)  }
0x340: {  	v6 =	vadd.f32 v6, v31  }
0x341: {  	v46 =	vpop (erf)  }
0x342: {  	v6 =	vadd.f32 v46, v6  }
0x343: {  	v61 =	vpop (erf)  }
0x344: {  	v6 =	vadd.f32 v6, v61;
	_ =	sdelay $0x1  }
0x345: {  	(erf) = vrcp.f32 v6;
	_ =	sdelay $0x8  }
0x346: {  	v19 =	vld [tilespmem:$0x1F9F0];
	v6 =	vpop (erf)  }
0x347: {  	v6 =	vmul.f32 v6, v63;
	_ =	sdelay $0x1  }
0x348: {  	v8 =	vmul.f32 v6, v8;
	_ =	sdelay $0x1  }
0x349: {  	v8 =	vsub.f32 $0.0e+00, v8;
	_ =	sdelay $0x1  }
0x34a: {  	v7 =	vmul.f32 v6, v7;
	[tilespmem:v47+s19+$0x0] =	vst.idx.msk $0xffff, v8  }
0x34b: {  	[tilespmem:v19+s20+$0x0] =	vst.idx.msk $0xffff, v8  }
0x34c: {  	[tilespmem:v2+s19+$0x0] =	vst.idx.msk $0xffff, v7;
	v2 =	vld [tilespmem:$0x1FA00];
	_ =	sdelay $0x7  }
0x34d: {  	[tilespmem:v2+s20+$0x0] =	vst.idx.msk $0xffff, v7;
	v2 =	vld [tilespmem:$0x1FA10];
	_ =	sdelay $0x2  }
0x34e: {  	v17 =	vmul.f32 v6, v17;
	_ =	sdelay $0x1  }
0x34f: {  	v8 =	vsub.f32 $0.0e+00, v17;
	_ =	sdelay $0x1  }
0x350: {  	[tilespmem:v14+s19+$0x0] =	vst.idx.msk $0xffff, v8  }
0x351: {  	[tilespmem:v2+s20+$0x0] =	vst.idx.msk $0xffff, v8;
	v2 =	vld [tilespmem:$0x1FA20];
	_ =	sdelay $0x2  }
0x352: {  	v7 =	vmul.f32 v6, v9;
	v9 =	vmul.f32 v6, v18;
	_ =	sdelay $0x1  }
0x353: {  	v8 =	vsub.f32 $0.0e+00, v9;
	[tilespmem:v13+s19+$0x0] =	vst.idx.msk $0xffff, v7  }
0x354: {  	[tilespmem:v47+s20+$0x0] =	vst.idx.msk $0xffff, v7  }
0x355: {  	[tilespmem:v12+s19+$0x0] =	vst.idx.msk $0xffff, v8  }
0x356: {  	[tilespmem:v2+s20+$0x0] =	vst.idx.msk $0xffff, v8;
	v2 =	vld [tilespmem:$0x1FA40];
	_ =	sdelay $0x4  }
0x357: {  	v7 =	vmul.f32 v6, v31;
	_ =	sdelay $0x1  }
0x358: {  	[tilespmem:v16+s19+$0x0] =	vst.idx.msk $0xffff, v7  }
0x359: {  	[tilespmem:v2+s20+$0x0] =	vst.idx.msk $0xffff, v7;
	v2 =	vld [tilespmem:$0x1FA60];
	_ =	sdelay $0x2  }
0x35a: {  	v46 =	vmul.f32 v6, v46;
	_ =	sdelay $0x1  }
0x35b: {  	v46 =	vsub.f32 $0.0e+00, v46;
	_ =	sdelay $0x1  }
0x35c: {  	[tilespmem:v10+s19+$0x0] =	vst.idx.msk $0xffff, v46  }
0x35d: {  	[tilespmem:v2+s20+$0x0] =	vst.idx.msk $0xffff, v46;
	v2 =	vld [tilespmem:$0x1FA70];
	_ =	sdelay $0x2  }
0x35e: {  	v31 =	vld [tilespmem:$0x1FA90]  }
0x35f: {  	v19 =	vld [tilespmem:$0x1FAB0]  }
0x360: {  	v6 =	vmul.f32 v6, v61  }
0x361: {  	v17 =	vld [tilespmem:$0x1FAE0]  }
0x362: {  	v18 =	vld [tilespmem:$0x1FAD0];
	[tilespmem:v11+s19+$0x0] =	vst.idx.msk $0xffff, v6  }
0x363: {  	v16 =	vld [tilespmem:$0x1FB00];
	[tilespmem:v2+s20+$0x0] =	vst.idx.msk $0xffff, v6  }
0x364: {  	v6 =	vld.idx.msk [tilespmem:v24+s12+$0x0], $0xffff  }
0x365: {  	v2 =	vld [tilespmem:$0x1FB20]  }
0x366: {  	v7 =	vld.idx.msk [tilespmem:v31+s12+$0x0], $0xffff  }
0x367: {  	v8 =	vld.idx.msk [tilespmem:v19+s12+$0x0], $0xffff;
	_ =	sdelay $0x1  }
0x368: {  	v6 =	vsub.f32 $0.0e+00, v6  }
0x369: {  	v61 =	vld.idx.msk [tilespmem:v18+s12+$0x0], $0xffff  }
0x36a: {  	v10 =	vld.idx.msk [tilespmem:v17+s12+$0x0], $0xffff;
	v6 =	vmul.f32 $1.442695020e+00, v6  }
0x36b: {  	v7 =	vmul.f32 $1.442695020e+00, v7;
	v8 =	vsub.f32 $0.0e+00, v8  }
0x36c: {  	(erf) = vpow2.f32 v6  }
0x36d: {  	v46 =	vmul.f32 $1.442695020e+00, v8;
	v8 =	vld.idx.msk [tilespmem:v2+s12+$0x0], $0xffff;
	(erf) = vpow2.f32 v7  }
0x36e: {  	v7 =	vld.idx.msk [tilespmem:v16+s12+$0x0], $0xffff  }
0x36f: {  	v61 =	vmul.f32 $1.442695020e+00, v61;
	(erf) = vpow2.f32 v46;
	v46 =	vsub.f32 $0.0e+00, v10;
	_ =	sdelay $0x1  }
0x370: {  	(erf) = vpow2.f32 v61;
	v61 =	vmul.f32 $1.442695020e+00, v46  }
0x371: {  	v9 =	vld.idx.msk [tilespmem:v39+s12+$0x0], $0xffff  }
0x372: {  	(erf) = vpow2.f32 v61;
	v46 =	vmul.f32 $1.442695020e+00, v7;
	v61 =	vsub.f32 $0.0e+00, v8;
	_ =	sdelay $0x1  }
0x373: {  	v11 =	vmul.f32 $1.442695020e+00, v61;
	v8 =	vpop (erf);
	(erf) = vpow2.f32 v46  }
0x374: {  	v7 =	vpop (erf)  }
0x375: {  	v6 =	vmul.f32 $1.442695020e+00, v9;
	(erf) = vpow2.f32 v11;
	v46 =	vadd.f32 v7, v8  }
0x376: {  	v61 =	vpop (erf)  }
0x377: {  	(erf) = vpow2.f32 v6;
	v46 =	vadd.f32 v61, v46  }
0x378: {  	v9 =	vpop (erf)  }
0x379: {  	v6 =	vadd.f32 v46, v9  }
0x37a: {  	v11 =	vpop (erf)  }
0x37b: {  	v6 =	vadd.f32 v11, v6  }
0x37c: {  	v12 =	vpop (erf)  }
0x37d: {  	v6 =	vadd.f32 v6, v12  }
0x37e: {  	v13 =	vpop (erf)  }
0x37f: {  	v6 =	vadd.f32 v13, v6  }
0x380: {  	v14 =	vpop (erf)  }
0x381: {  	v6 =	vadd.f32 v6, v14;
	_ =	sdelay $0x1  }
0x382: {  	(erf) = vrcp.f32 v6;
	_ =	sdelay $0x8  }
0x383: {  	v6 =	vpop (erf)  }
0x384: {  	v6 =	vmul.f32 v6, v63;
	_ =	sdelay $0x1  }
0x385: {  	v10 =	vmul.f32 v6, v61;
	v61 =	vld [tilespmem:$0x1FA80];
	_ =	sdelay $0x1  }
0x386: {  	v46 =	vld [tilespmem:$0x1FAA0]  }
0x387: {  	v8 =	vmul.f32 v6, v8;
	_ =	sdelay $0x1  }
0x388: {  	v8 =	vsub.f32 $0.0e+00, v8;
	_ =	sdelay $0x1  }
0x389: {  	v7 =	vmul.f32 v6, v7;
	[tilespmem:v24+s19+$0x0] =	vst.idx.msk $0xffff, v8  }
0x38a: {  	[tilespmem:v61+s20+$0x0] =	vst.idx.msk $0xffff, v8  }
0x38b: {  	[tilespmem:v31+s19+$0x0] =	vst.idx.msk $0xffff, v7  }
0x38c: {  	[tilespmem:v46+s20+$0x0] =	vst.idx.msk $0xffff, v7;
	v46 =	vld [tilespmem:$0x1FAC0];
	_ =	sdelay $0x4  }
0x38d: {  	v8 =	vsub.f32 $0.0e+00, v10;
	_ =	sdelay $0x1  }
0x38e: {  	[tilespmem:v19+s19+$0x0] =	vst.idx.msk $0xffff, v8  }
0x38f: {  	[tilespmem:v46+s20+$0x0] =	vst.idx.msk $0xffff, v8;
	v46 =	vld [tilespmem:$0x1FAF0];
	_ =	sdelay $0x2  }
0x390: {  	v61 =	vmul.f32 v6, v11;
	v7 =	vmul.f32 v6, v9;
	_ =	sdelay $0x1  }
0x391: {  	v8 =	vsub.f32 $0.0e+00, v61;
	[tilespmem:v18+s19+$0x0] =	vst.idx.msk $0xffff, v7  }
0x392: {  	[tilespmem:v24+s20+$0x0] =	vst.idx.msk $0xffff, v7  }
0x393: {  	[tilespmem:v17+s19+$0x0] =	vst.idx.msk $0xffff, v8  }
0x394: {  	[tilespmem:v46+s20+$0x0] =	vst.idx.msk $0xffff, v8;
	v46 =	vld [tilespmem:$0x1FB10];
	_ =	sdelay $0x4  }
0x395: {  	v61 =	vmul.f32 v6, v13;
	v7 =	vmul.f32 v6, v12;
	_ =	sdelay $0x1  }
0x396: {  	v61 =	vsub.f32 $0.0e+00, v61;
	[tilespmem:v16+s19+$0x0] =	vst.idx.msk $0xffff, v7  }
0x397: {  	[tilespmem:v46+s20+$0x0] =	vst.idx.msk $0xffff, v7  }
0x398: {  	[tilespmem:v2+s19+$0x0] =	vst.idx.msk $0xffff, v61;
	v2 =	vld [tilespmem:$0x1FB30];
	_ =	sdelay $0x7  }
0x399: {  	[tilespmem:v2+s20+$0x0] =	vst.idx.msk $0xffff, v61;
	v2 =	vld [tilespmem:$0x1FB40];
	_ =	sdelay $0x4  }
0x39a: {  	v6 =	vmul.f32 v6, v14;
	_ =	sdelay $0x1  }
0x39b: {  	[tilespmem:v39+s19+$0x0] =	vst.idx.msk $0xffff, v6  }
0x39c: {  	[tilespmem:v2+s20+$0x0] =	vst.idx.msk $0xffff, v6  }
0x39d: {  	v6 =	vld.idx.msk [tilespmem:v40+s12+$0x0], $0xffff;
	_ =	sdelay $0x1  }
0x39e: {  	v7 =	vld.idx.msk [tilespmem:v54+s12+$0x0], $0xffff  }
0x39f: {  	v8 =	vld.idx.msk [tilespmem:v45+s12+$0x0], $0xffff;
	_ =	sdelay $0x1  }
0x3a0: {  	v6 =	vsub.f32 $0.0e+00, v6  }
0x3a1: {  	v9 =	vld.idx.msk [tilespmem:v44+s12+$0x0], $0xffff  }
0x3a2: {  	v10 =	vld.idx.msk [tilespmem:v43+s12+$0x0], $0xffff;
	v6 =	vmul.f32 $1.442695020e+00, v6  }
0x3a3: {  	v7 =	vmul.f32 $1.442695020e+00, v7;
	v8 =	vsub.f32 $0.0e+00, v8  }
0x3a4: {  	(erf) = vpow2.f32 v6  }
0x3a5: {  	v61 =	vmul.f32 $1.442695020e+00, v8;
	v8 =	vld.idx.msk [tilespmem:v41+s12+$0x0], $0xffff;
	(erf) = vpow2.f32 v7  }
0x3a6: {  	v7 =	vld.idx.msk [tilespmem:v42+s12+$0x0], $0xffff  }
0x3a7: {  	v39 =	vmul.f32 $1.442695020e+00, v9;
	v46 =	vsub.f32 $0.0e+00, v10;
	(erf) = vpow2.f32 v61;
	_ =	sdelay $0x1  }
0x3a8: {  	v61 =	vmul.f32 $1.442695020e+00, v46;
	(erf) = vpow2.f32 v39;
	v39 =	vld.idx.msk [tilespmem:v55+s12+$0x0], $0xffff;
	_ =	sdelay $0x1  }
0x3a9: {  	(erf) = vpow2.f32 v61;
	v61 =	vsub.f32 $0.0e+00, v8;
	v46 =	vmul.f32 $1.442695020e+00, v7;
	_ =	sdelay $0x1  }
0x3aa: {  	v11 =	vmul.f32 $1.442695020e+00, v61;
	v8 =	vpop (erf);
	(erf) = vpow2.f32 v46  }
0x3ab: {  	v39 =	vmul.f32 $1.442695020e+00, v39;
	v7 =	vpop (erf)  }
0x3ac: {  	(erf) = vpow2.f32 v11;
	v46 =	vadd.f32 v7, v8  }
0x3ad: {  	v10 =	vpop (erf)  }
0x3ae: {  	(erf) = vpow2.f32 v39;
	v61 =	vadd.f32 v10, v46  }
0x3af: {  	v39 =	vpop (erf)  }
0x3b0: {  	v6 =	vadd.f32 v61, v39  }
0x3b1: {  	v46 =	vpop (erf)  }
0x3b2: {  	v6 =	vadd.f32 v46, v6  }
0x3b3: {  	v12 =	vpop (erf)  }
0x3b4: {  	v6 =	vadd.f32 v6, v12  }
0x3b5: {  	v13 =	vpop (erf)  }
0x3b6: {  	v6 =	vadd.f32 v13, v6  }
0x3b7: {  	v14 =	vpop (erf)  }
0x3b8: {  	v6 =	vadd.f32 v6, v14;
	_ =	sdelay $0x1  }
0x3b9: {  	(erf) = vrcp.f32 v6;
	_ =	sdelay $0x8  }
0x3ba: {  	v2 =	vld [tilespmem:$0x1FB50];
	v6 =	vpop (erf)  }
0x3bb: {  	v6 =	vmul.f32 v6, v63;
	_ =	sdelay $0x1  }
0x3bc: {  	v8 =	vmul.f32 v6, v8;
	_ =	sdelay $0x1  }
0x3bd: {  	v8 =	vsub.f32 $0.0e+00, v8;
	_ =	sdelay $0x1  }
0x3be: {  	[tilespmem:v40+s19+$0x0] =	vst.idx.msk $0xffff, v8  }
0x3bf: {  	[tilespmem:v2+s20+$0x0] =	vst.idx.msk $0xffff, v8;
	v2 =	vld [tilespmem:$0x1FB60];
	_ =	sdelay $0x4  }
0x3c0: {  	v7 =	vmul.f32 v6, v7;
	_ =	sdelay $0x1  }
0x3c1: {  	[tilespmem:v54+s19+$0x0] =	vst.idx.msk $0xffff, v7  }
0x3c2: {  	[tilespmem:v2+s20+$0x0] =	vst.idx.msk $0xffff, v7;
	v2 =	vld [tilespmem:$0x1FB70];
	_ =	sdelay $0x2  }
0x3c3: {  	v10 =	vmul.f32 v6, v10;
	_ =	sdelay $0x1  }
0x3c4: {  	v54 =	vsub.f32 $0.0e+00, v10;
	_ =	sdelay $0x1  }
0x3c5: {  	[tilespmem:v45+s19+$0x0] =	vst.idx.msk $0xffff, v54  }
0x3c6: {  	[tilespmem:v2+s20+$0x0] =	vst.idx.msk $0xffff, v54;
	v2 =	vld [tilespmem:$0x1FB80];
	_ =	sdelay $0x2  }
0x3c7: {  	v61 =	vmul.f32 v6, v39;
	v39 =	vmul.f32 v6, v46;
	_ =	sdelay $0x1  }
0x3c8: {  	[tilespmem:v44+s19+$0x0] =	vst.idx.msk $0xffff, v61;
	v44 =	vsub.f32 $0.0e+00, v39  }
0x3c9: {  	[tilespmem:v40+s20+$0x0] =	vst.idx.msk $0xffff, v61  }
0x3ca: {  	[tilespmem:v43+s19+$0x0] =	vst.idx.msk $0xffff, v44  }
0x3cb: {  	[tilespmem:v2+s20+$0x0] =	vst.idx.msk $0xffff, v44;
	v2 =	vld [tilespmem:$0x1FB90];
	_ =	sdelay $0x4  }
0x3cc: {  	v45 =	vmul.f32 v6, v12;
	_ =	sdelay $0x1  }
0x3cd: {  	[tilespmem:v42+s19+$0x0] =	vst.idx.msk $0xffff, v45  }
0x3ce: {  	[tilespmem:v2+s20+$0x0] =	vst.idx.msk $0xffff, v45;
	v2 =	vld [tilespmem:$0x1FBA0];
	_ =	sdelay $0x2  }
0x3cf: {  	v46 =	vmul.f32 v6, v13;
	_ =	sdelay $0x1  }
0x3d0: {  	v54 =	vsub.f32 $0.0e+00, v46;
	_ =	sdelay $0x1  }
0x3d1: {  	[tilespmem:v41+s19+$0x0] =	vst.idx.msk $0xffff, v54  }
0x3d2: {  	[tilespmem:v2+s20+$0x0] =	vst.idx.msk $0xffff, v54;
	v2 =	vld [tilespmem:$0x1FBB0];
	_ =	sdelay $0x4  }
0x3d3: {  	v6 =	vmul.f32 v6, v14;
	_ =	sdelay $0x1  }
0x3d4: {  	[tilespmem:v55+s19+$0x0] =	vst.idx.msk $0xffff, v6  }
0x3d5: {  	[tilespmem:v2+s20+$0x0] =	vst.idx.msk $0xffff, v6  }
0x3d6: {  	v6 =	vld.idx.msk [tilespmem:v56+s12+$0x0], $0xffff;
	_ =	sdelay $0x1  }
0x3d7: {  	v7 =	vld.idx.msk [tilespmem:v4+s12+$0x0], $0xffff  }
0x3d8: {  	v8 =	vld.idx.msk [tilespmem:v3+s12+$0x0], $0xffff;
	_ =	sdelay $0x1  }
0x3d9: {  	v6 =	vsub.f32 $0.0e+00, v6  }
0x3da: {  	v61 =	vld.idx.msk [tilespmem:v60+s12+$0x0], $0xffff  }
0x3db: {  	v39 =	vld.idx.msk [tilespmem:v59+s12+$0x0], $0xffff;
	v6 =	vmul.f32 $1.442695020e+00, v6  }
0x3dc: {  	v7 =	vmul.f32 $1.442695020e+00, v7;
	v8 =	vsub.f32 $0.0e+00, v8  }
0x3dd: {  	(erf) = vpow2.f32 v6  }
0x3de: {  	v41 =	vld.idx.msk [tilespmem:v58+s12+$0x0], $0xffff;
	v40 =	vmul.f32 $1.442695020e+00, v8;
	(erf) = vpow2.f32 v7  }
0x3df: {  	v42 =	vld.idx.msk [tilespmem:v57+s12+$0x0], $0xffff  }
0x3e0: {  	v43 =	vmul.f32 $1.442695020e+00, v61;
	v44 =	vsub.f32 $0.0e+00, v39;
	(erf) = vpow2.f32 v40;
	_ =	sdelay $0x1  }
0x3e1: {  	v45 =	vmul.f32 $1.442695020e+00, v44;
	(erf) = vpow2.f32 v43  }
0x3e2: {  	v46 =	vld.idx.msk [tilespmem:v5+s12+$0x0], $0xffff  }
0x3e3: {  	v54 =	vmul.f32 $1.442695020e+00, v41;
	v55 =	vsub.f32 $0.0e+00, v42;
	(erf) = vpow2.f32 v45;
	_ =	sdelay $0x1  }
0x3e4: {  	v11 =	vmul.f32 $1.442695020e+00, v55;
	v61 =	vpop (erf);
	(erf) = vpow2.f32 v54  }
0x3e5: {  	v39 =	vpop (erf)  }
0x3e6: {  	v40 =	vmul.f32 $1.442695020e+00, v46;
	(erf) = vpow2.f32 v11;
	v41 =	vadd.f32 v39, v61  }
0x3e7: {  	v42 =	vpop (erf)  }
0x3e8: {  	(erf) = vpow2.f32 v40;
	v43 =	vadd.f32 v42, v41  }
0x3e9: {  	v44 =	vpop (erf)  }
0x3ea: {  	v6 =	vadd.f32 v43, v44  }
0x3eb: {  	v45 =	vpop (erf)  }
0x3ec: {  	v6 =	vadd.f32 v45, v6  }
0x3ed: {  	v12 =	vpop (erf)  }
0x3ee: {  	v6 =	vadd.f32 v6, v12  }
0x3ef: {  	v13 =	vpop (erf)  }
0x3f0: {  	v6 =	vadd.f32 v13, v6  }
0x3f1: {  	v14 =	vpop (erf)  }
0x3f2: {  	v6 =	vadd.f32 v6, v14;
	_ =	sdelay $0x1  }
0x3f3: {  	(erf) = vrcp.f32 v6;
	_ =	sdelay $0x8  }
0x3f4: {  	v2 =	vld [tilespmem:$0x1FBC0];
	v6 =	vpop (erf)  }
0x3f5: {  	v6 =	vmul.f32 v6, v63;
	_ =	sdelay $0x1  }
0x3f6: {  	v8 =	vmul.f32 v6, v61;
	_ =	sdelay $0x1  }
0x3f7: {  	v8 =	vsub.f32 $0.0e+00, v8;
	_ =	sdelay $0x1  }
0x3f8: {  	[tilespmem:v56+s19+$0x0] =	vst.idx.msk $0xffff, v8  }
0x3f9: {  	[tilespmem:v2+s20+$0x0] =	vst.idx.msk $0xffff, v8;
	v2 =	vld [tilespmem:$0x1FBD0];
	_ =	sdelay $0x4  }
0x3fa: {  	v7 =	vmul.f32 v6, v39;
	_ =	sdelay $0x1  }
0x3fb: {  	[tilespmem:v4+s19+$0x0] =	vst.idx.msk $0xffff, v7  }
0x3fc: {  	[tilespmem:v2+s20+$0x0] =	vst.idx.msk $0xffff, v7;
	v2 =	vld [tilespmem:$0x1FBE0];
	_ =	sdelay $0x2  }
0x3fd: {  	v10 =	vmul.f32 v6, v42;
	_ =	sdelay $0x1  }
0x3fe: {  	v46 =	vsub.f32 $0.0e+00, v10;
	_ =	sdelay $0x1  }
0x3ff: {  	[tilespmem:v3+s19+$0x0] =	vst.idx.msk $0xffff, v46  }
0x400: {  	[tilespmem:v2+s20+$0x0] =	vst.idx.msk $0xffff, v46;
	v2 =	vld [tilespmem:$0x1FBF0];
	_ =	sdelay $0x2  }
0x401: {  	v54 =	vmul.f32 v6, v45;
	v3 =	vmul.f32 v6, v44;
	_ =	sdelay $0x1  }
0x402: {  	v55 =	vsub.f32 $0.0e+00, v54;
	[tilespmem:v60+s19+$0x0] =	vst.idx.msk $0xffff, v3  }
0x403: {  	[tilespmem:v56+s20+$0x0] =	vst.idx.msk $0xffff, v3  }
0x404: {  	[tilespmem:v59+s19+$0x0] =	vst.idx.msk $0xffff, v55  }
0x405: {  	[tilespmem:v2+s20+$0x0] =	vst.idx.msk $0xffff, v55;
	v2 =	vld [tilespmem:$0x1FC00];
	_ =	sdelay $0x4  }
0x406: {  	v3 =	vmul.f32 v6, v12;
	_ =	sdelay $0x1  }
0x407: {  	[tilespmem:v58+s19+$0x0] =	vst.idx.msk $0xffff, v3  }
0x408: {  	[tilespmem:v2+s20+$0x0] =	vst.idx.msk $0xffff, v3;
	v2 =	vld [tilespmem:$0x1FC10];
	_ =	sdelay $0x2  }
0x409: {  	v60 =	vmul.f32 v6, v13;
	_ =	sdelay $0x1  }
0x40a: {  	v61 =	vsub.f32 $0.0e+00, v60;
	_ =	sdelay $0x1  }
0x40b: {  	[tilespmem:v57+s19+$0x0] =	vst.idx.msk $0xffff, v61  }
0x40c: {  	[tilespmem:v2+s20+$0x0] =	vst.idx.msk $0xffff, v61;
	v2 =	vld [tilespmem:$0x1FC20];
	_ =	sdelay $0x4  }
0x40d: {  	v3 =	vmul.f32 v6, v14  }
0x40e: {  	p0 =	seq.s32 s24, $0x1F000  }
.Ltmp6:
0x40f: {  	[tilespmem:v5+s19+$0x0] =	vst.idx.msk $0xffff, v3;
	(pc) =	sbr.rel @p0 .LBB2_10-.Ltmp6, $4  }
0x410: {  	s25 =	sadd.s32 $0x800, s25;
	[tilespmem:v2+s20+$0x0] =	vst.idx.msk $0xffff, v3  }
0x411: {  	[hbm4b:s25+s3] =	stream.linear.scatter [tilespmem:s19], [sflag:$0x4], $0x4000, $0x38;
	[tilespmem:$0x18080] =	vst v63  }
0x412: {  	s31 =	sadd.s32 $0x800, s26  }
0x413: {  	[hbm4b:s31+s3] =	stream.linear.scatter [tilespmem:s20], [sflag:$0x6], $0x4000, $0x38;
	[tilespmem:$0x18080] =	vst v63  }
.Ltmp7:
0x414: {  	(pc) =	sbr.rel .LBB2_4-.Ltmp7, $4  }
0x415: {  	_ = 	snop  }
0x416: {  	s25 =	sadd.s32 s24, s9  }
0x417: {  	s24 =	sadd.s32 $0x1000, s24;
	s25 =	sadd.s32 $0x1800, s25  }
0x418: {  	v19 =	vmov v15;
	[tilespmem:s12], [sflag:$0x2] =	stream.linear.gather [hbm4b:s25+s3], $0x4000, $0x38;
	[tilespmem:$0x18080] =	vst v63  }
.LBB2_11:
0x419: {  	_ =	sfence.sel $0x180000  }
0x41a: {  	[bflag:$0x0] =	sbarrier.arrive $0xFFFF  }
0x41b: {  	p0 =	sne.s32 s2, $0x0;
	_ =	strace $0x90000047  }
0x41c: {  	s0 =	sadd.s32 @!p0 $0x100000, s1;
	[bflag:$0x2] =	sbarrier.arrive $0xFFFF  }
0x41d: {  	[sflag:s0] =	ssyncadd.tile.s32 @!p0 $0x1;
	_ =	shalt  }
.Lfunc_end2:
_tile_overlayer_lowered:
.L_overlay_start_2:
0x41e: {  	(tag) =	ssettag $0x2  }
0x41f: {  	s0 =	rddreg [dreg:$0x0];
	s2 =	stileid.u32  }
0x420: {  	s1 =	rddreg [dreg:$0x1];
	p0 =	sne.s32 s2, $0x0  }
0x421: {  	s3 =	rddreg [dreg:$0x2];
	[bflag:$0x3] =	sbarrier.arrive $0xFFFF;
	s2 =	simm.s32 @!p0 $0x1C07  }
0x422: {  	[timem:s3], [sflag:s2] =	dma.local @!p0 [hbm:s0], s1  }
0x423: {  	s0 =	simm.s32 @!p0 $0x7  }
0x424: {  	_ =	swait.ge @!p0 [sflag:s0], s1  }
0x425: {  	s1 =	ssub.s32 @!p0 $0x0, s1;
	[sflag:s0] =	ssyncset.done @!p0 $0x0  }
0x426: {  	[sflag:s0] =	ssyncadd.s32 @!p0 s1  }
0x427: {  	[bflag:$0x3] =	sbarrier.arrive $0xFFFF  }
0x428: {  	_ =	shalt  }

</sc_bundles>
